<compile_context>
chip_gen: v7x
topology: tpu7x:2x2x1
jax: 0.10.2.dev20260603
libtpu: 0.0.44.dev20260713+nightly
codegen_flags: <defaults>
</compile_context>

<pallas_src>
import math

import numpy as np
import jax
import jax.numpy as jnp
from jax.experimental import pallas as pl
from jax.experimental.pallas import tpu as pltpu

FD = 128
NHD = 4
HD = FD // NHD
KN = 9
NPT = 2048
CHUNK = 256
NCH = NPT // CHUNK
EPS = 1e-5


def _stats(arrs, cnt):
    s = arrs[0].sum(axis=0, keepdims=True)
    for a in arrs[1:]:
        s = s + a.sum(axis=0, keepdims=True)
    m = s / cnt
    v = ((arrs[0] - m) ** 2).sum(axis=0, keepdims=True)
    for a in arrs[1:]:
        v = v + ((a - m) ** 2).sum(axis=0, keepdims=True)
    v = v / cnt
    return m, jax.lax.rsqrt(v + EPS)


def _split3(f):
    f0 = f.astype(jnp.bfloat16)
    r = f - f0.astype(jnp.float32)
    f1 = r.astype(jnp.bfloat16)
    f2 = (r - f1.astype(jnp.float32)).astype(jnp.bfloat16)
    return f0, f1, f2


def _gat(ohb, parts):
    g = jnp.dot(ohb, parts[0], preferred_element_type=jnp.float32)
    g = g + jnp.dot(ohb, parts[1], preferred_element_type=jnp.float32)
    g = g + jnp.dot(ohb, parts[2], preferred_element_type=jnp.float32)
    return g


def _relu(x):
    return jnp.maximum(x, 0.0)


def _leaky(x):
    return jnp.where(x >= 0, x, 0.2 * x)


def _self1_kernel(feats_ref, pts_ref, idx_ref, wa_ref, wb_ref, w1t_ref,
                  wga_ref, wgb_ref, x1_ref, fang_ref, x1o_ref,
                  ya0, ya1, ya2, yg0, yg1, yg2, vm_ref):
    fsp = _split3(feats_ref[0])
    psp = _split3(pts_ref[0])
    lane = jax.lax.broadcasted_iota(jnp.int32, (CHUNK, NPT), 1)
    yas = (ya0, ya1, ya2)
    ygs = (yg0, yg1, yg2)
    wga = wga_ref[...]

    def chunk_body(c, carry):
        s1, q1 = carry
        r0 = c * CHUNK
        idx_c = idx_ref[0, pl.ds(r0, CHUNK), :]
        fe = feats_ref[0, pl.ds(r0, CHUNK), :]
        pc = pts_ref[0, pl.ds(r0, CHUNK), :]
        acc = [jnp.zeros((CHUNK, FD), jnp.float32) for _ in range(3)]
        accg = [jnp.zeros((CHUNK, FD), jnp.float32) for _ in range(3)]
        vmax = jnp.full((CHUNK, FD), -jnp.inf, jnp.float32)
        for k in range(KN):
            j, t = k // 3, k % 3
            oh = (lane == idx_c[:, k:k + 1]).astype(jnp.bfloat16)
            nf = _gat(oh, fsp)
            nc = _gat(oh, psp)
            xk = jnp.concatenate([fe, nf - fe], axis=1)
            acc[j] = acc[j] + jnp.dot(xk, wa_ref[t],
                                      preferred_element_type=jnp.float32)
            v = jnp.dot(xk, w1t_ref[...], preferred_element_type=jnp.float32)
            vmax = jnp.maximum(vmax, v)
            s1 = s1 + jnp.sum(v, axis=0, keepdims=True)
            q1 = q1 + jnp.sum(v * v, axis=0, keepdims=True)
            dot = jnp.sum(pc * nc, axis=1, keepdims=True)
            den = jnp.sqrt(jnp.sum(pc * pc, axis=1, keepdims=True)) * \
                jnp.sqrt(jnp.sum(nc * nc, axis=1, keepdims=True))
            cos = dot / den
            accg[j] = accg[j] + cos * wga[t:t + 1, :]
        for j in range(3):
            yas[j][pl.ds(r0, CHUNK), :] = acc[j]
            ygs[j][pl.ds(r0, CHUNK), :] = accg[j]
        vm_ref[pl.ds(r0, CHUNK), :] = vmax
        return s1, q1

    s1, q1 = jax.lax.fori_loop(
        0, NCH, chunk_body,
        (jnp.zeros((1, FD), jnp.float32), jnp.zeros((1, FD), jnp.float32)))

    ya = [ya0[...], ya1[...], ya2[...]]
    m, r = _stats(ya, 3.0 * NPT)
    x1a = [_relu((a - m) * r) for a in ya]
    yb = jnp.dot(x1a[0], wb_ref[0], preferred_element_type=jnp.float32)
    for j in (1, 2):
        yb = yb + jnp.dot(x1a[j], wb_ref[j], preferred_element_type=jnp.float32)
    mb, rb = _stats([yb], float(NPT))
    x1_ref[0] = _relu((yb - mb) * rb)

    yg = [yg0[...], yg1[...], yg2[...]]
    mg, rg = _stats(yg, 3.0 * NPT)
    g1 = [_relu((a - mg) * rg) for a in yg]
    gb = jnp.dot(g1[0], wgb_ref[0], preferred_element_type=jnp.float32)
    for j in (1, 2):
        gb = gb + jnp.dot(g1[j], wgb_ref[j], preferred_element_type=jnp.float32)
    mgb, rgb = _stats([gb], float(NPT))
    fang_ref[0] = _relu((gb - mgb) * rgb)

    cnt = 9.0 * NPT
    mv = s1 / cnt
    rv = jax.lax.rsqrt(q1 / cnt - mv * mv + EPS)
    x1o_ref[0] = _leaky((vm_ref[...] - mv) * rv)


def _self2_kernel(x0_ref, x1_ref, x1o_ref, fang_ref, idx_ref, wa2_ref,
                  wb2_ref, w2t_ref, w3t_ref, w3ot_ref, out_ref,
                  ya0, ya1, ya2, vm_ref):
    x1 = x1_ref[0]
    x1o = x1o_ref[0]
    x1sp = _split3(x1)
    x1osp = _split3(x1o)
    lane = jax.lax.broadcasted_iota(jnp.int32, (CHUNK, NPT), 1)
    yas = (ya0, ya1, ya2)

    def chunk_body(c, carry):
        s2, q2 = carry
        r0 = c * CHUNK
        idx_c = idx_ref[0, pl.ds(r0, CHUNK), :]
        f1 = x1_ref[0, pl.ds(r0, CHUNK), :]
        f1o = x1o_ref[0, pl.ds(r0, CHUNK), :]
        acc = [jnp.zeros((CHUNK, FD), jnp.float32) for _ in range(3)]
        vmax = jnp.full((CHUNK, 2 * FD), -jnp.inf, jnp.float32)
        for k in range(KN):
            j, t = k // 3, k % 3
            oh = (lane == idx_c[:, k:k + 1]).astype(jnp.bfloat16)
            nf1 = _gat(oh, x1sp)
            nf1o = _gat(oh, x1osp)
            xk = jnp.concatenate([f1, nf1 - f1], axis=1)
            xko = jnp.concatenate([f1o, nf1o - f1o], axis=1)
            acc[j] = acc[j] + jnp.dot(xk, wa2_ref[t],
                                      preferred_element_type=jnp.float32)
            v = jnp.dot(xko, w2t_ref[...], preferred_element_type=jnp.float32)
            vmax = jnp.maximum(vmax, v)
            s2 = s2 + jnp.sum(v, axis=0, keepdims=True)
            q2 = q2 + jnp.sum(v * v, axis=0, keepdims=True)
        for j in range(3):
            yas[j][pl.ds(r0, CHUNK), :] = acc[j]
        vm_ref[pl.ds(r0, CHUNK), :] = vmax
        return s2, q2

    s2, q2 = jax.lax.fori_loop(
        0, NCH, chunk_body,
        (jnp.zeros((1, 2 * FD), jnp.float32),
         jnp.zeros((1, 2 * FD), jnp.float32)))

    ya = [ya0[...], ya1[...], ya2[...]]
    m, r = _stats(ya, 3.0 * NPT)
    x2a = [_relu((a - m) * r) for a in ya]
    yb = jnp.dot(x2a[0], wb2_ref[0], preferred_element_type=jnp.float32)
    for j in (1, 2):
        yb = yb + jnp.dot(x2a[j], wb2_ref[j], preferred_element_type=jnp.float32)
    mb, rb = _stats([yb], float(NPT))
    x2 = _relu((yb - mb) * rb)

    cnt = 9.0 * NPT
    mv = s2 / cnt
    rv = jax.lax.rsqrt(q2 / cnt - mv * mv + EPS)
    x2o = _leaky((vm_ref[...] - mv) * rv)

    x0 = x0_ref[0]
    fang = fang_ref[0]
    w3t = w3t_ref[...]
    a1 = x1 + fang
    a2 = x2 + fang
    z3 = jnp.dot(x0, w3t[:FD], preferred_element_type=jnp.float32)
    z3 = z3 + jnp.dot(a1, w3t[FD:2 * FD], preferred_element_type=jnp.float32)
    z3 = z3 + jnp.dot(a2, w3t[2 * FD:], preferred_element_type=jnp.float32)
    m3, r3 = _stats([z3], float(NPT))
    o3 = _leaky((z3 - m3) * r3)

    w3ot = w3ot_ref[...]
    z3o = jnp.dot(x0, w3ot[:FD], preferred_element_type=jnp.float32)
    z3o = z3o + jnp.dot(x1o, w3ot[FD:2 * FD],
                        preferred_element_type=jnp.float32)
    z3o = z3o + jnp.dot(x2o, w3ot[2 * FD:],
                        preferred_element_type=jnp.float32)
    m3o, r3o = _stats([z3o], float(NPT))
    out_ref[0] = o3 + _leaky((z3o - m3o) * r3o)


def _qkv_kernel(x_ref, w_ref, b_ref, o_ref):
    o_ref[0] = jnp.dot(x_ref[0], w_ref[...],
                       preferred_element_type=jnp.float32) + b_ref[...]


def _attn_kernel(q_ref, kv_ref, x_ref, wm_ref, bm_ref, w1_ref, y_ref, ps_ref):
    t = pl.program_id(1)
    q = q_ref[0]
    kv = kv_ref[0]
    scale = 1.0 / math.sqrt(HD)
    outs = []
    for h in range(NHD):
        qh = q[:, h * HD:(h + 1) * HD]
        kh = kv[:, FD + h * HD:FD + (h + 1) * HD]
        vh = kv[:, 2 * FD + h * HD:2 * FD + (h + 1) * HD]
        s = jax.lax.dot_general(qh, kh, (((1,), (1,)), ((), ())),
                                preferred_element_type=jnp.float32) * scale
        s = s - jnp.max(s, axis=1, keepdims=True)
        p = jnp.exp(s)
        p = p / jnp.sum(p, axis=1, keepdims=True)
        outs.append(jnp.dot(p, vh, preferred_element_type=jnp.float32))
    att = jnp.concatenate(outs, axis=1)
    msg = jnp.dot(att, wm_ref[...],
                  preferred_element_type=jnp.float32) + bm_ref[...]
    x = x_ref[0]
    w1 = w1_ref[...]
    y = jnp.dot(x, w1[:FD], preferred_element_type=jnp.float32) + \
        jnp.dot(msg, w1[FD:], preferred_element_type=jnp.float32)
    y_ref[0] = y

    @pl.when(t == 0)
    def _():
        ps_ref[0] = jnp.zeros((2, 2 * FD), jnp.float32)

    ps_ref[0, 0:1, :] += jnp.sum(y, axis=0, keepdims=True)
    ps_ref[0, 1:2, :] += jnp.sum(y * y, axis=0, keepdims=True)


def _final_kernel(y_ref, st_ref, x_ref, w2_ref, b2_ref, o_ref):
    m = st_ref[0, 0:1, :]
    r = st_ref[0, 1:2, :]
    h = _relu((y_ref[0] - m) * r)
    o_ref[0] = x_ref[0] + jnp.dot(h, w2_ref[...],
                                  preferred_element_type=jnp.float32) + b2_ref[...]


def _w3(w):
    return jnp.transpose(w[:, :, 0, :], (2, 1, 0))


def kernel(coords0, coords1, desc0, desc1, params):
    p = params
    f32 = jnp.float32
    pts = jnp.concatenate([jnp.swapaxes(coords0, 1, 2),
                           jnp.swapaxes(coords1, 1, 2)], axis=0)
    feats = jnp.concatenate([jnp.swapaxes(desc0, 1, 2),
                             jnp.swapaxes(desc1, 1, 2)], axis=0)

    wa1 = _w3(p['sa_ac1a_w'])
    wb1 = _w3(p['sa_ac1b_w'])
    wga = jnp.transpose(p['sa_anga_w'][:, 0, 0, :])
    wgb = _w3(p['sa_angb_w'])
    wa2 = _w3(p['sa_ac2a_w'])
    wb2 = _w3(p['sa_ac2b_w'])
    w1t = jnp.transpose(p['sa_conv1_w'])
    w2t = jnp.transpose(p['sa_conv2_w'])
    w3t = jnp.transpose(p['sa_conv3_w'])
    w3ot = jnp.transpose(p['sa_conv3o_w'])

    perm = np.arange(FD).reshape(HD, NHD).T.reshape(FD)
    wqkv = jnp.concatenate([jnp.transpose(p['ap_q_w'])[:, perm],
                            jnp.transpose(p['ap_k_w'])[:, perm],
                            jnp.transpose(p['ap_v_w'])[:, perm]], axis=1)
    bqkv = jnp.concatenate([p['ap_q_b'][perm], p['ap_k_b'][perm],
                            p['ap_v_b'][perm]]).reshape(1, 3 * FD)
    wm = jnp.transpose(p['ap_m_w'])[perm, :]
    bm = p['ap_m_b'].reshape(1, FD)
    wmlp1t = jnp.transpose(p['ap_mlp1_w'])
    wmlp2t = jnp.transpose(p['ap_mlp2_w'])
    bmlp2 = p['ap_mlp2_b'].reshape(1, FD)

    whole = lambda a: pl.BlockSpec(a.shape, lambda *ix: (0,) * a.ndim)

    def _knn(c):
        q = jnp.swapaxes(c, 1, 2)
        d = -2.0 * jnp.matmul(q, jnp.swapaxes(q, 1, 2))
        n2 = jnp.sum(q ** 2, axis=-1)
        d = jnp.clip(d + n2[:, :, None] + n2[:, None, :], 1e-12, None)
        _, idx = jax.lax.top_k(-d, KN + 1)
        return idx[:, :, 1:]

    idx9 = jnp.concatenate([_knn(coords0), _knn(coords1)], axis=0)

    sN = lambda last: pl.BlockSpec((1, NPT, last), lambda s: (s, 0, 0))
    vmem = pltpu.VMEM
    x1, fang, x1o = pl.pallas_call(
        _self1_kernel,
        grid=(4,),
        in_specs=[sN(FD), sN(2), sN(KN), whole(wa1), whole(wb1), whole(w1t),
                  whole(wga), whole(wgb)],
        out_specs=[sN(FD), sN(FD), sN(FD)],
        out_shape=[jax.ShapeDtypeStruct((4, NPT, FD), f32)] * 3,
        scratch_shapes=[vmem((NPT, FD), f32)] * 7,
    )(feats, pts, idx9, wa1, wb1, w1t, wga, wgb)

    sa = pl.pallas_call(
        _self2_kernel,
        grid=(4,),
        in_specs=[sN(FD), sN(FD), sN(FD), sN(FD), sN(KN), whole(wa2),
                  whole(wb2), whole(w2t), whole(w3t), whole(w3ot)],
        out_specs=sN(FD),
        out_shape=jax.ShapeDtypeStruct((4, NPT, FD), f32),
        scratch_shapes=[vmem((NPT, FD), f32)] * 3 + [vmem((NPT, 2 * FD), f32)],
    )(feats, x1, x1o, fang, idx9, wa2, wb2, w2t, w3t, w3ot)

    qkv = pl.pallas_call(
        _qkv_kernel,
        grid=(4, NCH),
        in_specs=[pl.BlockSpec((1, CHUNK, FD), lambda s, t: (s, t, 0)),
                  whole(wqkv), whole(bqkv)],
        out_specs=pl.BlockSpec((1, CHUNK, 3 * FD), lambda s, t: (s, t, 0)),
        out_shape=jax.ShapeDtypeStruct((4, NPT, 3 * FD), f32),
    )(sa, wqkv, bqkv)

    y, ps = pl.pallas_call(
        _attn_kernel,
        grid=(4, NCH),
        in_specs=[pl.BlockSpec((1, CHUNK, 3 * FD), lambda s, t: (s, t, 0)),
                  pl.BlockSpec((1, NPT, 3 * FD), lambda s, t: ((s + 2) % 4, 0, 0)),
                  pl.BlockSpec((1, CHUNK, FD), lambda s, t: (s, t, 0)),
                  whole(wm), whole(bm), whole(wmlp1t)],
        out_specs=[pl.BlockSpec((1, CHUNK, 2 * FD), lambda s, t: (s, t, 0)),
                   pl.BlockSpec((1, 2, 2 * FD), lambda s, t: (s, 0, 0))],
        out_shape=[jax.ShapeDtypeStruct((4, NPT, 2 * FD), f32),
                   jax.ShapeDtypeStruct((4, 2, 2 * FD), f32)],
    )(qkv, qkv, sa, wm, bm, wmlp1t)

    mean = ps[:, 0:1, :] / NPT
    rstd = jax.lax.rsqrt(ps[:, 1:2, :] / NPT - mean * mean + EPS)
    st = jnp.concatenate([mean, rstd], axis=1)

    out = pl.pallas_call(
        _final_kernel,
        grid=(4, NCH),
        in_specs=[pl.BlockSpec((1, CHUNK, 2 * FD), lambda s, t: (s, t, 0)),
                  pl.BlockSpec((1, 2, 2 * FD), lambda s, t: (s, 0, 0)),
                  pl.BlockSpec((1, CHUNK, FD), lambda s, t: (s, t, 0)),
                  whole(wmlp2t), whole(bmlp2)],
        out_specs=pl.BlockSpec((1, CHUNK, FD), lambda s, t: (s, t, 0)),
        out_shape=jax.ShapeDtypeStruct((4, NPT, FD), f32),
    )(y, st, sa, wmlp2t, bmlp2)

    out_t = jnp.swapaxes(out, 1, 2)
    return out_t[0:2], out_t[2:4]

# --- scband reference (transcript-rebuilt; emitter-appended) ---
"""Pipeline reference for scband-scattention-33105607918052 (READ-ONLY COPY).

The authoritative reference and input builder live on the scoring server;
editing this copy changes nothing except your own understanding.
"""

import jax, jax.numpy as jnp
import numpy as np

FDIM = 128
NH = 4
K = 9

def _n(key, i, shape):
    return jax.random.normal(jax.random.fold_in(key, i), shape, dtype=jnp.float32) * 0.05

def make_params(key):
    C = FDIM
    p = {}
    p['sa_conv1_w'] = _n(key, 10, (C, 2 * C))
    p['sa_conv2_w'] = _n(key, 11, (2 * C, 2 * C))
    p['sa_conv3_w'] = _n(key, 12, (C, 3 * C))
    p['sa_conv3o_w'] = _n(key, 13, (C, 4 * C))
    p['sa_ac1a_w'] = _n(key, 14, (C, 2 * C, 1, 3)); p['sa_ac1a_b'] = _n(key, 15, (C,))
    p['sa_ac1b_w'] = _n(key, 16, (C, C, 1, 3)); p['sa_ac1b_b'] = _n(key, 17, (C,))
    p['sa_ac2a_w'] = _n(key, 18, (C, 2 * C, 1, 3)); p['sa_ac2a_b'] = _n(key, 19, (C,))
    p['sa_ac2b_w'] = _n(key, 20, (C, C, 1, 3)); p['sa_ac2b_b'] = _n(key, 21, (C,))
    p['sa_anga_w'] = _n(key, 22, (C, 1, 1, 3)); p['sa_anga_b'] = _n(key, 23, (C,))
    p['sa_angb_w'] = _n(key, 24, (C, C, 1, 3)); p['sa_angb_b'] = _n(key, 25, (C,))
    p['ap_q_w'] = _n(key, 30, (C, C)); p['ap_q_b'] = _n(key, 31, (C,))
    p['ap_k_w'] = _n(key, 32, (C, C)); p['ap_k_b'] = _n(key, 33, (C,))
    p['ap_v_w'] = _n(key, 34, (C, C)); p['ap_v_b'] = _n(key, 35, (C,))
    p['ap_m_w'] = _n(key, 36, (C, C)); p['ap_m_b'] = _n(key, 37, (C,))
    p['ap_mlp1_w'] = _n(key, 38, (2 * C, 2 * C)); p['ap_mlp1_b'] = _n(key, 39, (2 * C,))
    p['ap_mlp2_w'] = _n(key, 40, (C, 2 * C)); p['ap_mlp2_b'] = _n(key, 41, (C,))
    return p

def setup_inputs(seed: int = 0):
    key = jax.random.key(seed)
    B, N, C = 2, 2048, FDIM
    coords0 = jax.random.normal(jax.random.fold_in(key, 0), (B, 2, N), dtype=jnp.float32)
    coords1 = jax.random.normal(jax.random.fold_in(key, 1), (B, 2, N), dtype=jnp.float32)
    desc0 = jax.random.normal(jax.random.fold_in(key, 2), (B, C, N), dtype=jnp.float32)
    desc1 = jax.random.normal(jax.random.fold_in(key, 3), (B, C, N), dtype=jnp.float32)
    return {'coords0': coords0, 'coords1': coords1, 'desc0': desc0, 'desc1': desc1, 'params': make_params(key)}

def inorm(x, eps=1e-5):
    axes = tuple(range(2, x.ndim))
    m = jnp.mean(x, axis=axes, keepdims=True)
    v = jnp.var(x, axis=axes, keepdims=True)
    return (x - m) / jnp.sqrt(v + eps)

def conv1x1_1d(x, w, b):
    return jnp.einsum('oi,bin->bon', w, x) + b[None, :, None]

def conv1x1_2d(x, w):
    return jnp.einsum('oi,binm->bonm', w, x)

def conv2d_1x3(x, w, b, stride):
    y = jax.lax.conv_general_dilated(x, w, (1, stride), 'VALID', dimension_numbers=('NCHW', 'OIHW', 'NCHW'))
    return y + b[None, :, None, None]

def seqconv(x, wa, ba, wb, bb):
    y = jax.nn.relu(inorm(conv2d_1x3(x, wa, ba, 3)))
    y = jax.nn.relu(inorm(conv2d_1x3(y, wb, bb, 1)))
    return y

def sqdist(src, dst):
    d = -2.0 * jnp.matmul(src, jnp.swapaxes(dst, 1, 2))
    d = d + jnp.sum(src ** 2, axis=-1)[:, :, None] + jnp.sum(dst ** 2, axis=-1)[:, None, :]
    return jnp.clip(d, 1e-12, None)

def graph_feature(coords, feats, k):
    B, C, N = feats.shape
    k = min(k, N - 1)
    pts = jnp.swapaxes(coords, 1, 2)
    dist = sqdist(pts, pts)
    _, idx = jax.lax.top_k(-dist, k + 1)
    idx = idx[:, :, 1:]
    nf = jax.vmap(lambda f, i: f[:, i])(feats, idx)
    fe = jnp.broadcast_to(feats[..., None], (B, C, N, k))
    return jnp.concatenate([fe, nf - fe], axis=1), idx

def cos_sim(a, b):
    dot = jnp.sum(a * b, axis=1)
    na = jnp.linalg.norm(a, axis=1)
    nb = jnp.linalg.norm(b, axis=1)
    return (dot / (na * nb))[:, None]

def self_attention(coords, feats, p):
    B, C, N = feats.shape
    k = K
    x0 = feats[..., None]
    x1_old, ind1 = graph_feature(coords, feats, k)
    x1 = seqconv(x1_old, p['sa_ac1a_w'], p['sa_ac1a_b'], p['sa_ac1b_w'], p['sa_ac1b_b'])
    nei1 = jax.vmap(lambda c, i: c[:, i])(coords, ind1)
    a = jnp.broadcast_to(coords[..., None], (B, coords.shape[1], N, k))
    f_ang1 = seqconv(cos_sim(a, nei1), p['sa_anga_w'], p['sa_anga_b'], p['sa_angb_w'], p['sa_angb_b'])
    x2f, ind2 = graph_feature(coords, x1[..., 0], k)
    x2 = seqconv(x2f, p['sa_ac2a_w'], p['sa_ac2a_b'], p['sa_ac2b_w'], p['sa_ac2b_b'])
    nei2 = jax.vmap(lambda c, i: c[:, i])(coords, ind2)
    f_ang2 = seqconv(cos_sim(a, nei2), p['sa_anga_w'], p['sa_anga_b'], p['sa_angb_w'], p['sa_angb_b'])
    x3 = jnp.concatenate([x0, x1 + f_ang1, x2 + f_ang2], axis=1)
    x3 = jax.nn.leaky_relu(inorm(conv1x1_2d(x3, p['sa_conv3_w'])), 0.2).reshape(B, -1, N)
    x1o = jax.nn.leaky_relu(inorm(conv1x1_2d(x1_old, p['sa_conv1_w'])), 0.2)
    x1o = jnp.max(x1o, axis=-1, keepdims=True)
    x2o, _ = graph_feature(coords, x1o[..., 0], k)
    x2o = jax.nn.leaky_relu(inorm(conv1x1_2d(x2o, p['sa_conv2_w'])), 0.2)
    x2o = jnp.max(x2o, axis=-1, keepdims=True)
    x3o = jnp.concatenate([x0, x1o, x2o], axis=1)
    x3o = jax.nn.leaky_relu(inorm(conv1x1_2d(x3o, p['sa_conv3o_w'])), 0.2).reshape(B, -1, N)
    return x3 + x3o

def mha(q_in, k_in, v_in, p):
    B = q_in.shape[0]
    d = FDIM // NH
    q = conv1x1_1d(q_in, p['ap_q_w'], p['ap_q_b']).reshape(B, d, NH, -1)
    kk = conv1x1_1d(k_in, p['ap_k_w'], p['ap_k_b']).reshape(B, d, NH, -1)
    v = conv1x1_1d(v_in, p['ap_v_w'], p['ap_v_b']).reshape(B, d, NH, -1)
    scores = jnp.einsum('bdhn,bdhm->bhnm', q, kk) / (d ** 0.5)
    prob = jax.nn.softmax(scores, axis=-1)
    x = jnp.einsum('bhnm,bdhm->bdhn', prob, v)
    return conv1x1_1d(x.reshape(B, d * NH, -1), p['ap_m_w'], p['ap_m_b'])

def att_prop(x, source, p):
    msg = mha(x, source, source, p)
    y = jnp.concatenate([x, msg], axis=1)
    y = conv1x1_1d(y, p['ap_mlp1_w'], p['ap_mlp1_b'])
    y = jax.nn.relu(inorm(y))
    return conv1x1_1d(y, p['ap_mlp2_w'], p['ap_mlp2_b'])

def reference(coords0, coords1, desc0, desc1, params):
    for name in ('self', 'cross'):
        if name == 'self':
            desc0 = self_attention(coords0, desc0, params)
            desc1 = self_attention(coords1, desc1, params)
        else:
            delta0 = att_prop(desc0, desc1, params)
            delta1 = att_prop(desc1, desc0, params)
            desc0 = desc0 + delta0
            desc1 = desc1 + delta1
    return desc0, desc1

if __name__ == "__main__":
    import jax
    _d = setup_inputs()
    print(jax.jit(kernel)(*tuple(_d.values())))

</pallas_src>

<mosaic_0001>
module attributes {stable_mosaic.version = 14 : i64} {
  func.func @_self1_kernel(%arg0: i32, %arg1: memref<1x2048x128xf32, #tpu.memory_space<vmem>>, %arg2: memref<1x2048x2xf32, #tpu.memory_space<vmem>>, %arg3: memref<1x2048x9xi32, #tpu.memory_space<vmem>>, %arg4: memref<3x256x128xf32, #tpu.memory_space<vmem>>, %arg5: memref<3x128x128xf32, #tpu.memory_space<vmem>>, %arg6: memref<256x128xf32, #tpu.memory_space<vmem>>, %arg7: memref<3x128xf32, #tpu.memory_space<vmem>>, %arg8: memref<3x128x128xf32, #tpu.memory_space<vmem>>, %arg9: memref<1x2048x128xf32, #tpu.memory_space<vmem>>, %arg10: memref<1x2048x128xf32, #tpu.memory_space<vmem>>, %arg11: memref<1x2048x128xf32, #tpu.memory_space<vmem>>, %arg12: memref<2048x128xf32, #tpu.memory_space<vmem>>, %arg13: memref<2048x128xf32, #tpu.memory_space<vmem>>, %arg14: memref<2048x128xf32, #tpu.memory_space<vmem>>, %arg15: memref<2048x128xf32, #tpu.memory_space<vmem>>, %arg16: memref<2048x128xf32, #tpu.memory_space<vmem>>, %arg17: memref<2048x128xf32, #tpu.memory_space<vmem>>, %arg18: memref<2048x128xf32, #tpu.memory_space<vmem>>) attributes {dimension_semantics = [#tpu.dimension_semantics<arbitrary>], iteration_bounds = array<i64: 4>, scalar_prefetch = 0 : i64, scratch_operands = 7 : i64, tpu.core_type = #tpu.core_type<tc>, window_params = [{transform_indices = @transform_0, window_bounds = array<i64: 1, 2048, 128>}, {transform_indices = @transform_1, window_bounds = array<i64: 1, 2048, 2>}, {transform_indices = @transform_2, window_bounds = array<i64: 1, 2048, 9>}, {pipeline_mode = #tpu.pipeline_mode<synchronous>, transform_indices = @transform_3, window_bounds = array<i64: 3, 256, 128>}, {pipeline_mode = #tpu.pipeline_mode<synchronous>, transform_indices = @transform_4, window_bounds = array<i64: 3, 128, 128>}, {pipeline_mode = #tpu.pipeline_mode<synchronous>, transform_indices = @transform_5, window_bounds = array<i64: 256, 128>}, {pipeline_mode = #tpu.pipeline_mode<synchronous>, transform_indices = @transform_6, window_bounds = array<i64: 3, 128>}, {pipeline_mode = #tpu.pipeline_mode<synchronous>, transform_indices = @transform_7, window_bounds = array<i64: 3, 128, 128>}, {transform_indices = @transform_8, window_bounds = array<i64: 1, 2048, 128>}, {transform_indices = @transform_9, window_bounds = array<i64: 1, 2048, 128>}, {transform_indices = @transform_10, window_bounds = array<i64: 1, 2048, 128>}]} {
    %get3A = arith.constant 0 : index
    %get3A_0 = arith.constant 0 : index
    %get3A_1 = arith.constant 0 : index
    %get3A_2 = vector.load %arg1[%get3A, %get3A_0, %get3A_1] : memref<1x2048x128xf32, #tpu.memory_space<vmem>>, vector<1x2048x128xf32>
    %get3A_3 = vector.shape_cast %get3A_2 : vector<1x2048x128xf32> to vector<2048x128xf32>
    %convert_element_type3A = arith.truncf %get3A_3 : vector<2048x128xf32> to vector<2048x128xbf16>
    %convert_element_type3A_4 = arith.extf %convert_element_type3A : vector<2048x128xbf16> to vector<2048x128xf32>
    %sub3A = arith.subf %get3A_3, %convert_element_type3A_4 : vector<2048x128xf32>
    %convert_element_type3A_5 = arith.truncf %sub3A : vector<2048x128xf32> to vector<2048x128xbf16>
    %convert_element_type3A_6 = arith.extf %convert_element_type3A_5 : vector<2048x128xbf16> to vector<2048x128xf32>
    %sub3A_7 = arith.subf %sub3A, %convert_element_type3A_6 : vector<2048x128xf32>
    %convert_element_type3A_8 = arith.truncf %sub3A_7 : vector<2048x128xf32> to vector<2048x128xbf16>
    %get3A_9 = arith.constant 0 : index
    %get3A_10 = arith.constant 0 : index
    %get3A_11 = arith.constant 0 : index
    %get3A_12 = vector.load %arg2[%get3A_9, %get3A_10, %get3A_11] : memref<1x2048x2xf32, #tpu.memory_space<vmem>>, vector<1x2048x2xf32>
    %get3A_13 = vector.shape_cast %get3A_12 : vector<1x2048x2xf32> to vector<2048x2xf32>
    %convert_element_type3A_14 = arith.truncf %get3A_13 : vector<2048x2xf32> to vector<2048x2xbf16>
    %convert_element_type3A_15 = arith.extf %convert_element_type3A_14 : vector<2048x2xbf16> to vector<2048x2xf32>
    %sub3A_16 = arith.subf %get3A_13, %convert_element_type3A_15 : vector<2048x2xf32>
    %convert_element_type3A_17 = arith.truncf %sub3A_16 : vector<2048x2xf32> to vector<2048x2xbf16>
    %convert_element_type3A_18 = arith.extf %convert_element_type3A_17 : vector<2048x2xbf16> to vector<2048x2xf32>
    %sub3A_19 = arith.subf %sub3A_16, %convert_element_type3A_18 : vector<2048x2xf32>
    %convert_element_type3A_20 = arith.truncf %sub3A_19 : vector<2048x2xf32> to vector<2048x2xbf16>
    %iota3A = tpu.iota {dimensions = array<i32: 1>} : vector<256x2048xi32>
    %get3A_21 = arith.constant 0 : index
    %get3A_22 = arith.constant 0 : index
    %get3A_23 = vector.load %arg7[%get3A_21, %get3A_22] : memref<3x128xf32, #tpu.memory_space<vmem>>, vector<3x128xf32>
    %broadcast_in_dim3A = arith.constant 0.000000e+00 : f32
    %broadcast_in_dim3A_24 = vector.broadcast %broadcast_in_dim3A : f32 to vector<1x128xf32>
    %broadcast_in_dim3A_25 = arith.constant 0.000000e+00 : f32
    %broadcast_in_dim3A_26 = vector.broadcast %broadcast_in_dim3A_25 : f32 to vector<1x128xf32>
    %scan3A = arith.constant 0 : i32
    %scan3A_27 = arith.constant 8 : i32
    %scan3A_28 = arith.addi %scan3A, %scan3A_27 : i32
    %scan3A_29 = arith.constant 1 : i32
    %scan3A_30:2 = scf.for %scan3A_305 = %scan3A to %scan3A_28 step %scan3A_29 iter_args(%scan3A_306 = %broadcast_in_dim3A_24, %scan3A_307 = %broadcast_in_dim3A_26) -> (vector<1x128xf32>, vector<1x128xf32>)  : i32 {
      %mul3A_308 = arith.constant 256 : i32
      %mul3A_309 = arith.muli %scan3A_305, %mul3A_308 : i32
      %get3A_310 = arith.constant 0 : index
      %get3A_311 = arith.index_cast %mul3A_309 : i32 to index
      %get3A_312 = arith.constant 0 : index
      %get3A_313 = vector.load %arg3[%get3A_310, %get3A_311, %get3A_312] : memref<1x2048x9xi32, #tpu.memory_space<vmem>>, vector<1x256x9xi32>
      %get3A_314 = vector.shape_cast %get3A_313 : vector<1x256x9xi32> to vector<256x9xi32>
      %get3A_315 = arith.constant 0 : index
      %get3A_316 = arith.index_cast %mul3A_309 : i32 to index
      %get3A_317 = arith.constant 0 : index
      %get3A_318 = vector.load %arg1[%get3A_315, %get3A_316, %get3A_317] : memref<1x2048x128xf32, #tpu.memory_space<vmem>>, vector<1x256x128xf32>
      %get3A_319 = vector.shape_cast %get3A_318 : vector<1x256x128xf32> to vector<256x128xf32>
      %get3A_320 = arith.constant 0 : index
      %get3A_321 = arith.index_cast %mul3A_309 : i32 to index
      %get3A_322 = arith.constant 0 : index
      %get3A_323 = vector.load %arg2[%get3A_320, %get3A_321, %get3A_322] : memref<1x2048x2xf32, #tpu.memory_space<vmem>>, vector<1x256x2xf32>
      %get3A_324 = vector.shape_cast %get3A_323 : vector<1x256x2xf32> to vector<256x2xf32>
      %broadcast_in_dim3A_325 = arith.constant 0.000000e+00 : f32
      %broadcast_in_dim3A_326 = vector.broadcast %broadcast_in_dim3A_325 : f32 to vector<256x128xf32>
      %broadcast_in_dim3A_327 = arith.constant 0.000000e+00 : f32
      %broadcast_in_dim3A_328 = vector.broadcast %broadcast_in_dim3A_327 : f32 to vector<256x128xf32>
      %broadcast_in_dim3A_329 = arith.constant 0.000000e+00 : f32
      %broadcast_in_dim3A_330 = vector.broadcast %broadcast_in_dim3A_329 : f32 to vector<256x128xf32>
      %broadcast_in_dim3A_331 = arith.constant 0.000000e+00 : f32
      %broadcast_in_dim3A_332 = vector.broadcast %broadcast_in_dim3A_331 : f32 to vector<256x128xf32>
      %broadcast_in_dim3A_333 = arith.constant 0.000000e+00 : f32
      %broadcast_in_dim3A_334 = vector.broadcast %broadcast_in_dim3A_333 : f32 to vector<256x128xf32>
      %broadcast_in_dim3A_335 = arith.constant 0.000000e+00 : f32
      %broadcast_in_dim3A_336 = vector.broadcast %broadcast_in_dim3A_335 : f32 to vector<256x128xf32>
      %broadcast_in_dim3A_337 = arith.constant 0xFF800000 : f32
      %broadcast_in_dim3A_338 = vector.broadcast %broadcast_in_dim3A_337 : f32 to vector<256x128xf32>
      %slice3A = vector.extract_strided_slice %get3A_314 {offsets = [0, 0], sizes = [256, 1], strides = [1, 1]} : vector<256x9xi32> to vector<256x1xi32>
      %eq3A = vector.broadcast %slice3A : vector<256x1xi32> to vector<256x2048xi32>
      %eq3A_339 = arith.cmpi eq, %iota3A, %eq3A : vector<256x2048xi32>
      %convert_element_type3A_340 = arith.extui %eq3A_339 : vector<256x2048xi1> to vector<256x2048xi32>
      %convert_element_type3A_341 = arith.sitofp %convert_element_type3A_340 : vector<256x2048xi32> to vector<256x2048xf32>
      %convert_element_type3A_342 = arith.truncf %convert_element_type3A_341 : vector<256x2048xf32> to vector<256x2048xbf16>
      %dot_general3A_343 = arith.constant dense<0.000000e+00> : vector<256x128xf32>
      %dot_general3A_344 = tpu.matmul %convert_element_type3A_342, %convert_element_type3A, %dot_general3A_343 {dimension_numbers = #tpu.dot_dimension_numbers<[1], [0], [0], [1], [0, 0, 1, 1], [], []>, transpose_lhs_hint = false} : vector<256x2048xbf16>, vector<2048x128xbf16>, vector<256x128xf32> -> vector<256x128xf32>
      %dot_general3A_345 = arith.constant dense<0.000000e+00> : vector<256x128xf32>
      %dot_general3A_346 = tpu.matmul %convert_element_type3A_342, %convert_element_type3A_5, %dot_general3A_345 {dimension_numbers = #tpu.dot_dimension_numbers<[1], [0], [0], [1], [0, 0, 1, 1], [], []>, transpose_lhs_hint = false} : vector<256x2048xbf16>, vector<2048x128xbf16>, vector<256x128xf32> -> vector<256x128xf32>
      %add3A_347 = arith.addf %dot_general3A_344, %dot_general3A_346 : vector<256x128xf32>
      %dot_general3A_348 = arith.constant dense<0.000000e+00> : vector<256x128xf32>
      %dot_general3A_349 = tpu.matmul %convert_element_type3A_342, %convert_element_type3A_8, %dot_general3A_348 {dimension_numbers = #tpu.dot_dimension_numbers<[1], [0], [0], [1], [0, 0, 1, 1], [], []>, transpose_lhs_hint = false} : vector<256x2048xbf16>, vector<2048x128xbf16>, vector<256x128xf32> -> vector<256x128xf32>
      %add3A_350 = arith.addf %add3A_347, %dot_general3A_349 : vector<256x128xf32>
      %dot_general3A_351 = arith.constant dense<0.000000e+00> : vector<256x2xf32>
      %dot_general3A_352 = tpu.matmul %convert_element_type3A_342, %convert_element_type3A_14, %dot_general3A_351 {dimension_numbers = #tpu.dot_dimension_numbers<[1], [0], [0], [1], [0, 0, 1, 1], [], []>, transpose_lhs_hint = false} : vector<256x2048xbf16>, vector<2048x2xbf16>, vector<256x2xf32> -> vector<256x2xf32>
      %dot_general3A_353 = arith.constant dense<0.000000e+00> : vector<256x2xf32>
      %dot_general3A_354 = tpu.matmul %convert_element_type3A_342, %convert_element_type3A_17, %dot_general3A_353 {dimension_numbers = #tpu.dot_dimension_numbers<[1], [0], [0], [1], [0, 0, 1, 1], [], []>, transpose_lhs_hint = false} : vector<256x2048xbf16>, vector<2048x2xbf16>, vector<256x2xf32> -> vector<256x2xf32>
      %add3A_355 = arith.addf %dot_general3A_352, %dot_general3A_354 : vector<256x2xf32>
      %dot_general3A_356 = arith.constant dense<0.000000e+00> : vector<256x2xf32>
      %dot_general3A_357 = tpu.matmul %convert_element_type3A_342, %convert_element_type3A_20, %dot_general3A_356 {dimension_numbers = #tpu.dot_dimension_numbers<[1], [0], [0], [1], [0, 0, 1, 1], [], []>, transpose_lhs_hint = false} : vector<256x2048xbf16>, vector<2048x2xbf16>, vector<256x2xf32> -> vector<256x2xf32>
      %add3A_358 = arith.addf %add3A_355, %dot_general3A_357 : vector<256x2xf32>
      %sub3A_359 = arith.subf %add3A_350, %get3A_319 : vector<256x128xf32>
      %concatenate3A = tpu.concatenate %get3A_319, %sub3A_359 in 1 : vector<256x128xf32>, vector<256x128xf32> -> vector<256x256xf32>
      %get3A_360 = arith.constant 0 : index
      %get3A_361 = arith.constant 0 : index
      %get3A_362 = arith.constant 0 : index
      %get3A_363 = vector.load %arg4[%get3A_360, %get3A_361, %get3A_362] : memref<3x256x128xf32, #tpu.memory_space<vmem>>, vector<1x256x128xf32>
      %get3A_364 = vector.shape_cast %get3A_363 : vector<1x256x128xf32> to vector<256x128xf32>
      %dot_general3A_365 = arith.constant dense<0.000000e+00> : vector<256x128xf32>
      %dot_general3A_366 = tpu.matmul %concatenate3A, %get3A_364, %dot_general3A_365 {dimension_numbers = #tpu.dot_dimension_numbers<[1], [0], [0], [1], [0, 0, 1, 1], [], []>, transpose_lhs_hint = false} : vector<256x256xf32>, vector<256x128xf32>, vector<256x128xf32> -> vector<256x128xf32>
      %add3A_367 = arith.addf %broadcast_in_dim3A_326, %dot_general3A_366 : vector<256x128xf32>
      %get3A_368 = arith.constant 0 : index
      %get3A_369 = arith.constant 0 : index
      %get3A_370 = vector.load %arg6[%get3A_368, %get3A_369] : memref<256x128xf32, #tpu.memory_space<vmem>>, vector<256x128xf32>
      %dot_general3A_371 = arith.constant dense<0.000000e+00> : vector<256x128xf32>
      %dot_general3A_372 = tpu.matmul %concatenate3A, %get3A_370, %dot_general3A_371 {dimension_numbers = #tpu.dot_dimension_numbers<[1], [0], [0], [1], [0, 0, 1, 1], [], []>, transpose_lhs_hint = false} : vector<256x256xf32>, vector<256x128xf32>, vector<256x128xf32> -> vector<256x128xf32>
      %max3A_373 = arith.maximumf %broadcast_in_dim3A_338, %dot_general3A_372 : vector<256x128xf32>
      %reduce_sum3A_374 = arith.constant dense<0.000000e+00> : vector<128xf32>
      %reduce_sum3A_375 = vector.multi_reduction <add>, %dot_general3A_372, %reduce_sum3A_374 [0] : vector<256x128xf32> to vector<128xf32>
      %broadcast_in_dim3A_376 = vector.shape_cast %reduce_sum3A_375 : vector<128xf32> to vector<1x128xf32>
      %add3A_377 = arith.addf %scan3A_306, %broadcast_in_dim3A_376 : vector<1x128xf32>
      %mul3A_378 = arith.mulf %dot_general3A_372, %dot_general3A_372 : vector<256x128xf32>
      %reduce_sum3A_379 = arith.constant dense<0.000000e+00> : vector<128xf32>
      %reduce_sum3A_380 = vector.multi_reduction <add>, %mul3A_378, %reduce_sum3A_379 [0] : vector<256x128xf32> to vector<128xf32>
      %broadcast_in_dim3A_381 = vector.shape_cast %reduce_sum3A_380 : vector<128xf32> to vector<1x128xf32>
      %add3A_382 = arith.addf %scan3A_307, %broadcast_in_dim3A_381 : vector<1x128xf32>
      %mul3A_383 = arith.mulf %get3A_324, %add3A_358 : vector<256x2xf32>
      %reduce_sum3A_384 = arith.constant dense<0.000000e+00> : vector<256xf32>
      %reduce_sum3A_385 = vector.multi_reduction <add>, %mul3A_383, %reduce_sum3A_384 [1] : vector<256x2xf32> to vector<256xf32>
      %broadcast_in_dim3A_386 = vector.shape_cast %reduce_sum3A_385 : vector<256xf32> to vector<256x1xf32>
      %mul3A_387 = arith.mulf %get3A_324, %get3A_324 : vector<256x2xf32>
      %reduce_sum3A_388 = arith.constant dense<0.000000e+00> : vector<256xf32>
      %reduce_sum3A_389 = vector.multi_reduction <add>, %mul3A_387, %reduce_sum3A_388 [1] : vector<256x2xf32> to vector<256xf32>
      %broadcast_in_dim3A_390 = vector.shape_cast %reduce_sum3A_389 : vector<256xf32> to vector<256x1xf32>
      %sqrt3A = math.sqrt %broadcast_in_dim3A_390 : vector<256x1xf32>
      %mul3A_391 = arith.mulf %add3A_358, %add3A_358 : vector<256x2xf32>
      %reduce_sum3A_392 = arith.constant dense<0.000000e+00> : vector<256xf32>
      %reduce_sum3A_393 = vector.multi_reduction <add>, %mul3A_391, %reduce_sum3A_392 [1] : vector<256x2xf32> to vector<256xf32>
      %broadcast_in_dim3A_394 = vector.shape_cast %reduce_sum3A_393 : vector<256xf32> to vector<256x1xf32>
      %sqrt3A_395 = math.sqrt %broadcast_in_dim3A_394 : vector<256x1xf32>
      %mul3A_396 = arith.mulf %sqrt3A, %sqrt3A_395 : vector<256x1xf32>
      %div3A_397 = arith.divf %broadcast_in_dim3A_386, %mul3A_396 : vector<256x1xf32>
      %slice3A_398 = vector.extract_strided_slice %get3A_23 {offsets = [0, 0], sizes = [1, 128], strides = [1, 1]} : vector<3x128xf32> to vector<1x128xf32>
      %mul3A_399 = vector.broadcast %div3A_397 : vector<256x1xf32> to vector<256x128xf32>
      %mul3A_400 = vector.broadcast %slice3A_398 : vector<1x128xf32> to vector<256x128xf32>
      %mul3A_401 = arith.mulf %mul3A_399, %mul3A_400 : vector<256x128xf32>
      %add3A_402 = arith.addf %broadcast_in_dim3A_332, %mul3A_401 : vector<256x128xf32>
      %slice3A_403 = vector.extract_strided_slice %get3A_314 {offsets = [0, 1], sizes = [256, 1], strides = [1, 1]} : vector<256x9xi32> to vector<256x1xi32>
      %eq3A_404 = vector.broadcast %slice3A_403 : vector<256x1xi32> to vector<256x2048xi32>
      %eq3A_405 = arith.cmpi eq, %iota3A, %eq3A_404 : vector<256x2048xi32>
      %convert_element_type3A_406 = arith.extui %eq3A_405 : vector<256x2048xi1> to vector<256x2048xi32>
      %convert_element_type3A_407 = arith.sitofp %convert_element_type3A_406 : vector<256x2048xi32> to vector<256x2048xf32>
      %convert_element_type3A_408 = arith.truncf %convert_element_type3A_407 : vector<256x2048xf32> to vector<256x2048xbf16>
      %dot_general3A_409 = arith.constant dense<0.000000e+00> : vector<256x128xf32>
      %dot_general3A_410 = tpu.matmul %convert_element_type3A_408, %convert_element_type3A, %dot_general3A_409 {dimension_numbers = #tpu.dot_dimension_numbers<[1], [0], [0], [1], [0, 0, 1, 1], [], []>, transpose_lhs_hint = false} : vector<256x2048xbf16>, vector<2048x128xbf16>, vector<256x128xf32> -> vector<256x128xf32>
      %dot_general3A_411 = arith.constant dense<0.000000e+00> : vector<256x128xf32>
      %dot_general3A_412 = tpu.matmul %convert_element_type3A_408, %convert_element_type3A_5, %dot_general3A_411 {dimension_numbers = #tpu.dot_dimension_numbers<[1], [0], [0], [1], [0, 0, 1, 1], [], []>, transpose_lhs_hint = false} : vector<256x2048xbf16>, vector<2048x128xbf16>, vector<256x128xf32> -> vector<256x128xf32>
      %add3A_413 = arith.addf %dot_general3A_410, %dot_general3A_412 : vector<256x128xf32>
      %dot_general3A_414 = arith.constant dense<0.000000e+00> : vector<256x128xf32>
      %dot_general3A_415 = tpu.matmul %convert_element_type3A_408, %convert_element_type3A_8, %dot_general3A_414 {dimension_numbers = #tpu.dot_dimension_numbers<[1], [0], [0], [1], [0, 0, 1, 1], [], []>, transpose_lhs_hint = false} : vector<256x2048xbf16>, vector<2048x128xbf16>, vector<256x128xf32> -> vector<256x128xf32>
      %add3A_416 = arith.addf %add3A_413, %dot_general3A_415 : vector<256x128xf32>
      %dot_general3A_417 = arith.constant dense<0.000000e+00> : vector<256x2xf32>
      %dot_general3A_418 = tpu.matmul %convert_element_type3A_408, %convert_element_type3A_14, %dot_general3A_417 {dimension_numbers = #tpu.dot_dimension_numbers<[1], [0], [0], [1], [0, 0, 1, 1], [], []>, transpose_lhs_hint = false} : vector<256x2048xbf16>, vector<2048x2xbf16>, vector<256x2xf32> -> vector<256x2xf32>
      %dot_general3A_419 = arith.constant dense<0.000000e+00> : vector<256x2xf32>
      %dot_general3A_420 = tpu.matmul %convert_element_type3A_408, %convert_element_type3A_17, %dot_general3A_419 {dimension_numbers = #tpu.dot_dimension_numbers<[1], [0], [0], [1], [0, 0, 1, 1], [], []>, transpose_lhs_hint = false} : vector<256x2048xbf16>, vector<2048x2xbf16>, vector<256x2xf32> -> vector<256x2xf32>
      %add3A_421 = arith.addf %dot_general3A_418, %dot_general3A_420 : vector<256x2xf32>
      %dot_general3A_422 = arith.constant dense<0.000000e+00> : vector<256x2xf32>
      %dot_general3A_423 = tpu.matmul %convert_element_type3A_408, %convert_element_type3A_20, %dot_general3A_422 {dimension_numbers = #tpu.dot_dimension_numbers<[1], [0], [0], [1], [0, 0, 1, 1], [], []>, transpose_lhs_hint = false} : vector<256x2048xbf16>, vector<2048x2xbf16>, vector<256x2xf32> -> vector<256x2xf32>
      %add3A_424 = arith.addf %add3A_421, %dot_general3A_423 : vector<256x2xf32>
      %sub3A_425 = arith.subf %add3A_416, %get3A_319 : vector<256x128xf32>
      %concatenate3A_426 = tpu.concatenate %get3A_319, %sub3A_425 in 1 : vector<256x128xf32>, vector<256x128xf32> -> vector<256x256xf32>
      %get3A_427 = arith.constant 1 : index
      %get3A_428 = arith.constant 0 : index
      %get3A_429 = arith.constant 0 : index
      %get3A_430 = vector.load %arg4[%get3A_427, %get3A_428, %get3A_429] : memref<3x256x128xf32, #tpu.memory_space<vmem>>, vector<1x256x128xf32>
      %get3A_431 = vector.shape_cast %get3A_430 : vector<1x256x128xf32> to vector<256x128xf32>
      %dot_general3A_432 = arith.constant dense<0.000000e+00> : vector<256x128xf32>
      %dot_general3A_433 = tpu.matmul %concatenate3A_426, %get3A_431, %dot_general3A_432 {dimension_numbers = #tpu.dot_dimension_numbers<[1], [0], [0], [1], [0, 0, 1, 1], [], []>, transpose_lhs_hint = false} : vector<256x256xf32>, vector<256x128xf32>, vector<256x128xf32> -> vector<256x128xf32>
      %add3A_434 = arith.addf %add3A_367, %dot_general3A_433 : vector<256x128xf32>
      %get3A_435 = arith.constant 0 : index
      %get3A_436 = arith.constant 0 : index
      %get3A_437 = vector.load %arg6[%get3A_435, %get3A_436] : memref<256x128xf32, #tpu.memory_space<vmem>>, vector<256x128xf32>
      %dot_general3A_438 = arith.constant dense<0.000000e+00> : vector<256x128xf32>
      %dot_general3A_439 = tpu.matmul %concatenate3A_426, %get3A_437, %dot_general3A_438 {dimension_numbers = #tpu.dot_dimension_numbers<[1], [0], [0], [1], [0, 0, 1, 1], [], []>, transpose_lhs_hint = false} : vector<256x256xf32>, vector<256x128xf32>, vector<256x128xf32> -> vector<256x128xf32>
      %max3A_440 = arith.maximumf %max3A_373, %dot_general3A_439 : vector<256x128xf32>
      %reduce_sum3A_441 = arith.constant dense<0.000000e+00> : vector<128xf32>
      %reduce_sum3A_442 = vector.multi_reduction <add>, %dot_general3A_439, %reduce_sum3A_441 [0] : vector<256x128xf32> to vector<128xf32>
      %broadcast_in_dim3A_443 = vector.shape_cast %reduce_sum3A_442 : vector<128xf32> to vector<1x128xf32>
      %add3A_444 = arith.addf %add3A_377, %broadcast_in_dim3A_443 : vector<1x128xf32>
      %mul3A_445 = arith.mulf %dot_general3A_439, %dot_general3A_439 : vector<256x128xf32>
      %reduce_sum3A_446 = arith.constant dense<0.000000e+00> : vector<128xf32>
      %reduce_sum3A_447 = vector.multi_reduction <add>, %mul3A_445, %reduce_sum3A_446 [0] : vector<256x128xf32> to vector<128xf32>
      %broadcast_in_dim3A_448 = vector.shape_cast %reduce_sum3A_447 : vector<128xf32> to vector<1x128xf32>
      %add3A_449 = arith.addf %add3A_382, %broadcast_in_dim3A_448 : vector<1x128xf32>
      %mul3A_450 = arith.mulf %get3A_324, %add3A_424 : vector<256x2xf32>
      %reduce_sum3A_451 = arith.constant dense<0.000000e+00> : vector<256xf32>
      %reduce_sum3A_452 = vector.multi_reduction <add>, %mul3A_450, %reduce_sum3A_451 [1] : vector<256x2xf32> to vector<256xf32>
      %broadcast_in_dim3A_453 = vector.shape_cast %reduce_sum3A_452 : vector<256xf32> to vector<256x1xf32>
      %mul3A_454 = arith.mulf %get3A_324, %get3A_324 : vector<256x2xf32>
      %reduce_sum3A_455 = arith.constant dense<0.000000e+00> : vector<256xf32>
      %reduce_sum3A_456 = vector.multi_reduction <add>, %mul3A_454, %reduce_sum3A_455 [1] : vector<256x2xf32> to vector<256xf32>
      %broadcast_in_dim3A_457 = vector.shape_cast %reduce_sum3A_456 : vector<256xf32> to vector<256x1xf32>
      %sqrt3A_458 = math.sqrt %broadcast_in_dim3A_457 : vector<256x1xf32>
      %mul3A_459 = arith.mulf %add3A_424, %add3A_424 : vector<256x2xf32>
      %reduce_sum3A_460 = arith.constant dense<0.000000e+00> : vector<256xf32>
      %reduce_sum3A_461 = vector.multi_reduction <add>, %mul3A_459, %reduce_sum3A_460 [1] : vector<256x2xf32> to vector<256xf32>
      %broadcast_in_dim3A_462 = vector.shape_cast %reduce_sum3A_461 : vector<256xf32> to vector<256x1xf32>
      %sqrt3A_463 = math.sqrt %broadcast_in_dim3A_462 : vector<256x1xf32>
      %mul3A_464 = arith.mulf %sqrt3A_458, %sqrt3A_463 : vector<256x1xf32>
      %div3A_465 = arith.divf %broadcast_in_dim3A_453, %mul3A_464 : vector<256x1xf32>
      %slice3A_466 = vector.extract_strided_slice %get3A_23 {offsets = [1, 0], sizes = [1, 128], strides = [1, 1]} : vector<3x128xf32> to vector<1x128xf32>
      %mul3A_467 = vector.broadcast %div3A_465 : vector<256x1xf32> to vector<256x128xf32>
      %mul3A_468 = vector.broadcast %slice3A_466 : vector<1x128xf32> to vector<256x128xf32>
      %mul3A_469 = arith.mulf %mul3A_467, %mul3A_468 : vector<256x128xf32>
      %add3A_470 = arith.addf %add3A_402, %mul3A_469 : vector<256x128xf32>
      %slice3A_471 = vector.extract_strided_slice %get3A_314 {offsets = [0, 2], sizes = [256, 1], strides = [1, 1]} : vector<256x9xi32> to vector<256x1xi32>
      %eq3A_472 = vector.broadcast %slice3A_471 : vector<256x1xi32> to vector<256x2048xi32>
      %eq3A_473 = arith.cmpi eq, %iota3A, %eq3A_472 : vector<256x2048xi32>
      %convert_element_type3A_474 = arith.extui %eq3A_473 : vector<256x2048xi1> to vector<256x2048xi32>
      %convert_element_type3A_475 = arith.sitofp %convert_element_type3A_474 : vector<256x2048xi32> to vector<256x2048xf32>
      %convert_element_type3A_476 = arith.truncf %convert_element_type3A_475 : vector<256x2048xf32> to vector<256x2048xbf16>
      %dot_general3A_477 = arith.constant dense<0.000000e+00> : vector<256x128xf32>
      %dot_general3A_478 = tpu.matmul %convert_element_type3A_476, %convert_element_type3A, %dot_general3A_477 {dimension_numbers = #tpu.dot_dimension_numbers<[1], [0], [0], [1], [0, 0, 1, 1], [], []>, transpose_lhs_hint = false} : vector<256x2048xbf16>, vector<2048x128xbf16>, vector<256x128xf32> -> vector<256x128xf32>
      %dot_general3A_479 = arith.constant dense<0.000000e+00> : vector<256x128xf32>
      %dot_general3A_480 = tpu.matmul %convert_element_type3A_476, %convert_element_type3A_5, %dot_general3A_479 {dimension_numbers = #tpu.dot_dimension_numbers<[1], [0], [0], [1], [0, 0, 1, 1], [], []>, transpose_lhs_hint = false} : vector<256x2048xbf16>, vector<2048x128xbf16>, vector<256x128xf32> -> vector<256x128xf32>
      %add3A_481 = arith.addf %dot_general3A_478, %dot_general3A_480 : vector<256x128xf32>
      %dot_general3A_482 = arith.constant dense<0.000000e+00> : vector<256x128xf32>
      %dot_general3A_483 = tpu.matmul %convert_element_type3A_476, %convert_element_type3A_8, %dot_general3A_482 {dimension_numbers = #tpu.dot_dimension_numbers<[1], [0], [0], [1], [0, 0, 1, 1], [], []>, transpose_lhs_hint = false} : vector<256x2048xbf16>, vector<2048x128xbf16>, vector<256x128xf32> -> vector<256x128xf32>
      %add3A_484 = arith.addf %add3A_481, %dot_general3A_483 : vector<256x128xf32>
      %dot_general3A_485 = arith.constant dense<0.000000e+00> : vector<256x2xf32>
      %dot_general3A_486 = tpu.matmul %convert_element_type3A_476, %convert_element_type3A_14, %dot_general3A_485 {dimension_numbers = #tpu.dot_dimension_numbers<[1], [0], [0], [1], [0, 0, 1, 1], [], []>, transpose_lhs_hint = false} : vector<256x2048xbf16>, vector<2048x2xbf16>, vector<256x2xf32> -> vector<256x2xf32>
      %dot_general3A_487 = arith.constant dense<0.000000e+00> : vector<256x2xf32>
      %dot_general3A_488 = tpu.matmul %convert_element_type3A_476, %convert_element_type3A_17, %dot_general3A_487 {dimension_numbers = #tpu.dot_dimension_numbers<[1], [0], [0], [1], [0, 0, 1, 1], [], []>, transpose_lhs_hint = false} : vector<256x2048xbf16>, vector<2048x2xbf16>, vector<256x2xf32> -> vector<256x2xf32>
      %add3A_489 = arith.addf %dot_general3A_486, %dot_general3A_488 : vector<256x2xf32>
      %dot_general3A_490 = arith.constant dense<0.000000e+00> : vector<256x2xf32>
      %dot_general3A_491 = tpu.matmul %convert_element_type3A_476, %convert_element_type3A_20, %dot_general3A_490 {dimension_numbers = #tpu.dot_dimension_numbers<[1], [0], [0], [1], [0, 0, 1, 1], [], []>, transpose_lhs_hint = false} : vector<256x2048xbf16>, vector<2048x2xbf16>, vector<256x2xf32> -> vector<256x2xf32>
      %add3A_492 = arith.addf %add3A_489, %dot_general3A_491 : vector<256x2xf32>
      %sub3A_493 = arith.subf %add3A_484, %get3A_319 : vector<256x128xf32>
      %concatenate3A_494 = tpu.concatenate %get3A_319, %sub3A_493 in 1 : vector<256x128xf32>, vector<256x128xf32> -> vector<256x256xf32>
      %get3A_495 = arith.constant 2 : index
      %get3A_496 = arith.constant 0 : index
      %get3A_497 = arith.constant 0 : index
      %get3A_498 = vector.load %arg4[%get3A_495, %get3A_496, %get3A_497] : memref<3x256x128xf32, #tpu.memory_space<vmem>>, vector<1x256x128xf32>
      %get3A_499 = vector.shape_cast %get3A_498 : vector<1x256x128xf32> to vector<256x128xf32>
      %dot_general3A_500 = arith.constant dense<0.000000e+00> : vector<256x128xf32>
      %dot_general3A_501 = tpu.matmul %concatenate3A_494, %get3A_499, %dot_general3A_500 {dimension_numbers = #tpu.dot_dimension_numbers<[1], [0], [0], [1], [0, 0, 1, 1], [], []>, transpose_lhs_hint = false} : vector<256x256xf32>, vector<256x128xf32>, vector<256x128xf32> -> vector<256x128xf32>
      %add3A_502 = arith.addf %add3A_434, %dot_general3A_501 : vector<256x128xf32>
      %get3A_503 = arith.constant 0 : index
      %get3A_504 = arith.constant 0 : index
      %get3A_505 = vector.load %arg6[%get3A_503, %get3A_504] : memref<256x128xf32, #tpu.memory_space<vmem>>, vector<256x128xf32>
      %dot_general3A_506 = arith.constant dense<0.000000e+00> : vector<256x128xf32>
      %dot_general3A_507 = tpu.matmul %concatenate3A_494, %get3A_505, %dot_general3A_506 {dimension_numbers = #tpu.dot_dimension_numbers<[1], [0], [0], [1], [0, 0, 1, 1], [], []>, transpose_lhs_hint = false} : vector<256x256xf32>, vector<256x128xf32>, vector<256x128xf32> -> vector<256x128xf32>
      %max3A_508 = arith.maximumf %max3A_440, %dot_general3A_507 : vector<256x128xf32>
      %reduce_sum3A_509 = arith.constant dense<0.000000e+00> : vector<128xf32>
      %reduce_sum3A_510 = vector.multi_reduction <add>, %dot_general3A_507, %reduce_sum3A_509 [0] : vector<256x128xf32> to vector<128xf32>
      %broadcast_in_dim3A_511 = vector.shape_cast %reduce_sum3A_510 : vector<128xf32> to vector<1x128xf32>
      %add3A_512 = arith.addf %add3A_444, %broadcast_in_dim3A_511 : vector<1x128xf32>
      %mul3A_513 = arith.mulf %dot_general3A_507, %dot_general3A_507 : vector<256x128xf32>
      %reduce_sum3A_514 = arith.constant dense<0.000000e+00> : vector<128xf32>
      %reduce_sum3A_515 = vector.multi_reduction <add>, %mul3A_513, %reduce_sum3A_514 [0] : vector<256x128xf32> to vector<128xf32>
      %broadcast_in_dim3A_516 = vector.shape_cast %reduce_sum3A_515 : vector<128xf32> to vector<1x128xf32>
      %add3A_517 = arith.addf %add3A_449, %broadcast_in_dim3A_516 : vector<1x128xf32>
      %mul3A_518 = arith.mulf %get3A_324, %add3A_492 : vector<256x2xf32>
      %reduce_sum3A_519 = arith.constant dense<0.000000e+00> : vector<256xf32>
      %reduce_sum3A_520 = vector.multi_reduction <add>, %mul3A_518, %reduce_sum3A_519 [1] : vector<256x2xf32> to vector<256xf32>
      %broadcast_in_dim3A_521 = vector.shape_cast %reduce_sum3A_520 : vector<256xf32> to vector<256x1xf32>
      %mul3A_522 = arith.mulf %get3A_324, %get3A_324 : vector<256x2xf32>
      %reduce_sum3A_523 = arith.constant dense<0.000000e+00> : vector<256xf32>
      %reduce_sum3A_524 = vector.multi_reduction <add>, %mul3A_522, %reduce_sum3A_523 [1] : vector<256x2xf32> to vector<256xf32>
      %broadcast_in_dim3A_525 = vector.shape_cast %reduce_sum3A_524 : vector<256xf32> to vector<256x1xf32>
      %sqrt3A_526 = math.sqrt %broadcast_in_dim3A_525 : vector<256x1xf32>
      %mul3A_527 = arith.mulf %add3A_492, %add3A_492 : vector<256x2xf32>
      %reduce_sum3A_528 = arith.constant dense<0.000000e+00> : vector<256xf32>
      %reduce_sum3A_529 = vector.multi_reduction <add>, %mul3A_527, %reduce_sum3A_528 [1] : vector<256x2xf32> to vector<256xf32>
      %broadcast_in_dim3A_530 = vector.shape_cast %reduce_sum3A_529 : vector<256xf32> to vector<256x1xf32>
      %sqrt3A_531 = math.sqrt %broadcast_in_dim3A_530 : vector<256x1xf32>
      %mul3A_532 = arith.mulf %sqrt3A_526, %sqrt3A_531 : vector<256x1xf32>
      %div3A_533 = arith.divf %broadcast_in_dim3A_521, %mul3A_532 : vector<256x1xf32>
      %slice3A_534 = vector.extract_strided_slice %get3A_23 {offsets = [2, 0], sizes = [1, 128], strides = [1, 1]} : vector<3x128xf32> to vector<1x128xf32>
      %mul3A_535 = vector.broadcast %div3A_533 : vector<256x1xf32> to vector<256x128xf32>
      %mul3A_536 = vector.broadcast %slice3A_534 : vector<1x128xf32> to vector<256x128xf32>
      %mul3A_537 = arith.mulf %mul3A_535, %mul3A_536 : vector<256x128xf32>
      %add3A_538 = arith.addf %add3A_470, %mul3A_537 : vector<256x128xf32>
      %slice3A_539 = vector.extract_strided_slice %get3A_314 {offsets = [0, 3], sizes = [256, 1], strides = [1, 1]} : vector<256x9xi32> to vector<256x1xi32>
      %eq3A_540 = vector.broadcast %slice3A_539 : vector<256x1xi32> to vector<256x2048xi32>
      %eq3A_541 = arith.cmpi eq, %iota3A, %eq3A_540 : vector<256x2048xi32>
      %convert_element_type3A_542 = arith.extui %eq3A_541 : vector<256x2048xi1> to vector<256x2048xi32>
      %convert_element_type3A_543 = arith.sitofp %convert_element_type3A_542 : vector<256x2048xi32> to vector<256x2048xf32>
      %convert_element_type3A_544 = arith.truncf %convert_element_type3A_543 : vector<256x2048xf32> to vector<256x2048xbf16>
      %dot_general3A_545 = arith.constant dense<0.000000e+00> : vector<256x128xf32>
      %dot_general3A_546 = tpu.matmul %convert_element_type3A_544, %convert_element_type3A, %dot_general3A_545 {dimension_numbers = #tpu.dot_dimension_numbers<[1], [0], [0], [1], [0, 0, 1, 1], [], []>, transpose_lhs_hint = false} : vector<256x2048xbf16>, vector<2048x128xbf16>, vector<256x128xf32> -> vector<256x128xf32>
      %dot_general3A_547 = arith.constant dense<0.000000e+00> : vector<256x128xf32>
      %dot_general3A_548 = tpu.matmul %convert_element_type3A_544, %convert_element_type3A_5, %dot_general3A_547 {dimension_numbers = #tpu.dot_dimension_numbers<[1], [0], [0], [1], [0, 0, 1, 1], [], []>, transpose_lhs_hint = false} : vector<256x2048xbf16>, vector<2048x128xbf16>, vector<256x128xf32> -> vector<256x128xf32>
      %add3A_549 = arith.addf %dot_general3A_546, %dot_general3A_548 : vector<256x128xf32>
      %dot_general3A_550 = arith.constant dense<0.000000e+00> : vector<256x128xf32>
      %dot_general3A_551 = tpu.matmul %convert_element_type3A_544, %convert_element_type3A_8, %dot_general3A_550 {dimension_numbers = #tpu.dot_dimension_numbers<[1], [0], [0], [1], [0, 0, 1, 1], [], []>, transpose_lhs_hint = false} : vector<256x2048xbf16>, vector<2048x128xbf16>, vector<256x128xf32> -> vector<256x128xf32>
      %add3A_552 = arith.addf %add3A_549, %dot_general3A_551 : vector<256x128xf32>
      %dot_general3A_553 = arith.constant dense<0.000000e+00> : vector<256x2xf32>
      %dot_general3A_554 = tpu.matmul %convert_element_type3A_544, %convert_element_type3A_14, %dot_general3A_553 {dimension_numbers = #tpu.dot_dimension_numbers<[1], [0], [0], [1], [0, 0, 1, 1], [], []>, transpose_lhs_hint = false} : vector<256x2048xbf16>, vector<2048x2xbf16>, vector<256x2xf32> -> vector<256x2xf32>
      %dot_general3A_555 = arith.constant dense<0.000000e+00> : vector<256x2xf32>
      %dot_general3A_556 = tpu.matmul %convert_element_type3A_544, %convert_element_type3A_17, %dot_general3A_555 {dimension_numbers = #tpu.dot_dimension_numbers<[1], [0], [0], [1], [0, 0, 1, 1], [], []>, transpose_lhs_hint = false} : vector<256x2048xbf16>, vector<2048x2xbf16>, vector<256x2xf32> -> vector<256x2xf32>
      %add3A_557 = arith.addf %dot_general3A_554, %dot_general3A_556 : vector<256x2xf32>
      %dot_general3A_558 = arith.constant dense<0.000000e+00> : vector<256x2xf32>
      %dot_general3A_559 = tpu.matmul %convert_element_type3A_544, %convert_element_type3A_20, %dot_general3A_558 {dimension_numbers = #tpu.dot_dimension_numbers<[1], [0], [0], [1], [0, 0, 1, 1], [], []>, transpose_lhs_hint = false} : vector<256x2048xbf16>, vector<2048x2xbf16>, vector<256x2xf32> -> vector<256x2xf32>
      %add3A_560 = arith.addf %add3A_557, %dot_general3A_559 : vector<256x2xf32>
      %sub3A_561 = arith.subf %add3A_552, %get3A_319 : vector<256x128xf32>
      %concatenate3A_562 = tpu.concatenate %get3A_319, %sub3A_561 in 1 : vector<256x128xf32>, vector<256x128xf32> -> vector<256x256xf32>
      %get3A_563 = arith.constant 0 : index
      %get3A_564 = arith.constant 0 : index
      %get3A_565 = arith.constant 0 : index
      %get3A_566 = vector.load %arg4[%get3A_563, %get3A_564, %get3A_565] : memref<3x256x128xf32, #tpu.memory_space<vmem>>, vector<1x256x128xf32>
      %get3A_567 = vector.shape_cast %get3A_566 : vector<1x256x128xf32> to vector<256x128xf32>
      %dot_general3A_568 = arith.constant dense<0.000000e+00> : vector<256x128xf32>
      %dot_general3A_569 = tpu.matmul %concatenate3A_562, %get3A_567, %dot_general3A_568 {dimension_numbers = #tpu.dot_dimension_numbers<[1], [0], [0], [1], [0, 0, 1, 1], [], []>, transpose_lhs_hint = false} : vector<256x256xf32>, vector<256x128xf32>, vector<256x128xf32> -> vector<256x128xf32>
      %add3A_570 = arith.addf %broadcast_in_dim3A_328, %dot_general3A_569 : vector<256x128xf32>
      %get3A_571 = arith.constant 0 : index
      %get3A_572 = arith.constant 0 : index
      %get3A_573 = vector.load %arg6[%get3A_571, %get3A_572] : memref<256x128xf32, #tpu.memory_space<vmem>>, vector<256x128xf32>
      %dot_general3A_574 = arith.constant dense<0.000000e+00> : vector<256x128xf32>
      %dot_general3A_575 = tpu.matmul %concatenate3A_562, %get3A_573, %dot_general3A_574 {dimension_numbers = #tpu.dot_dimension_numbers<[1], [0], [0], [1], [0, 0, 1, 1], [], []>, transpose_lhs_hint = false} : vector<256x256xf32>, vector<256x128xf32>, vector<256x128xf32> -> vector<256x128xf32>
      %max3A_576 = arith.maximumf %max3A_508, %dot_general3A_575 : vector<256x128xf32>
      %reduce_sum3A_577 = arith.constant dense<0.000000e+00> : vector<128xf32>
      %reduce_sum3A_578 = vector.multi_reduction <add>, %dot_general3A_575, %reduce_sum3A_577 [0] : vector<256x128xf32> to vector<128xf32>
      %broadcast_in_dim3A_579 = vector.shape_cast %reduce_sum3A_578 : vector<128xf32> to vector<1x128xf32>
      %add3A_580 = arith.addf %add3A_512, %broadcast_in_dim3A_579 : vector<1x128xf32>
      %mul3A_581 = arith.mulf %dot_general3A_575, %dot_general3A_575 : vector<256x128xf32>
      %reduce_sum3A_582 = arith.constant dense<0.000000e+00> : vector<128xf32>
      %reduce_sum3A_583 = vector.multi_reduction <add>, %mul3A_581, %reduce_sum3A_582 [0] : vector<256x128xf32> to vector<128xf32>
      %broadcast_in_dim3A_584 = vector.shape_cast %reduce_sum3A_583 : vector<128xf32> to vector<1x128xf32>
      %add3A_585 = arith.addf %add3A_517, %broadcast_in_dim3A_584 : vector<1x128xf32>
      %mul3A_586 = arith.mulf %get3A_324, %add3A_560 : vector<256x2xf32>
      %reduce_sum3A_587 = arith.constant dense<0.000000e+00> : vector<256xf32>
      %reduce_sum3A_588 = vector.multi_reduction <add>, %mul3A_586, %reduce_sum3A_587 [1] : vector<256x2xf32> to vector<256xf32>
      %broadcast_in_dim3A_589 = vector.shape_cast %reduce_sum3A_588 : vector<256xf32> to vector<256x1xf32>
      %mul3A_590 = arith.mulf %get3A_324, %get3A_324 : vector<256x2xf32>
      %reduce_sum3A_591 = arith.constant dense<0.000000e+00> : vector<256xf32>
      %reduce_sum3A_592 = vector.multi_reduction <add>, %mul3A_590, %reduce_sum3A_591 [1] : vector<256x2xf32> to vector<256xf32>
      %broadcast_in_dim3A_593 = vector.shape_cast %reduce_sum3A_592 : vector<256xf32> to vector<256x1xf32>
      %sqrt3A_594 = math.sqrt %broadcast_in_dim3A_593 : vector<256x1xf32>
      %mul3A_595 = arith.mulf %add3A_560, %add3A_560 : vector<256x2xf32>
      %reduce_sum3A_596 = arith.constant dense<0.000000e+00> : vector<256xf32>
      %reduce_sum3A_597 = vector.multi_reduction <add>, %mul3A_595, %reduce_sum3A_596 [1] : vector<256x2xf32> to vector<256xf32>
      %broadcast_in_dim3A_598 = vector.shape_cast %reduce_sum3A_597 : vector<256xf32> to vector<256x1xf32>
      %sqrt3A_599 = math.sqrt %broadcast_in_dim3A_598 : vector<256x1xf32>
      %mul3A_600 = arith.mulf %sqrt3A_594, %sqrt3A_599 : vector<256x1xf32>
      %div3A_601 = arith.divf %broadcast_in_dim3A_589, %mul3A_600 : vector<256x1xf32>
      %slice3A_602 = vector.extract_strided_slice %get3A_23 {offsets = [0, 0], sizes = [1, 128], strides = [1, 1]} : vector<3x128xf32> to vector<1x128xf32>
      %mul3A_603 = vector.broadcast %div3A_601 : vector<256x1xf32> to vector<256x128xf32>
      %mul3A_604 = vector.broadcast %slice3A_602 : vector<1x128xf32> to vector<256x128xf32>
      %mul3A_605 = arith.mulf %mul3A_603, %mul3A_604 : vector<256x128xf32>
      %add3A_606 = arith.addf %broadcast_in_dim3A_334, %mul3A_605 : vector<256x128xf32>
      %slice3A_607 = vector.extract_strided_slice %get3A_314 {offsets = [0, 4], sizes = [256, 1], strides = [1, 1]} : vector<256x9xi32> to vector<256x1xi32>
      %eq3A_608 = vector.broadcast %slice3A_607 : vector<256x1xi32> to vector<256x2048xi32>
      %eq3A_609 = arith.cmpi eq, %iota3A, %eq3A_608 : vector<256x2048xi32>
      %convert_element_type3A_610 = arith.extui %eq3A_609 : vector<256x2048xi1> to vector<256x2048xi32>
      %convert_element_type3A_611 = arith.sitofp %convert_element_type3A_610 : vector<256x2048xi32> to vector<256x2048xf32>
      %convert_element_type3A_612 = arith.truncf %convert_element_type3A_611 : vector<256x2048xf32> to vector<256x2048xbf16>
      %dot_general3A_613 = arith.constant dense<0.000000e+00> : vector<256x128xf32>
      %dot_general3A_614 = tpu.matmul %convert_element_type3A_612, %convert_element_type3A, %dot_general3A_613 {dimension_numbers = #tpu.dot_dimension_numbers<[1], [0], [0], [1], [0, 0, 1, 1], [], []>, transpose_lhs_hint = false} : vector<256x2048xbf16>, vector<2048x128xbf16>, vector<256x128xf32> -> vector<256x128xf32>
      %dot_general3A_615 = arith.constant dense<0.000000e+00> : vector<256x128xf32>
      %dot_general3A_616 = tpu.matmul %convert_element_type3A_612, %convert_element_type3A_5, %dot_general3A_615 {dimension_numbers = #tpu.dot_dimension_numbers<[1], [0], [0], [1], [0, 0, 1, 1], [], []>, transpose_lhs_hint = false} : vector<256x2048xbf16>, vector<2048x128xbf16>, vector<256x128xf32> -> vector<256x128xf32>
      %add3A_617 = arith.addf %dot_general3A_614, %dot_general3A_616 : vector<256x128xf32>
      %dot_general3A_618 = arith.constant dense<0.000000e+00> : vector<256x128xf32>
      %dot_general3A_619 = tpu.matmul %convert_element_type3A_612, %convert_element_type3A_8, %dot_general3A_618 {dimension_numbers = #tpu.dot_dimension_numbers<[1], [0], [0], [1], [0, 0, 1, 1], [], []>, transpose_lhs_hint = false} : vector<256x2048xbf16>, vector<2048x128xbf16>, vector<256x128xf32> -> vector<256x128xf32>
      %add3A_620 = arith.addf %add3A_617, %dot_general3A_619 : vector<256x128xf32>
      %dot_general3A_621 = arith.constant dense<0.000000e+00> : vector<256x2xf32>
      %dot_general3A_622 = tpu.matmul %convert_element_type3A_612, %convert_element_type3A_14, %dot_general3A_621 {dimension_numbers = #tpu.dot_dimension_numbers<[1], [0], [0], [1], [0, 0, 1, 1], [], []>, transpose_lhs_hint = false} : vector<256x2048xbf16>, vector<2048x2xbf16>, vector<256x2xf32> -> vector<256x2xf32>
      %dot_general3A_623 = arith.constant dense<0.000000e+00> : vector<256x2xf32>
      %dot_general3A_624 = tpu.matmul %convert_element_type3A_612, %convert_element_type3A_17, %dot_general3A_623 {dimension_numbers = #tpu.dot_dimension_numbers<[1], [0], [0], [1], [0, 0, 1, 1], [], []>, transpose_lhs_hint = false} : vector<256x2048xbf16>, vector<2048x2xbf16>, vector<256x2xf32> -> vector<256x2xf32>
      %add3A_625 = arith.addf %dot_general3A_622, %dot_general3A_624 : vector<256x2xf32>
      %dot_general3A_626 = arith.constant dense<0.000000e+00> : vector<256x2xf32>
      %dot_general3A_627 = tpu.matmul %convert_element_type3A_612, %convert_element_type3A_20, %dot_general3A_626 {dimension_numbers = #tpu.dot_dimension_numbers<[1], [0], [0], [1], [0, 0, 1, 1], [], []>, transpose_lhs_hint = false} : vector<256x2048xbf16>, vector<2048x2xbf16>, vector<256x2xf32> -> vector<256x2xf32>
      %add3A_628 = arith.addf %add3A_625, %dot_general3A_627 : vector<256x2xf32>
      %sub3A_629 = arith.subf %add3A_620, %get3A_319 : vector<256x128xf32>
      %concatenate3A_630 = tpu.concatenate %get3A_319, %sub3A_629 in 1 : vector<256x128xf32>, vector<256x128xf32> -> vector<256x256xf32>
      %get3A_631 = arith.constant 1 : index
      %get3A_632 = arith.constant 0 : index
      %get3A_633 = arith.constant 0 : index
      %get3A_634 = vector.load %arg4[%get3A_631, %get3A_632, %get3A_633] : memref<3x256x128xf32, #tpu.memory_space<vmem>>, vector<1x256x128xf32>
      %get3A_635 = vector.shape_cast %get3A_634 : vector<1x256x128xf32> to vector<256x128xf32>
      %dot_general3A_636 = arith.constant dense<0.000000e+00> : vector<256x128xf32>
      %dot_general3A_637 = tpu.matmul %concatenate3A_630, %get3A_635, %dot_general3A_636 {dimension_numbers = #tpu.dot_dimension_numbers<[1], [0], [0], [1], [0, 0, 1, 1], [], []>, transpose_lhs_hint = false} : vector<256x256xf32>, vector<256x128xf32>, vector<256x128xf32> -> vector<256x128xf32>
      %add3A_638 = arith.addf %add3A_570, %dot_general3A_637 : vector<256x128xf32>
      %get3A_639 = arith.constant 0 : index
      %get3A_640 = arith.constant 0 : index
      %get3A_641 = vector.load %arg6[%get3A_639, %get3A_640] : memref<256x128xf32, #tpu.memory_space<vmem>>, vector<256x128xf32>
      %dot_general3A_642 = arith.constant dense<0.000000e+00> : vector<256x128xf32>
      %dot_general3A_643 = tpu.matmul %concatenate3A_630, %get3A_641, %dot_general3A_642 {dimension_numbers = #tpu.dot_dimension_numbers<[1], [0], [0], [1], [0, 0, 1, 1], [], []>, transpose_lhs_hint = false} : vector<256x256xf32>, vector<256x128xf32>, vector<256x128xf32> -> vector<256x128xf32>
      %max3A_644 = arith.maximumf %max3A_576, %dot_general3A_643 : vector<256x128xf32>
      %reduce_sum3A_645 = arith.constant dense<0.000000e+00> : vector<128xf32>
      %reduce_sum3A_646 = vector.multi_reduction <add>, %dot_general3A_643, %reduce_sum3A_645 [0] : vector<256x128xf32> to vector<128xf32>
      %broadcast_in_dim3A_647 = vector.shape_cast %reduce_sum3A_646 : vector<128xf32> to vector<1x128xf32>
      %add3A_648 = arith.addf %add3A_580, %broadcast_in_dim3A_647 : vector<1x128xf32>
      %mul3A_649 = arith.mulf %dot_general3A_643, %dot_general3A_643 : vector<256x128xf32>
      %reduce_sum3A_650 = arith.constant dense<0.000000e+00> : vector<128xf32>
      %reduce_sum3A_651 = vector.multi_reduction <add>, %mul3A_649, %reduce_sum3A_650 [0] : vector<256x128xf32> to vector<128xf32>
      %broadcast_in_dim3A_652 = vector.shape_cast %reduce_sum3A_651 : vector<128xf32> to vector<1x128xf32>
      %add3A_653 = arith.addf %add3A_585, %broadcast_in_dim3A_652 : vector<1x128xf32>
      %mul3A_654 = arith.mulf %get3A_324, %add3A_628 : vector<256x2xf32>
      %reduce_sum3A_655 = arith.constant dense<0.000000e+00> : vector<256xf32>
      %reduce_sum3A_656 = vector.multi_reduction <add>, %mul3A_654, %reduce_sum3A_655 [1] : vector<256x2xf32> to vector<256xf32>
      %broadcast_in_dim3A_657 = vector.shape_cast %reduce_sum3A_656 : vector<256xf32> to vector<256x1xf32>
      %mul3A_658 = arith.mulf %get3A_324, %get3A_324 : vector<256x2xf32>
      %reduce_sum3A_659 = arith.constant dense<0.000000e+00> : vector<256xf32>
      %reduce_sum3A_660 = vector.multi_reduction <add>, %mul3A_658, %reduce_sum3A_659 [1] : vector<256x2xf32> to vector<256xf32>
      %broadcast_in_dim3A_661 = vector.shape_cast %reduce_sum3A_660 : vector<256xf32> to vector<256x1xf32>
      %sqrt3A_662 = math.sqrt %broadcast_in_dim3A_661 : vector<256x1xf32>
      %mul3A_663 = arith.mulf %add3A_628, %add3A_628 : vector<256x2xf32>
      %reduce_sum3A_664 = arith.constant dense<0.000000e+00> : vector<256xf32>
      %reduce_sum3A_665 = vector.multi_reduction <add>, %mul3A_663, %reduce_sum3A_664 [1] : vector<256x2xf32> to vector<256xf32>
      %broadcast_in_dim3A_666 = vector.shape_cast %reduce_sum3A_665 : vector<256xf32> to vector<256x1xf32>
      %sqrt3A_667 = math.sqrt %broadcast_in_dim3A_666 : vector<256x1xf32>
      %mul3A_668 = arith.mulf %sqrt3A_662, %sqrt3A_667 : vector<256x1xf32>
      %div3A_669 = arith.divf %broadcast_in_dim3A_657, %mul3A_668 : vector<256x1xf32>
      %slice3A_670 = vector.extract_strided_slice %get3A_23 {offsets = [1, 0], sizes = [1, 128], strides = [1, 1]} : vector<3x128xf32> to vector<1x128xf32>
      %mul3A_671 = vector.broadcast %div3A_669 : vector<256x1xf32> to vector<256x128xf32>
      %mul3A_672 = vector.broadcast %slice3A_670 : vector<1x128xf32> to vector<256x128xf32>
      %mul3A_673 = arith.mulf %mul3A_671, %mul3A_672 : vector<256x128xf32>
      %add3A_674 = arith.addf %add3A_606, %mul3A_673 : vector<256x128xf32>
      %slice3A_675 = vector.extract_strided_slice %get3A_314 {offsets = [0, 5], sizes = [256, 1], strides = [1, 1]} : vector<256x9xi32> to vector<256x1xi32>
      %eq3A_676 = vector.broadcast %slice3A_675 : vector<256x1xi32> to vector<256x2048xi32>
      %eq3A_677 = arith.cmpi eq, %iota3A, %eq3A_676 : vector<256x2048xi32>
      %convert_element_type3A_678 = arith.extui %eq3A_677 : vector<256x2048xi1> to vector<256x2048xi32>
      %convert_element_type3A_679 = arith.sitofp %convert_element_type3A_678 : vector<256x2048xi32> to vector<256x2048xf32>
      %convert_element_type3A_680 = arith.truncf %convert_element_type3A_679 : vector<256x2048xf32> to vector<256x2048xbf16>
      %dot_general3A_681 = arith.constant dense<0.000000e+00> : vector<256x128xf32>
      %dot_general3A_682 = tpu.matmul %convert_element_type3A_680, %convert_element_type3A, %dot_general3A_681 {dimension_numbers = #tpu.dot_dimension_numbers<[1], [0], [0], [1], [0, 0, 1, 1], [], []>, transpose_lhs_hint = false} : vector<256x2048xbf16>, vector<2048x128xbf16>, vector<256x128xf32> -> vector<256x128xf32>
      %dot_general3A_683 = arith.constant dense<0.000000e+00> : vector<256x128xf32>
      %dot_general3A_684 = tpu.matmul %convert_element_type3A_680, %convert_element_type3A_5, %dot_general3A_683 {dimension_numbers = #tpu.dot_dimension_numbers<[1], [0], [0], [1], [0, 0, 1, 1], [], []>, transpose_lhs_hint = false} : vector<256x2048xbf16>, vector<2048x128xbf16>, vector<256x128xf32> -> vector<256x128xf32>
      %add3A_685 = arith.addf %dot_general3A_682, %dot_general3A_684 : vector<256x128xf32>
      %dot_general3A_686 = arith.constant dense<0.000000e+00> : vector<256x128xf32>
      %dot_general3A_687 = tpu.matmul %convert_element_type3A_680, %convert_element_type3A_8, %dot_general3A_686 {dimension_numbers = #tpu.dot_dimension_numbers<[1], [0], [0], [1], [0, 0, 1, 1], [], []>, transpose_lhs_hint = false} : vector<256x2048xbf16>, vector<2048x128xbf16>, vector<256x128xf32> -> vector<256x128xf32>
      %add3A_688 = arith.addf %add3A_685, %dot_general3A_687 : vector<256x128xf32>
      %dot_general3A_689 = arith.constant dense<0.000000e+00> : vector<256x2xf32>
      %dot_general3A_690 = tpu.matmul %convert_element_type3A_680, %convert_element_type3A_14, %dot_general3A_689 {dimension_numbers = #tpu.dot_dimension_numbers<[1], [0], [0], [1], [0, 0, 1, 1], [], []>, transpose_lhs_hint = false} : vector<256x2048xbf16>, vector<2048x2xbf16>, vector<256x2xf32> -> vector<256x2xf32>
      %dot_general3A_691 = arith.constant dense<0.000000e+00> : vector<256x2xf32>
      %dot_general3A_692 = tpu.matmul %convert_element_type3A_680, %convert_element_type3A_17, %dot_general3A_691 {dimension_numbers = #tpu.dot_dimension_numbers<[1], [0], [0], [1], [0, 0, 1, 1], [], []>, transpose_lhs_hint = false} : vector<256x2048xbf16>, vector<2048x2xbf16>, vector<256x2xf32> -> vector<256x2xf32>
      %add3A_693 = arith.addf %dot_general3A_690, %dot_general3A_692 : vector<256x2xf32>
      %dot_general3A_694 = arith.constant dense<0.000000e+00> : vector<256x2xf32>
      %dot_general3A_695 = tpu.matmul %convert_element_type3A_680, %convert_element_type3A_20, %dot_general3A_694 {dimension_numbers = #tpu.dot_dimension_numbers<[1], [0], [0], [1], [0, 0, 1, 1], [], []>, transpose_lhs_hint = false} : vector<256x2048xbf16>, vector<2048x2xbf16>, vector<256x2xf32> -> vector<256x2xf32>
      %add3A_696 = arith.addf %add3A_693, %dot_general3A_695 : vector<256x2xf32>
      %sub3A_697 = arith.subf %add3A_688, %get3A_319 : vector<256x128xf32>
      %concatenate3A_698 = tpu.concatenate %get3A_319, %sub3A_697 in 1 : vector<256x128xf32>, vector<256x128xf32> -> vector<256x256xf32>
      %get3A_699 = arith.constant 2 : index
      %get3A_700 = arith.constant 0 : index
      %get3A_701 = arith.constant 0 : index
      %get3A_702 = vector.load %arg4[%get3A_699, %get3A_700, %get3A_701] : memref<3x256x128xf32, #tpu.memory_space<vmem>>, vector<1x256x128xf32>
      %get3A_703 = vector.shape_cast %get3A_702 : vector<1x256x128xf32> to vector<256x128xf32>
      %dot_general3A_704 = arith.constant dense<0.000000e+00> : vector<256x128xf32>
      %dot_general3A_705 = tpu.matmul %concatenate3A_698, %get3A_703, %dot_general3A_704 {dimension_numbers = #tpu.dot_dimension_numbers<[1], [0], [0], [1], [0, 0, 1, 1], [], []>, transpose_lhs_hint = false} : vector<256x256xf32>, vector<256x128xf32>, vector<256x128xf32> -> vector<256x128xf32>
      %add3A_706 = arith.addf %add3A_638, %dot_general3A_705 : vector<256x128xf32>
      %get3A_707 = arith.constant 0 : index
      %get3A_708 = arith.constant 0 : index
      %get3A_709 = vector.load %arg6[%get3A_707, %get3A_708] : memref<256x128xf32, #tpu.memory_space<vmem>>, vector<256x128xf32>
      %dot_general3A_710 = arith.constant dense<0.000000e+00> : vector<256x128xf32>
      %dot_general3A_711 = tpu.matmul %concatenate3A_698, %get3A_709, %dot_general3A_710 {dimension_numbers = #tpu.dot_dimension_numbers<[1], [0], [0], [1], [0, 0, 1, 1], [], []>, transpose_lhs_hint = false} : vector<256x256xf32>, vector<256x128xf32>, vector<256x128xf32> -> vector<256x128xf32>
      %max3A_712 = arith.maximumf %max3A_644, %dot_general3A_711 : vector<256x128xf32>
      %reduce_sum3A_713 = arith.constant dense<0.000000e+00> : vector<128xf32>
      %reduce_sum3A_714 = vector.multi_reduction <add>, %dot_general3A_711, %reduce_sum3A_713 [0] : vector<256x128xf32> to vector<128xf32>
      %broadcast_in_dim3A_715 = vector.shape_cast %reduce_sum3A_714 : vector<128xf32> to vector<1x128xf32>
      %add3A_716 = arith.addf %add3A_648, %broadcast_in_dim3A_715 : vector<1x128xf32>
      %mul3A_717 = arith.mulf %dot_general3A_711, %dot_general3A_711 : vector<256x128xf32>
      %reduce_sum3A_718 = arith.constant dense<0.000000e+00> : vector<128xf32>
      %reduce_sum3A_719 = vector.multi_reduction <add>, %mul3A_717, %reduce_sum3A_718 [0] : vector<256x128xf32> to vector<128xf32>
      %broadcast_in_dim3A_720 = vector.shape_cast %reduce_sum3A_719 : vector<128xf32> to vector<1x128xf32>
      %add3A_721 = arith.addf %add3A_653, %broadcast_in_dim3A_720 : vector<1x128xf32>
      %mul3A_722 = arith.mulf %get3A_324, %add3A_696 : vector<256x2xf32>
      %reduce_sum3A_723 = arith.constant dense<0.000000e+00> : vector<256xf32>
      %reduce_sum3A_724 = vector.multi_reduction <add>, %mul3A_722, %reduce_sum3A_723 [1] : vector<256x2xf32> to vector<256xf32>
      %broadcast_in_dim3A_725 = vector.shape_cast %reduce_sum3A_724 : vector<256xf32> to vector<256x1xf32>
      %mul3A_726 = arith.mulf %get3A_324, %get3A_324 : vector<256x2xf32>
      %reduce_sum3A_727 = arith.constant dense<0.000000e+00> : vector<256xf32>
      %reduce_sum3A_728 = vector.multi_reduction <add>, %mul3A_726, %reduce_sum3A_727 [1] : vector<256x2xf32> to vector<256xf32>
      %broadcast_in_dim3A_729 = vector.shape_cast %reduce_sum3A_728 : vector<256xf32> to vector<256x1xf32>
      %sqrt3A_730 = math.sqrt %broadcast_in_dim3A_729 : vector<256x1xf32>
      %mul3A_731 = arith.mulf %add3A_696, %add3A_696 : vector<256x2xf32>
      %reduce_sum3A_732 = arith.constant dense<0.000000e+00> : vector<256xf32>
      %reduce_sum3A_733 = vector.multi_reduction <add>, %mul3A_731, %reduce_sum3A_732 [1] : vector<256x2xf32> to vector<256xf32>
      %broadcast_in_dim3A_734 = vector.shape_cast %reduce_sum3A_733 : vector<256xf32> to vector<256x1xf32>
      %sqrt3A_735 = math.sqrt %broadcast_in_dim3A_734 : vector<256x1xf32>
      %mul3A_736 = arith.mulf %sqrt3A_730, %sqrt3A_735 : vector<256x1xf32>
      %div3A_737 = arith.divf %broadcast_in_dim3A_725, %mul3A_736 : vector<256x1xf32>
      %slice3A_738 = vector.extract_strided_slice %get3A_23 {offsets = [2, 0], sizes = [1, 128], strides = [1, 1]} : vector<3x128xf32> to vector<1x128xf32>
      %mul3A_739 = vector.broadcast %div3A_737 : vector<256x1xf32> to vector<256x128xf32>
      %mul3A_740 = vector.broadcast %slice3A_738 : vector<1x128xf32> to vector<256x128xf32>
      %mul3A_741 = arith.mulf %mul3A_739, %mul3A_740 : vector<256x128xf32>
      %add3A_742 = arith.addf %add3A_674, %mul3A_741 : vector<256x128xf32>
      %slice3A_743 = vector.extract_strided_slice %get3A_314 {offsets = [0, 6], sizes = [256, 1], strides = [1, 1]} : vector<256x9xi32> to vector<256x1xi32>
      %eq3A_744 = vector.broadcast %slice3A_743 : vector<256x1xi32> to vector<256x2048xi32>
      %eq3A_745 = arith.cmpi eq, %iota3A, %eq3A_744 : vector<256x2048xi32>
      %convert_element_type3A_746 = arith.extui %eq3A_745 : vector<256x2048xi1> to vector<256x2048xi32>
      %convert_element_type3A_747 = arith.sitofp %convert_element_type3A_746 : vector<256x2048xi32> to vector<256x2048xf32>
      %convert_element_type3A_748 = arith.truncf %convert_element_type3A_747 : vector<256x2048xf32> to vector<256x2048xbf16>
      %dot_general3A_749 = arith.constant dense<0.000000e+00> : vector<256x128xf32>
      %dot_general3A_750 = tpu.matmul %convert_element_type3A_748, %convert_element_type3A, %dot_general3A_749 {dimension_numbers = #tpu.dot_dimension_numbers<[1], [0], [0], [1], [0, 0, 1, 1], [], []>, transpose_lhs_hint = false} : vector<256x2048xbf16>, vector<2048x128xbf16>, vector<256x128xf32> -> vector<256x128xf32>
      %dot_general3A_751 = arith.constant dense<0.000000e+00> : vector<256x128xf32>
      %dot_general3A_752 = tpu.matmul %convert_element_type3A_748, %convert_element_type3A_5, %dot_general3A_751 {dimension_numbers = #tpu.dot_dimension_numbers<[1], [0], [0], [1], [0, 0, 1, 1], [], []>, transpose_lhs_hint = false} : vector<256x2048xbf16>, vector<2048x128xbf16>, vector<256x128xf32> -> vector<256x128xf32>
      %add3A_753 = arith.addf %dot_general3A_750, %dot_general3A_752 : vector<256x128xf32>
      %dot_general3A_754 = arith.constant dense<0.000000e+00> : vector<256x128xf32>
      %dot_general3A_755 = tpu.matmul %convert_element_type3A_748, %convert_element_type3A_8, %dot_general3A_754 {dimension_numbers = #tpu.dot_dimension_numbers<[1], [0], [0], [1], [0, 0, 1, 1], [], []>, transpose_lhs_hint = false} : vector<256x2048xbf16>, vector<2048x128xbf16>, vector<256x128xf32> -> vector<256x128xf32>
      %add3A_756 = arith.addf %add3A_753, %dot_general3A_755 : vector<256x128xf32>
      %dot_general3A_757 = arith.constant dense<0.000000e+00> : vector<256x2xf32>
      %dot_general3A_758 = tpu.matmul %convert_element_type3A_748, %convert_element_type3A_14, %dot_general3A_757 {dimension_numbers = #tpu.dot_dimension_numbers<[1], [0], [0], [1], [0, 0, 1, 1], [], []>, transpose_lhs_hint = false} : vector<256x2048xbf16>, vector<2048x2xbf16>, vector<256x2xf32> -> vector<256x2xf32>
      %dot_general3A_759 = arith.constant dense<0.000000e+00> : vector<256x2xf32>
      %dot_general3A_760 = tpu.matmul %convert_element_type3A_748, %convert_element_type3A_17, %dot_general3A_759 {dimension_numbers = #tpu.dot_dimension_numbers<[1], [0], [0], [1], [0, 0, 1, 1], [], []>, transpose_lhs_hint = false} : vector<256x2048xbf16>, vector<2048x2xbf16>, vector<256x2xf32> -> vector<256x2xf32>
      %add3A_761 = arith.addf %dot_general3A_758, %dot_general3A_760 : vector<256x2xf32>
      %dot_general3A_762 = arith.constant dense<0.000000e+00> : vector<256x2xf32>
      %dot_general3A_763 = tpu.matmul %convert_element_type3A_748, %convert_element_type3A_20, %dot_general3A_762 {dimension_numbers = #tpu.dot_dimension_numbers<[1], [0], [0], [1], [0, 0, 1, 1], [], []>, transpose_lhs_hint = false} : vector<256x2048xbf16>, vector<2048x2xbf16>, vector<256x2xf32> -> vector<256x2xf32>
      %add3A_764 = arith.addf %add3A_761, %dot_general3A_763 : vector<256x2xf32>
      %sub3A_765 = arith.subf %add3A_756, %get3A_319 : vector<256x128xf32>
      %concatenate3A_766 = tpu.concatenate %get3A_319, %sub3A_765 in 1 : vector<256x128xf32>, vector<256x128xf32> -> vector<256x256xf32>
      %get3A_767 = arith.constant 0 : index
      %get3A_768 = arith.constant 0 : index
      %get3A_769 = arith.constant 0 : index
      %get3A_770 = vector.load %arg4[%get3A_767, %get3A_768, %get3A_769] : memref<3x256x128xf32, #tpu.memory_space<vmem>>, vector<1x256x128xf32>
      %get3A_771 = vector.shape_cast %get3A_770 : vector<1x256x128xf32> to vector<256x128xf32>
      %dot_general3A_772 = arith.constant dense<0.000000e+00> : vector<256x128xf32>
      %dot_general3A_773 = tpu.matmul %concatenate3A_766, %get3A_771, %dot_general3A_772 {dimension_numbers = #tpu.dot_dimension_numbers<[1], [0], [0], [1], [0, 0, 1, 1], [], []>, transpose_lhs_hint = false} : vector<256x256xf32>, vector<256x128xf32>, vector<256x128xf32> -> vector<256x128xf32>
      %add3A_774 = arith.addf %broadcast_in_dim3A_330, %dot_general3A_773 : vector<256x128xf32>
      %get3A_775 = arith.constant 0 : index
      %get3A_776 = arith.constant 0 : index
      %get3A_777 = vector.load %arg6[%get3A_775, %get3A_776] : memref<256x128xf32, #tpu.memory_space<vmem>>, vector<256x128xf32>
      %dot_general3A_778 = arith.constant dense<0.000000e+00> : vector<256x128xf32>
      %dot_general3A_779 = tpu.matmul %concatenate3A_766, %get3A_777, %dot_general3A_778 {dimension_numbers = #tpu.dot_dimension_numbers<[1], [0], [0], [1], [0, 0, 1, 1], [], []>, transpose_lhs_hint = false} : vector<256x256xf32>, vector<256x128xf32>, vector<256x128xf32> -> vector<256x128xf32>
      %max3A_780 = arith.maximumf %max3A_712, %dot_general3A_779 : vector<256x128xf32>
      %reduce_sum3A_781 = arith.constant dense<0.000000e+00> : vector<128xf32>
      %reduce_sum3A_782 = vector.multi_reduction <add>, %dot_general3A_779, %reduce_sum3A_781 [0] : vector<256x128xf32> to vector<128xf32>
      %broadcast_in_dim3A_783 = vector.shape_cast %reduce_sum3A_782 : vector<128xf32> to vector<1x128xf32>
      %add3A_784 = arith.addf %add3A_716, %broadcast_in_dim3A_783 : vector<1x128xf32>
      %mul3A_785 = arith.mulf %dot_general3A_779, %dot_general3A_779 : vector<256x128xf32>
      %reduce_sum3A_786 = arith.constant dense<0.000000e+00> : vector<128xf32>
      %reduce_sum3A_787 = vector.multi_reduction <add>, %mul3A_785, %reduce_sum3A_786 [0] : vector<256x128xf32> to vector<128xf32>
      %broadcast_in_dim3A_788 = vector.shape_cast %reduce_sum3A_787 : vector<128xf32> to vector<1x128xf32>
      %add3A_789 = arith.addf %add3A_721, %broadcast_in_dim3A_788 : vector<1x128xf32>
      %mul3A_790 = arith.mulf %get3A_324, %add3A_764 : vector<256x2xf32>
      %reduce_sum3A_791 = arith.constant dense<0.000000e+00> : vector<256xf32>
      %reduce_sum3A_792 = vector.multi_reduction <add>, %mul3A_790, %reduce_sum3A_791 [1] : vector<256x2xf32> to vector<256xf32>
      %broadcast_in_dim3A_793 = vector.shape_cast %reduce_sum3A_792 : vector<256xf32> to vector<256x1xf32>
      %mul3A_794 = arith.mulf %get3A_324, %get3A_324 : vector<256x2xf32>
      %reduce_sum3A_795 = arith.constant dense<0.000000e+00> : vector<256xf32>
      %reduce_sum3A_796 = vector.multi_reduction <add>, %mul3A_794, %reduce_sum3A_795 [1] : vector<256x2xf32> to vector<256xf32>
      %broadcast_in_dim3A_797 = vector.shape_cast %reduce_sum3A_796 : vector<256xf32> to vector<256x1xf32>
      %sqrt3A_798 = math.sqrt %broadcast_in_dim3A_797 : vector<256x1xf32>
      %mul3A_799 = arith.mulf %add3A_764, %add3A_764 : vector<256x2xf32>
      %reduce_sum3A_800 = arith.constant dense<0.000000e+00> : vector<256xf32>
      %reduce_sum3A_801 = vector.multi_reduction <add>, %mul3A_799, %reduce_sum3A_800 [1] : vector<256x2xf32> to vector<256xf32>
      %broadcast_in_dim3A_802 = vector.shape_cast %reduce_sum3A_801 : vector<256xf32> to vector<256x1xf32>
      %sqrt3A_803 = math.sqrt %broadcast_in_dim3A_802 : vector<256x1xf32>
      %mul3A_804 = arith.mulf %sqrt3A_798, %sqrt3A_803 : vector<256x1xf32>
      %div3A_805 = arith.divf %broadcast_in_dim3A_793, %mul3A_804 : vector<256x1xf32>
      %slice3A_806 = vector.extract_strided_slice %get3A_23 {offsets = [0, 0], sizes = [1, 128], strides = [1, 1]} : vector<3x128xf32> to vector<1x128xf32>
      %mul3A_807 = vector.broadcast %div3A_805 : vector<256x1xf32> to vector<256x128xf32>
      %mul3A_808 = vector.broadcast %slice3A_806 : vector<1x128xf32> to vector<256x128xf32>
      %mul3A_809 = arith.mulf %mul3A_807, %mul3A_808 : vector<256x128xf32>
      %add3A_810 = arith.addf %broadcast_in_dim3A_336, %mul3A_809 : vector<256x128xf32>
      %slice3A_811 = vector.extract_strided_slice %get3A_314 {offsets = [0, 7], sizes = [256, 1], strides = [1, 1]} : vector<256x9xi32> to vector<256x1xi32>
      %eq3A_812 = vector.broadcast %slice3A_811 : vector<256x1xi32> to vector<256x2048xi32>
      %eq3A_813 = arith.cmpi eq, %iota3A, %eq3A_812 : vector<256x2048xi32>
      %convert_element_type3A_814 = arith.extui %eq3A_813 : vector<256x2048xi1> to vector<256x2048xi32>
      %convert_element_type3A_815 = arith.sitofp %convert_element_type3A_814 : vector<256x2048xi32> to vector<256x2048xf32>
      %convert_element_type3A_816 = arith.truncf %convert_element_type3A_815 : vector<256x2048xf32> to vector<256x2048xbf16>
      %dot_general3A_817 = arith.constant dense<0.000000e+00> : vector<256x128xf32>
      %dot_general3A_818 = tpu.matmul %convert_element_type3A_816, %convert_element_type3A, %dot_general3A_817 {dimension_numbers = #tpu.dot_dimension_numbers<[1], [0], [0], [1], [0, 0, 1, 1], [], []>, transpose_lhs_hint = false} : vector<256x2048xbf16>, vector<2048x128xbf16>, vector<256x128xf32> -> vector<256x128xf32>
      %dot_general3A_819 = arith.constant dense<0.000000e+00> : vector<256x128xf32>
      %dot_general3A_820 = tpu.matmul %convert_element_type3A_816, %convert_element_type3A_5, %dot_general3A_819 {dimension_numbers = #tpu.dot_dimension_numbers<[1], [0], [0], [1], [0, 0, 1, 1], [], []>, transpose_lhs_hint = false} : vector<256x2048xbf16>, vector<2048x128xbf16>, vector<256x128xf32> -> vector<256x128xf32>
      %add3A_821 = arith.addf %dot_general3A_818, %dot_general3A_820 : vector<256x128xf32>
      %dot_general3A_822 = arith.constant dense<0.000000e+00> : vector<256x128xf32>
      %dot_general3A_823 = tpu.matmul %convert_element_type3A_816, %convert_element_type3A_8, %dot_general3A_822 {dimension_numbers = #tpu.dot_dimension_numbers<[1], [0], [0], [1], [0, 0, 1, 1], [], []>, transpose_lhs_hint = false} : vector<256x2048xbf16>, vector<2048x128xbf16>, vector<256x128xf32> -> vector<256x128xf32>
      %add3A_824 = arith.addf %add3A_821, %dot_general3A_823 : vector<256x128xf32>
      %dot_general3A_825 = arith.constant dense<0.000000e+00> : vector<256x2xf32>
      %dot_general3A_826 = tpu.matmul %convert_element_type3A_816, %convert_element_type3A_14, %dot_general3A_825 {dimension_numbers = #tpu.dot_dimension_numbers<[1], [0], [0], [1], [0, 0, 1, 1], [], []>, transpose_lhs_hint = false} : vector<256x2048xbf16>, vector<2048x2xbf16>, vector<256x2xf32> -> vector<256x2xf32>
      %dot_general3A_827 = arith.constant dense<0.000000e+00> : vector<256x2xf32>
      %dot_general3A_828 = tpu.matmul %convert_element_type3A_816, %convert_element_type3A_17, %dot_general3A_827 {dimension_numbers = #tpu.dot_dimension_numbers<[1], [0], [0], [1], [0, 0, 1, 1], [], []>, transpose_lhs_hint = false} : vector<256x2048xbf16>, vector<2048x2xbf16>, vector<256x2xf32> -> vector<256x2xf32>
      %add3A_829 = arith.addf %dot_general3A_826, %dot_general3A_828 : vector<256x2xf32>
      %dot_general3A_830 = arith.constant dense<0.000000e+00> : vector<256x2xf32>
      %dot_general3A_831 = tpu.matmul %convert_element_type3A_816, %convert_element_type3A_20, %dot_general3A_830 {dimension_numbers = #tpu.dot_dimension_numbers<[1], [0], [0], [1], [0, 0, 1, 1], [], []>, transpose_lhs_hint = false} : vector<256x2048xbf16>, vector<2048x2xbf16>, vector<256x2xf32> -> vector<256x2xf32>
      %add3A_832 = arith.addf %add3A_829, %dot_general3A_831 : vector<256x2xf32>
      %sub3A_833 = arith.subf %add3A_824, %get3A_319 : vector<256x128xf32>
      %concatenate3A_834 = tpu.concatenate %get3A_319, %sub3A_833 in 1 : vector<256x128xf32>, vector<256x128xf32> -> vector<256x256xf32>
      %get3A_835 = arith.constant 1 : index
      %get3A_836 = arith.constant 0 : index
      %get3A_837 = arith.constant 0 : index
      %get3A_838 = vector.load %arg4[%get3A_835, %get3A_836, %get3A_837] : memref<3x256x128xf32, #tpu.memory_space<vmem>>, vector<1x256x128xf32>
      %get3A_839 = vector.shape_cast %get3A_838 : vector<1x256x128xf32> to vector<256x128xf32>
      %dot_general3A_840 = arith.constant dense<0.000000e+00> : vector<256x128xf32>
      %dot_general3A_841 = tpu.matmul %concatenate3A_834, %get3A_839, %dot_general3A_840 {dimension_numbers = #tpu.dot_dimension_numbers<[1], [0], [0], [1], [0, 0, 1, 1], [], []>, transpose_lhs_hint = false} : vector<256x256xf32>, vector<256x128xf32>, vector<256x128xf32> -> vector<256x128xf32>
      %add3A_842 = arith.addf %add3A_774, %dot_general3A_841 : vector<256x128xf32>
      %get3A_843 = arith.constant 0 : index
      %get3A_844 = arith.constant 0 : index
      %get3A_845 = vector.load %arg6[%get3A_843, %get3A_844] : memref<256x128xf32, #tpu.memory_space<vmem>>, vector<256x128xf32>
      %dot_general3A_846 = arith.constant dense<0.000000e+00> : vector<256x128xf32>
      %dot_general3A_847 = tpu.matmul %concatenate3A_834, %get3A_845, %dot_general3A_846 {dimension_numbers = #tpu.dot_dimension_numbers<[1], [0], [0], [1], [0, 0, 1, 1], [], []>, transpose_lhs_hint = false} : vector<256x256xf32>, vector<256x128xf32>, vector<256x128xf32> -> vector<256x128xf32>
      %max3A_848 = arith.maximumf %max3A_780, %dot_general3A_847 : vector<256x128xf32>
      %reduce_sum3A_849 = arith.constant dense<0.000000e+00> : vector<128xf32>
      %reduce_sum3A_850 = vector.multi_reduction <add>, %dot_general3A_847, %reduce_sum3A_849 [0] : vector<256x128xf32> to vector<128xf32>
      %broadcast_in_dim3A_851 = vector.shape_cast %reduce_sum3A_850 : vector<128xf32> to vector<1x128xf32>
      %add3A_852 = arith.addf %add3A_784, %broadcast_in_dim3A_851 : vector<1x128xf32>
      %mul3A_853 = arith.mulf %dot_general3A_847, %dot_general3A_847 : vector<256x128xf32>
      %reduce_sum3A_854 = arith.constant dense<0.000000e+00> : vector<128xf32>
      %reduce_sum3A_855 = vector.multi_reduction <add>, %mul3A_853, %reduce_sum3A_854 [0] : vector<256x128xf32> to vector<128xf32>
      %broadcast_in_dim3A_856 = vector.shape_cast %reduce_sum3A_855 : vector<128xf32> to vector<1x128xf32>
      %add3A_857 = arith.addf %add3A_789, %broadcast_in_dim3A_856 : vector<1x128xf32>
      %mul3A_858 = arith.mulf %get3A_324, %add3A_832 : vector<256x2xf32>
      %reduce_sum3A_859 = arith.constant dense<0.000000e+00> : vector<256xf32>
      %reduce_sum3A_860 = vector.multi_reduction <add>, %mul3A_858, %reduce_sum3A_859 [1] : vector<256x2xf32> to vector<256xf32>
      %broadcast_in_dim3A_861 = vector.shape_cast %reduce_sum3A_860 : vector<256xf32> to vector<256x1xf32>
      %mul3A_862 = arith.mulf %get3A_324, %get3A_324 : vector<256x2xf32>
      %reduce_sum3A_863 = arith.constant dense<0.000000e+00> : vector<256xf32>
      %reduce_sum3A_864 = vector.multi_reduction <add>, %mul3A_862, %reduce_sum3A_863 [1] : vector<256x2xf32> to vector<256xf32>
      %broadcast_in_dim3A_865 = vector.shape_cast %reduce_sum3A_864 : vector<256xf32> to vector<256x1xf32>
      %sqrt3A_866 = math.sqrt %broadcast_in_dim3A_865 : vector<256x1xf32>
      %mul3A_867 = arith.mulf %add3A_832, %add3A_832 : vector<256x2xf32>
      %reduce_sum3A_868 = arith.constant dense<0.000000e+00> : vector<256xf32>
      %reduce_sum3A_869 = vector.multi_reduction <add>, %mul3A_867, %reduce_sum3A_868 [1] : vector<256x2xf32> to vector<256xf32>
      %broadcast_in_dim3A_870 = vector.shape_cast %reduce_sum3A_869 : vector<256xf32> to vector<256x1xf32>
      %sqrt3A_871 = math.sqrt %broadcast_in_dim3A_870 : vector<256x1xf32>
      %mul3A_872 = arith.mulf %sqrt3A_866, %sqrt3A_871 : vector<256x1xf32>
      %div3A_873 = arith.divf %broadcast_in_dim3A_861, %mul3A_872 : vector<256x1xf32>
      %slice3A_874 = vector.extract_strided_slice %get3A_23 {offsets = [1, 0], sizes = [1, 128], strides = [1, 1]} : vector<3x128xf32> to vector<1x128xf32>
      %mul3A_875 = vector.broadcast %div3A_873 : vector<256x1xf32> to vector<256x128xf32>
      %mul3A_876 = vector.broadcast %slice3A_874 : vector<1x128xf32> to vector<256x128xf32>
      %mul3A_877 = arith.mulf %mul3A_875, %mul3A_876 : vector<256x128xf32>
      %add3A_878 = arith.addf %add3A_810, %mul3A_877 : vector<256x128xf32>
      %slice3A_879 = vector.extract_strided_slice %get3A_314 {offsets = [0, 8], sizes = [256, 1], strides = [1, 1]} : vector<256x9xi32> to vector<256x1xi32>
      %eq3A_880 = vector.broadcast %slice3A_879 : vector<256x1xi32> to vector<256x2048xi32>
      %eq3A_881 = arith.cmpi eq, %iota3A, %eq3A_880 : vector<256x2048xi32>
      %convert_element_type3A_882 = arith.extui %eq3A_881 : vector<256x2048xi1> to vector<256x2048xi32>
      %convert_element_type3A_883 = arith.sitofp %convert_element_type3A_882 : vector<256x2048xi32> to vector<256x2048xf32>
      %convert_element_type3A_884 = arith.truncf %convert_element_type3A_883 : vector<256x2048xf32> to vector<256x2048xbf16>
      %dot_general3A_885 = arith.constant dense<0.000000e+00> : vector<256x128xf32>
      %dot_general3A_886 = tpu.matmul %convert_element_type3A_884, %convert_element_type3A, %dot_general3A_885 {dimension_numbers = #tpu.dot_dimension_numbers<[1], [0], [0], [1], [0, 0, 1, 1], [], []>, transpose_lhs_hint = false} : vector<256x2048xbf16>, vector<2048x128xbf16>, vector<256x128xf32> -> vector<256x128xf32>
      %dot_general3A_887 = arith.constant dense<0.000000e+00> : vector<256x128xf32>
      %dot_general3A_888 = tpu.matmul %convert_element_type3A_884, %convert_element_type3A_5, %dot_general3A_887 {dimension_numbers = #tpu.dot_dimension_numbers<[1], [0], [0], [1], [0, 0, 1, 1], [], []>, transpose_lhs_hint = false} : vector<256x2048xbf16>, vector<2048x128xbf16>, vector<256x128xf32> -> vector<256x128xf32>
      %add3A_889 = arith.addf %dot_general3A_886, %dot_general3A_888 : vector<256x128xf32>
      %dot_general3A_890 = arith.constant dense<0.000000e+00> : vector<256x128xf32>
      %dot_general3A_891 = tpu.matmul %convert_element_type3A_884, %convert_element_type3A_8, %dot_general3A_890 {dimension_numbers = #tpu.dot_dimension_numbers<[1], [0], [0], [1], [0, 0, 1, 1], [], []>, transpose_lhs_hint = false} : vector<256x2048xbf16>, vector<2048x128xbf16>, vector<256x128xf32> -> vector<256x128xf32>
      %add3A_892 = arith.addf %add3A_889, %dot_general3A_891 : vector<256x128xf32>
      %dot_general3A_893 = arith.constant dense<0.000000e+00> : vector<256x2xf32>
      %dot_general3A_894 = tpu.matmul %convert_element_type3A_884, %convert_element_type3A_14, %dot_general3A_893 {dimension_numbers = #tpu.dot_dimension_numbers<[1], [0], [0], [1], [0, 0, 1, 1], [], []>, transpose_lhs_hint = false} : vector<256x2048xbf16>, vector<2048x2xbf16>, vector<256x2xf32> -> vector<256x2xf32>
      %dot_general3A_895 = arith.constant dense<0.000000e+00> : vector<256x2xf32>
      %dot_general3A_896 = tpu.matmul %convert_element_type3A_884, %convert_element_type3A_17, %dot_general3A_895 {dimension_numbers = #tpu.dot_dimension_numbers<[1], [0], [0], [1], [0, 0, 1, 1], [], []>, transpose_lhs_hint = false} : vector<256x2048xbf16>, vector<2048x2xbf16>, vector<256x2xf32> -> vector<256x2xf32>
      %add3A_897 = arith.addf %dot_general3A_894, %dot_general3A_896 : vector<256x2xf32>
      %dot_general3A_898 = arith.constant dense<0.000000e+00> : vector<256x2xf32>
      %dot_general3A_899 = tpu.matmul %convert_element_type3A_884, %convert_element_type3A_20, %dot_general3A_898 {dimension_numbers = #tpu.dot_dimension_numbers<[1], [0], [0], [1], [0, 0, 1, 1], [], []>, transpose_lhs_hint = false} : vector<256x2048xbf16>, vector<2048x2xbf16>, vector<256x2xf32> -> vector<256x2xf32>
      %add3A_900 = arith.addf %add3A_897, %dot_general3A_899 : vector<256x2xf32>
      %sub3A_901 = arith.subf %add3A_892, %get3A_319 : vector<256x128xf32>
      %concatenate3A_902 = tpu.concatenate %get3A_319, %sub3A_901 in 1 : vector<256x128xf32>, vector<256x128xf32> -> vector<256x256xf32>
      %get3A_903 = arith.constant 2 : index
      %get3A_904 = arith.constant 0 : index
      %get3A_905 = arith.constant 0 : index
      %get3A_906 = vector.load %arg4[%get3A_903, %get3A_904, %get3A_905] : memref<3x256x128xf32, #tpu.memory_space<vmem>>, vector<1x256x128xf32>
      %get3A_907 = vector.shape_cast %get3A_906 : vector<1x256x128xf32> to vector<256x128xf32>
      %dot_general3A_908 = arith.constant dense<0.000000e+00> : vector<256x128xf32>
      %dot_general3A_909 = tpu.matmul %concatenate3A_902, %get3A_907, %dot_general3A_908 {dimension_numbers = #tpu.dot_dimension_numbers<[1], [0], [0], [1], [0, 0, 1, 1], [], []>, transpose_lhs_hint = false} : vector<256x256xf32>, vector<256x128xf32>, vector<256x128xf32> -> vector<256x128xf32>
      %add3A_910 = arith.addf %add3A_842, %dot_general3A_909 : vector<256x128xf32>
      %get3A_911 = arith.constant 0 : index
      %get3A_912 = arith.constant 0 : index
      %get3A_913 = vector.load %arg6[%get3A_911, %get3A_912] : memref<256x128xf32, #tpu.memory_space<vmem>>, vector<256x128xf32>
      %dot_general3A_914 = arith.constant dense<0.000000e+00> : vector<256x128xf32>
      %dot_general3A_915 = tpu.matmul %concatenate3A_902, %get3A_913, %dot_general3A_914 {dimension_numbers = #tpu.dot_dimension_numbers<[1], [0], [0], [1], [0, 0, 1, 1], [], []>, transpose_lhs_hint = false} : vector<256x256xf32>, vector<256x128xf32>, vector<256x128xf32> -> vector<256x128xf32>
      %max3A_916 = arith.maximumf %max3A_848, %dot_general3A_915 : vector<256x128xf32>
      %reduce_sum3A_917 = arith.constant dense<0.000000e+00> : vector<128xf32>
      %reduce_sum3A_918 = vector.multi_reduction <add>, %dot_general3A_915, %reduce_sum3A_917 [0] : vector<256x128xf32> to vector<128xf32>
      %broadcast_in_dim3A_919 = vector.shape_cast %reduce_sum3A_918 : vector<128xf32> to vector<1x128xf32>
      %add3A_920 = arith.addf %add3A_852, %broadcast_in_dim3A_919 : vector<1x128xf32>
      %mul3A_921 = arith.mulf %dot_general3A_915, %dot_general3A_915 : vector<256x128xf32>
      %reduce_sum3A_922 = arith.constant dense<0.000000e+00> : vector<128xf32>
      %reduce_sum3A_923 = vector.multi_reduction <add>, %mul3A_921, %reduce_sum3A_922 [0] : vector<256x128xf32> to vector<128xf32>
      %broadcast_in_dim3A_924 = vector.shape_cast %reduce_sum3A_923 : vector<128xf32> to vector<1x128xf32>
      %add3A_925 = arith.addf %add3A_857, %broadcast_in_dim3A_924 : vector<1x128xf32>
      %mul3A_926 = arith.mulf %get3A_324, %add3A_900 : vector<256x2xf32>
      %reduce_sum3A_927 = arith.constant dense<0.000000e+00> : vector<256xf32>
      %reduce_sum3A_928 = vector.multi_reduction <add>, %mul3A_926, %reduce_sum3A_927 [1] : vector<256x2xf32> to vector<256xf32>
      %broadcast_in_dim3A_929 = vector.shape_cast %reduce_sum3A_928 : vector<256xf32> to vector<256x1xf32>
      %mul3A_930 = arith.mulf %get3A_324, %get3A_324 : vector<256x2xf32>
      %reduce_sum3A_931 = arith.constant dense<0.000000e+00> : vector<256xf32>
      %reduce_sum3A_932 = vector.multi_reduction <add>, %mul3A_930, %reduce_sum3A_931 [1] : vector<256x2xf32> to vector<256xf32>
      %broadcast_in_dim3A_933 = vector.shape_cast %reduce_sum3A_932 : vector<256xf32> to vector<256x1xf32>
      %sqrt3A_934 = math.sqrt %broadcast_in_dim3A_933 : vector<256x1xf32>
      %mul3A_935 = arith.mulf %add3A_900, %add3A_900 : vector<256x2xf32>
      %reduce_sum3A_936 = arith.constant dense<0.000000e+00> : vector<256xf32>
      %reduce_sum3A_937 = vector.multi_reduction <add>, %mul3A_935, %reduce_sum3A_936 [1] : vector<256x2xf32> to vector<256xf32>
      %broadcast_in_dim3A_938 = vector.shape_cast %reduce_sum3A_937 : vector<256xf32> to vector<256x1xf32>
      %sqrt3A_939 = math.sqrt %broadcast_in_dim3A_938 : vector<256x1xf32>
      %mul3A_940 = arith.mulf %sqrt3A_934, %sqrt3A_939 : vector<256x1xf32>
      %div3A_941 = arith.divf %broadcast_in_dim3A_929, %mul3A_940 : vector<256x1xf32>
      %slice3A_942 = vector.extract_strided_slice %get3A_23 {offsets = [2, 0], sizes = [1, 128], strides = [1, 1]} : vector<3x128xf32> to vector<1x128xf32>
      %mul3A_943 = vector.broadcast %div3A_941 : vector<256x1xf32> to vector<256x128xf32>
      %mul3A_944 = vector.broadcast %slice3A_942 : vector<1x128xf32> to vector<256x128xf32>
      %mul3A_945 = arith.mulf %mul3A_943, %mul3A_944 : vector<256x128xf32>
      %add3A_946 = arith.addf %add3A_878, %mul3A_945 : vector<256x128xf32>
      %swap3A_947 = arith.index_cast %mul3A_309 : i32 to index
      %swap3A_948 = arith.constant 0 : index
      %swap3A_949 = vector.load %arg12[%swap3A_947, %swap3A_948] : memref<2048x128xf32, #tpu.memory_space<vmem>>, vector<256x128xf32>
      tpu.vector_store %arg12[%swap3A_947, %swap3A_948], %add3A_502 {strides = array<i32>} : memref<2048x128xf32, #tpu.memory_space<vmem>>, vector<256x128xf32>,
      %swap3A_950 = arith.index_cast %mul3A_309 : i32 to index
      %swap3A_951 = arith.constant 0 : index
      %swap3A_952 = vector.load %arg15[%swap3A_950, %swap3A_951] : memref<2048x128xf32, #tpu.memory_space<vmem>>, vector<256x128xf32>
      tpu.vector_store %arg15[%swap3A_950, %swap3A_951], %add3A_538 {strides = array<i32>} : memref<2048x128xf32, #tpu.memory_space<vmem>>, vector<256x128xf32>,
      %swap3A_953 = arith.index_cast %mul3A_309 : i32 to index
      %swap3A_954 = arith.constant 0 : index
      %swap3A_955 = vector.load %arg13[%swap3A_953, %swap3A_954] : memref<2048x128xf32, #tpu.memory_space<vmem>>, vector<256x128xf32>
      tpu.vector_store %arg13[%swap3A_953, %swap3A_954], %add3A_706 {strides = array<i32>} : memref<2048x128xf32, #tpu.memory_space<vmem>>, vector<256x128xf32>,
      %swap3A_956 = arith.index_cast %mul3A_309 : i32 to index
      %swap3A_957 = arith.constant 0 : index
      %swap3A_958 = vector.load %arg16[%swap3A_956, %swap3A_957] : memref<2048x128xf32, #tpu.memory_space<vmem>>, vector<256x128xf32>
      tpu.vector_store %arg16[%swap3A_956, %swap3A_957], %add3A_742 {strides = array<i32>} : memref<2048x128xf32, #tpu.memory_space<vmem>>, vector<256x128xf32>,
      %swap3A_959 = arith.index_cast %mul3A_309 : i32 to index
      %swap3A_960 = arith.constant 0 : index
      %swap3A_961 = vector.load %arg14[%swap3A_959, %swap3A_960] : memref<2048x128xf32, #tpu.memory_space<vmem>>, vector<256x128xf32>
      tpu.vector_store %arg14[%swap3A_959, %swap3A_960], %add3A_910 {strides = array<i32>} : memref<2048x128xf32, #tpu.memory_space<vmem>>, vector<256x128xf32>,
      %swap3A_962 = arith.index_cast %mul3A_309 : i32 to index
      %swap3A_963 = arith.constant 0 : index
      %swap3A_964 = vector.load %arg17[%swap3A_962, %swap3A_963] : memref<2048x128xf32, #tpu.memory_space<vmem>>, vector<256x128xf32>
      tpu.vector_store %arg17[%swap3A_962, %swap3A_963], %add3A_946 {strides = array<i32>} : memref<2048x128xf32, #tpu.memory_space<vmem>>, vector<256x128xf32>,
      %swap3A_965 = arith.index_cast %mul3A_309 : i32 to index
      %swap3A_966 = arith.constant 0 : index
      %swap3A_967 = vector.load %arg18[%swap3A_965, %swap3A_966] : memref<2048x128xf32, #tpu.memory_space<vmem>>, vector<256x128xf32>
      tpu.vector_store %arg18[%swap3A_965, %swap3A_966], %max3A_916 {strides = array<i32>} : memref<2048x128xf32, #tpu.memory_space<vmem>>, vector<256x128xf32>,
      scf.yield %add3A_920, %add3A_925 : vector<1x128xf32>, vector<1x128xf32>
    }
    %scan3A_31 = arith.constant 8 : i32
    %get3A_32 = arith.constant 0 : index
    %get3A_33 = arith.constant 0 : index
    %get3A_34 = vector.load %arg12[%get3A_32, %get3A_33] : memref<2048x128xf32, #tpu.memory_space<vmem>>, vector<2048x128xf32>
    %get3A_35 = arith.constant 0 : index
    %get3A_36 = arith.constant 0 : index
    %get3A_37 = vector.load %arg13[%get3A_35, %get3A_36] : memref<2048x128xf32, #tpu.memory_space<vmem>>, vector<2048x128xf32>
    %get3A_38 = arith.constant 0 : index
    %get3A_39 = arith.constant 0 : index
    %get3A_40 = vector.load %arg14[%get3A_38, %get3A_39] : memref<2048x128xf32, #tpu.memory_space<vmem>>, vector<2048x128xf32>
    %reduce_sum3A = arith.constant dense<0.000000e+00> : vector<128xf32>
    %reduce_sum3A_41 = vector.multi_reduction <add>, %get3A_34, %reduce_sum3A [0] : vector<2048x128xf32> to vector<128xf32>
    %broadcast_in_dim3A_42 = vector.shape_cast %reduce_sum3A_41 : vector<128xf32> to vector<1x128xf32>
    %reduce_sum3A_43 = arith.constant dense<0.000000e+00> : vector<128xf32>
    %reduce_sum3A_44 = vector.multi_reduction <add>, %get3A_37, %reduce_sum3A_43 [0] : vector<2048x128xf32> to vector<128xf32>
    %broadcast_in_dim3A_45 = vector.shape_cast %reduce_sum3A_44 : vector<128xf32> to vector<1x128xf32>
    %add3A = arith.addf %broadcast_in_dim3A_42, %broadcast_in_dim3A_45 : vector<1x128xf32>
    %reduce_sum3A_46 = arith.constant dense<0.000000e+00> : vector<128xf32>
    %reduce_sum3A_47 = vector.multi_reduction <add>, %get3A_40, %reduce_sum3A_46 [0] : vector<2048x128xf32> to vector<128xf32>
    %broadcast_in_dim3A_48 = vector.shape_cast %reduce_sum3A_47 : vector<128xf32> to vector<1x128xf32>
    %add3A_49 = arith.addf %add3A, %broadcast_in_dim3A_48 : vector<1x128xf32>
    %div3A = arith.constant 6.144000e+03 : f32
    %div3A_50 = vector.broadcast %div3A : f32 to vector<1x128xf32>
    %div3A_51 = arith.divf %add3A_49, %div3A_50 : vector<1x128xf32>
    %sub3A_52 = vector.broadcast %div3A_51 : vector<1x128xf32> to vector<2048x128xf32>
    %sub3A_53 = arith.subf %get3A_34, %sub3A_52 : vector<2048x128xf32>
    %integer_pow3A = arith.mulf %sub3A_53, %sub3A_53 : vector<2048x128xf32>
    %reduce_sum3A_54 = arith.constant dense<0.000000e+00> : vector<128xf32>
    %reduce_sum3A_55 = vector.multi_reduction <add>, %integer_pow3A, %reduce_sum3A_54 [0] : vector<2048x128xf32> to vector<128xf32>
    %broadcast_in_dim3A_56 = vector.shape_cast %reduce_sum3A_55 : vector<128xf32> to vector<1x128xf32>
    %sub3A_57 = vector.broadcast %div3A_51 : vector<1x128xf32> to vector<2048x128xf32>
    %sub3A_58 = arith.subf %get3A_37, %sub3A_57 : vector<2048x128xf32>
    %integer_pow3A_59 = arith.mulf %sub3A_58, %sub3A_58 : vector<2048x128xf32>
    %reduce_sum3A_60 = arith.constant dense<0.000000e+00> : vector<128xf32>
    %reduce_sum3A_61 = vector.multi_reduction <add>, %integer_pow3A_59, %reduce_sum3A_60 [0] : vector<2048x128xf32> to vector<128xf32>
    %broadcast_in_dim3A_62 = vector.shape_cast %reduce_sum3A_61 : vector<128xf32> to vector<1x128xf32>
    %add3A_63 = arith.addf %broadcast_in_dim3A_56, %broadcast_in_dim3A_62 : vector<1x128xf32>
    %sub3A_64 = vector.broadcast %div3A_51 : vector<1x128xf32> to vector<2048x128xf32>
    %sub3A_65 = arith.subf %get3A_40, %sub3A_64 : vector<2048x128xf32>
    %integer_pow3A_66 = arith.mulf %sub3A_65, %sub3A_65 : vector<2048x128xf32>
    %reduce_sum3A_67 = arith.constant dense<0.000000e+00> : vector<128xf32>
    %reduce_sum3A_68 = vector.multi_reduction <add>, %integer_pow3A_66, %reduce_sum3A_67 [0] : vector<2048x128xf32> to vector<128xf32>
    %broadcast_in_dim3A_69 = vector.shape_cast %reduce_sum3A_68 : vector<128xf32> to vector<1x128xf32>
    %add3A_70 = arith.addf %add3A_63, %broadcast_in_dim3A_69 : vector<1x128xf32>
    %div3A_71 = arith.constant 6.144000e+03 : f32
    %div3A_72 = vector.broadcast %div3A_71 : f32 to vector<1x128xf32>
    %div3A_73 = arith.divf %add3A_70, %div3A_72 : vector<1x128xf32>
    %add3A_74 = arith.constant 9.99999974E-6 : f32
    %add3A_75 = vector.broadcast %add3A_74 : f32 to vector<1x128xf32>
    %add3A_76 = arith.addf %div3A_73, %add3A_75 : vector<1x128xf32>
    %rsqrt3A = math.rsqrt %add3A_76 : vector<1x128xf32>
    %sub3A_77 = vector.broadcast %div3A_51 : vector<1x128xf32> to vector<2048x128xf32>
    %sub3A_78 = arith.subf %get3A_34, %sub3A_77 : vector<2048x128xf32>
    %mul3A = vector.broadcast %rsqrt3A : vector<1x128xf32> to vector<2048x128xf32>
    %mul3A_79 = arith.mulf %sub3A_78, %mul3A : vector<2048x128xf32>
    %max3A = arith.constant 0.000000e+00 : f32
    %max3A_80 = vector.broadcast %max3A : f32 to vector<2048x128xf32>
    %max3A_81 = arith.maximumf %mul3A_79, %max3A_80 : vector<2048x128xf32>
    %sub3A_82 = vector.broadcast %div3A_51 : vector<1x128xf32> to vector<2048x128xf32>
    %sub3A_83 = arith.subf %get3A_37, %sub3A_82 : vector<2048x128xf32>
    %mul3A_84 = vector.broadcast %rsqrt3A : vector<1x128xf32> to vector<2048x128xf32>
    %mul3A_85 = arith.mulf %sub3A_83, %mul3A_84 : vector<2048x128xf32>
    %max3A_86 = arith.constant 0.000000e+00 : f32
    %max3A_87 = vector.broadcast %max3A_86 : f32 to vector<2048x128xf32>
    %max3A_88 = arith.maximumf %mul3A_85, %max3A_87 : vector<2048x128xf32>
    %sub3A_89 = vector.broadcast %div3A_51 : vector<1x128xf32> to vector<2048x128xf32>
    %sub3A_90 = arith.subf %get3A_40, %sub3A_89 : vector<2048x128xf32>
    %mul3A_91 = vector.broadcast %rsqrt3A : vector<1x128xf32> to vector<2048x128xf32>
    %mul3A_92 = arith.mulf %sub3A_90, %mul3A_91 : vector<2048x128xf32>
    %max3A_93 = arith.constant 0.000000e+00 : f32
    %max3A_94 = vector.broadcast %max3A_93 : f32 to vector<2048x128xf32>
    %max3A_95 = arith.maximumf %mul3A_92, %max3A_94 : vector<2048x128xf32>
    %get3A_96 = arith.constant 0 : index
    %get3A_97 = arith.constant 0 : index
    %get3A_98 = arith.constant 0 : index
    %get3A_99 = vector.load %arg5[%get3A_96, %get3A_97, %get3A_98] : memref<3x128x128xf32, #tpu.memory_space<vmem>>, vector<1x128x128xf32>
    %get3A_100 = vector.shape_cast %get3A_99 : vector<1x128x128xf32> to vector<128x128xf32>
    %dot_general3A = arith.constant dense<0.000000e+00> : vector<2048x128xf32>
    %dot_general3A_101 = tpu.matmul %max3A_81, %get3A_100, %dot_general3A {dimension_numbers = #tpu.dot_dimension_numbers<[1], [0], [0], [1], [0, 0, 1, 1], [], []>, transpose_lhs_hint = false} : vector<2048x128xf32>, vector<128x128xf32>, vector<2048x128xf32> -> vector<2048x128xf32>
    %get3A_102 = arith.constant 1 : index
    %get3A_103 = arith.constant 0 : index
    %get3A_104 = arith.constant 0 : index
    %get3A_105 = vector.load %arg5[%get3A_102, %get3A_103, %get3A_104] : memref<3x128x128xf32, #tpu.memory_space<vmem>>, vector<1x128x128xf32>
    %get3A_106 = vector.shape_cast %get3A_105 : vector<1x128x128xf32> to vector<128x128xf32>
    %dot_general3A_107 = arith.constant dense<0.000000e+00> : vector<2048x128xf32>
    %dot_general3A_108 = tpu.matmul %max3A_88, %get3A_106, %dot_general3A_107 {dimension_numbers = #tpu.dot_dimension_numbers<[1], [0], [0], [1], [0, 0, 1, 1], [], []>, transpose_lhs_hint = false} : vector<2048x128xf32>, vector<128x128xf32>, vector<2048x128xf32> -> vector<2048x128xf32>
    %add3A_109 = arith.addf %dot_general3A_101, %dot_general3A_108 : vector<2048x128xf32>
    %get3A_110 = arith.constant 2 : index
    %get3A_111 = arith.constant 0 : index
    %get3A_112 = arith.constant 0 : index
    %get3A_113 = vector.load %arg5[%get3A_110, %get3A_111, %get3A_112] : memref<3x128x128xf32, #tpu.memory_space<vmem>>, vector<1x128x128xf32>
    %get3A_114 = vector.shape_cast %get3A_113 : vector<1x128x128xf32> to vector<128x128xf32>
    %dot_general3A_115 = arith.constant dense<0.000000e+00> : vector<2048x128xf32>
    %dot_general3A_116 = tpu.matmul %max3A_95, %get3A_114, %dot_general3A_115 {dimension_numbers = #tpu.dot_dimension_numbers<[1], [0], [0], [1], [0, 0, 1, 1], [], []>, transpose_lhs_hint = false} : vector<2048x128xf32>, vector<128x128xf32>, vector<2048x128xf32> -> vector<2048x128xf32>
    %add3A_117 = arith.addf %add3A_109, %dot_general3A_116 : vector<2048x128xf32>
    %reduce_sum3A_118 = arith.constant dense<0.000000e+00> : vector<128xf32>
    %reduce_sum3A_119 = vector.multi_reduction <add>, %add3A_117, %reduce_sum3A_118 [0] : vector<2048x128xf32> to vector<128xf32>
    %broadcast_in_dim3A_120 = vector.shape_cast %reduce_sum3A_119 : vector<128xf32> to vector<1x128xf32>
    %div3A_121 = arith.constant 2.048000e+03 : f32
    %div3A_122 = vector.broadcast %div3A_121 : f32 to vector<1x128xf32>
    %div3A_123 = arith.divf %broadcast_in_dim3A_120, %div3A_122 : vector<1x128xf32>
    %sub3A_124 = vector.broadcast %div3A_123 : vector<1x128xf32> to vector<2048x128xf32>
    %sub3A_125 = arith.subf %add3A_117, %sub3A_124 : vector<2048x128xf32>
    %integer_pow3A_126 = arith.mulf %sub3A_125, %sub3A_125 : vector<2048x128xf32>
    %reduce_sum3A_127 = arith.constant dense<0.000000e+00> : vector<128xf32>
    %reduce_sum3A_128 = vector.multi_reduction <add>, %integer_pow3A_126, %reduce_sum3A_127 [0] : vector<2048x128xf32> to vector<128xf32>
    %broadcast_in_dim3A_129 = vector.shape_cast %reduce_sum3A_128 : vector<128xf32> to vector<1x128xf32>
    %div3A_130 = arith.constant 2.048000e+03 : f32
    %div3A_131 = vector.broadcast %div3A_130 : f32 to vector<1x128xf32>
    %div3A_132 = arith.divf %broadcast_in_dim3A_129, %div3A_131 : vector<1x128xf32>
    %add3A_133 = arith.constant 9.99999974E-6 : f32
    %add3A_134 = vector.broadcast %add3A_133 : f32 to vector<1x128xf32>
    %add3A_135 = arith.addf %div3A_132, %add3A_134 : vector<1x128xf32>
    %rsqrt3A_136 = math.rsqrt %add3A_135 : vector<1x128xf32>
    %sub3A_137 = vector.broadcast %div3A_123 : vector<1x128xf32> to vector<2048x128xf32>
    %sub3A_138 = arith.subf %add3A_117, %sub3A_137 : vector<2048x128xf32>
    %mul3A_139 = vector.broadcast %rsqrt3A_136 : vector<1x128xf32> to vector<2048x128xf32>
    %mul3A_140 = arith.mulf %sub3A_138, %mul3A_139 : vector<2048x128xf32>
    %max3A_141 = arith.constant 0.000000e+00 : f32
    %max3A_142 = vector.broadcast %max3A_141 : f32 to vector<2048x128xf32>
    %max3A_143 = arith.maximumf %mul3A_140, %max3A_142 : vector<2048x128xf32>
    %swap3A = arith.constant 0 : index
    %swap3A_144 = arith.constant 0 : index
    %swap3A_145 = arith.constant 0 : index
    %swap3A_146 = vector.load %arg9[%swap3A, %swap3A_144, %swap3A_145] : memref<1x2048x128xf32, #tpu.memory_space<vmem>>, vector<1x2048x128xf32>
    %swap3A_147 = vector.shape_cast %swap3A_146 : vector<1x2048x128xf32> to vector<2048x128xf32>
    %swap3A_148 = vector.shape_cast %max3A_143 : vector<2048x128xf32> to vector<1x2048x128xf32>
    tpu.vector_store %arg9[%swap3A, %swap3A_144, %swap3A_145], %swap3A_148 {strides = array<i32>} : memref<1x2048x128xf32, #tpu.memory_space<vmem>>, vector<1x2048x128xf32>,
    %get3A_149 = arith.constant 0 : index
    %get3A_150 = arith.constant 0 : index
    %get3A_151 = vector.load %arg15[%get3A_149, %get3A_150] : memref<2048x128xf32, #tpu.memory_space<vmem>>, vector<2048x128xf32>
    %get3A_152 = arith.constant 0 : index
    %get3A_153 = arith.constant 0 : index
    %get3A_154 = vector.load %arg16[%get3A_152, %get3A_153] : memref<2048x128xf32, #tpu.memory_space<vmem>>, vector<2048x128xf32>
    %get3A_155 = arith.constant 0 : index
    %get3A_156 = arith.constant 0 : index
    %get3A_157 = vector.load %arg17[%get3A_155, %get3A_156] : memref<2048x128xf32, #tpu.memory_space<vmem>>, vector<2048x128xf32>
    %reduce_sum3A_158 = arith.constant dense<0.000000e+00> : vector<128xf32>
    %reduce_sum3A_159 = vector.multi_reduction <add>, %get3A_151, %reduce_sum3A_158 [0] : vector<2048x128xf32> to vector<128xf32>
    %broadcast_in_dim3A_160 = vector.shape_cast %reduce_sum3A_159 : vector<128xf32> to vector<1x128xf32>
    %reduce_sum3A_161 = arith.constant dense<0.000000e+00> : vector<128xf32>
    %reduce_sum3A_162 = vector.multi_reduction <add>, %get3A_154, %reduce_sum3A_161 [0] : vector<2048x128xf32> to vector<128xf32>
    %broadcast_in_dim3A_163 = vector.shape_cast %reduce_sum3A_162 : vector<128xf32> to vector<1x128xf32>
    %add3A_164 = arith.addf %broadcast_in_dim3A_160, %broadcast_in_dim3A_163 : vector<1x128xf32>
    %reduce_sum3A_165 = arith.constant dense<0.000000e+00> : vector<128xf32>
    %reduce_sum3A_166 = vector.multi_reduction <add>, %get3A_157, %reduce_sum3A_165 [0] : vector<2048x128xf32> to vector<128xf32>
    %broadcast_in_dim3A_167 = vector.shape_cast %reduce_sum3A_166 : vector<128xf32> to vector<1x128xf32>
    %add3A_168 = arith.addf %add3A_164, %broadcast_in_dim3A_167 : vector<1x128xf32>
    %div3A_169 = arith.constant 6.144000e+03 : f32
    %div3A_170 = vector.broadcast %div3A_169 : f32 to vector<1x128xf32>
    %div3A_171 = arith.divf %add3A_168, %div3A_170 : vector<1x128xf32>
    %sub3A_172 = vector.broadcast %div3A_171 : vector<1x128xf32> to vector<2048x128xf32>
    %sub3A_173 = arith.subf %get3A_151, %sub3A_172 : vector<2048x128xf32>
    %integer_pow3A_174 = arith.mulf %sub3A_173, %sub3A_173 : vector<2048x128xf32>
    %reduce_sum3A_175 = arith.constant dense<0.000000e+00> : vector<128xf32>
    %reduce_sum3A_176 = vector.multi_reduction <add>, %integer_pow3A_174, %reduce_sum3A_175 [0] : vector<2048x128xf32> to vector<128xf32>
    %broadcast_in_dim3A_177 = vector.shape_cast %reduce_sum3A_176 : vector<128xf32> to vector<1x128xf32>
    %sub3A_178 = vector.broadcast %div3A_171 : vector<1x128xf32> to vector<2048x128xf32>
    %sub3A_179 = arith.subf %get3A_154, %sub3A_178 : vector<2048x128xf32>
    %integer_pow3A_180 = arith.mulf %sub3A_179, %sub3A_179 : vector<2048x128xf32>
    %reduce_sum3A_181 = arith.constant dense<0.000000e+00> : vector<128xf32>
    %reduce_sum3A_182 = vector.multi_reduction <add>, %integer_pow3A_180, %reduce_sum3A_181 [0] : vector<2048x128xf32> to vector<128xf32>
    %broadcast_in_dim3A_183 = vector.shape_cast %reduce_sum3A_182 : vector<128xf32> to vector<1x128xf32>
    %add3A_184 = arith.addf %broadcast_in_dim3A_177, %broadcast_in_dim3A_183 : vector<1x128xf32>
    %sub3A_185 = vector.broadcast %div3A_171 : vector<1x128xf32> to vector<2048x128xf32>
    %sub3A_186 = arith.subf %get3A_157, %sub3A_185 : vector<2048x128xf32>
    %integer_pow3A_187 = arith.mulf %sub3A_186, %sub3A_186 : vector<2048x128xf32>
    %reduce_sum3A_188 = arith.constant dense<0.000000e+00> : vector<128xf32>
    %reduce_sum3A_189 = vector.multi_reduction <add>, %integer_pow3A_187, %reduce_sum3A_188 [0] : vector<2048x128xf32> to vector<128xf32>
    %broadcast_in_dim3A_190 = vector.shape_cast %reduce_sum3A_189 : vector<128xf32> to vector<1x128xf32>
    %add3A_191 = arith.addf %add3A_184, %broadcast_in_dim3A_190 : vector<1x128xf32>
    %div3A_192 = arith.constant 6.144000e+03 : f32
    %div3A_193 = vector.broadcast %div3A_192 : f32 to vector<1x128xf32>
    %div3A_194 = arith.divf %add3A_191, %div3A_193 : vector<1x128xf32>
    %add3A_195 = arith.constant 9.99999974E-6 : f32
    %add3A_196 = vector.broadcast %add3A_195 : f32 to vector<1x128xf32>
    %add3A_197 = arith.addf %div3A_194, %add3A_196 : vector<1x128xf32>
    %rsqrt3A_198 = math.rsqrt %add3A_197 : vector<1x128xf32>
    %sub3A_199 = vector.broadcast %div3A_171 : vector<1x128xf32> to vector<2048x128xf32>
    %sub3A_200 = arith.subf %get3A_151, %sub3A_199 : vector<2048x128xf32>
    %mul3A_201 = vector.broadcast %rsqrt3A_198 : vector<1x128xf32> to vector<2048x128xf32>
    %mul3A_202 = arith.mulf %sub3A_200, %mul3A_201 : vector<2048x128xf32>
    %max3A_203 = arith.constant 0.000000e+00 : f32
    %max3A_204 = vector.broadcast %max3A_203 : f32 to vector<2048x128xf32>
    %max3A_205 = arith.maximumf %mul3A_202, %max3A_204 : vector<2048x128xf32>
    %sub3A_206 = vector.broadcast %div3A_171 : vector<1x128xf32> to vector<2048x128xf32>
    %sub3A_207 = arith.subf %get3A_154, %sub3A_206 : vector<2048x128xf32>
    %mul3A_208 = vector.broadcast %rsqrt3A_198 : vector<1x128xf32> to vector<2048x128xf32>
    %mul3A_209 = arith.mulf %sub3A_207, %mul3A_208 : vector<2048x128xf32>
    %max3A_210 = arith.constant 0.000000e+00 : f32
    %max3A_211 = vector.broadcast %max3A_210 : f32 to vector<2048x128xf32>
    %max3A_212 = arith.maximumf %mul3A_209, %max3A_211 : vector<2048x128xf32>
    %sub3A_213 = vector.broadcast %div3A_171 : vector<1x128xf32> to vector<2048x128xf32>
    %sub3A_214 = arith.subf %get3A_157, %sub3A_213 : vector<2048x128xf32>
    %mul3A_215 = vector.broadcast %rsqrt3A_198 : vector<1x128xf32> to vector<2048x128xf32>
    %mul3A_216 = arith.mulf %sub3A_214, %mul3A_215 : vector<2048x128xf32>
    %max3A_217 = arith.constant 0.000000e+00 : f32
    %max3A_218 = vector.broadcast %max3A_217 : f32 to vector<2048x128xf32>
    %max3A_219 = arith.maximumf %mul3A_216, %max3A_218 : vector<2048x128xf32>
    %get3A_220 = arith.constant 0 : index
    %get3A_221 = arith.constant 0 : index
    %get3A_222 = arith.constant 0 : index
    %get3A_223 = vector.load %arg8[%get3A_220, %get3A_221, %get3A_222] : memref<3x128x128xf32, #tpu.memory_space<vmem>>, vector<1x128x128xf32>
    %get3A_224 = vector.shape_cast %get3A_223 : vector<1x128x128xf32> to vector<128x128xf32>
    %dot_general3A_225 = arith.constant dense<0.000000e+00> : vector<2048x128xf32>
    %dot_general3A_226 = tpu.matmul %max3A_205, %get3A_224, %dot_general3A_225 {dimension_numbers = #tpu.dot_dimension_numbers<[1], [0], [0], [1], [0, 0, 1, 1], [], []>, transpose_lhs_hint = false} : vector<2048x128xf32>, vector<128x128xf32>, vector<2048x128xf32> -> vector<2048x128xf32>
    %get3A_227 = arith.constant 1 : index
    %get3A_228 = arith.constant 0 : index
    %get3A_229 = arith.constant 0 : index
    %get3A_230 = vector.load %arg8[%get3A_227, %get3A_228, %get3A_229] : memref<3x128x128xf32, #tpu.memory_space<vmem>>, vector<1x128x128xf32>
    %get3A_231 = vector.shape_cast %get3A_230 : vector<1x128x128xf32> to vector<128x128xf32>
    %dot_general3A_232 = arith.constant dense<0.000000e+00> : vector<2048x128xf32>
    %dot_general3A_233 = tpu.matmul %max3A_212, %get3A_231, %dot_general3A_232 {dimension_numbers = #tpu.dot_dimension_numbers<[1], [0], [0], [1], [0, 0, 1, 1], [], []>, transpose_lhs_hint = false} : vector<2048x128xf32>, vector<128x128xf32>, vector<2048x128xf32> -> vector<2048x128xf32>
    %add3A_234 = arith.addf %dot_general3A_226, %dot_general3A_233 : vector<2048x128xf32>
    %get3A_235 = arith.constant 2 : index
    %get3A_236 = arith.constant 0 : index
    %get3A_237 = arith.constant 0 : index
    %get3A_238 = vector.load %arg8[%get3A_235, %get3A_236, %get3A_237] : memref<3x128x128xf32, #tpu.memory_space<vmem>>, vector<1x128x128xf32>
    %get3A_239 = vector.shape_cast %get3A_238 : vector<1x128x128xf32> to vector<128x128xf32>
    %dot_general3A_240 = arith.constant dense<0.000000e+00> : vector<2048x128xf32>
    %dot_general3A_241 = tpu.matmul %max3A_219, %get3A_239, %dot_general3A_240 {dimension_numbers = #tpu.dot_dimension_numbers<[1], [0], [0], [1], [0, 0, 1, 1], [], []>, transpose_lhs_hint = false} : vector<2048x128xf32>, vector<128x128xf32>, vector<2048x128xf32> -> vector<2048x128xf32>
    %add3A_242 = arith.addf %add3A_234, %dot_general3A_241 : vector<2048x128xf32>
    %reduce_sum3A_243 = arith.constant dense<0.000000e+00> : vector<128xf32>
    %reduce_sum3A_244 = vector.multi_reduction <add>, %add3A_242, %reduce_sum3A_243 [0] : vector<2048x128xf32> to vector<128xf32>
    %broadcast_in_dim3A_245 = vector.shape_cast %reduce_sum3A_244 : vector<128xf32> to vector<1x128xf32>
    %div3A_246 = arith.constant 2.048000e+03 : f32
    %div3A_247 = vector.broadcast %div3A_246 : f32 to vector<1x128xf32>
    %div3A_248 = arith.divf %broadcast_in_dim3A_245, %div3A_247 : vector<1x128xf32>
    %sub3A_249 = vector.broadcast %div3A_248 : vector<1x128xf32> to vector<2048x128xf32>
    %sub3A_250 = arith.subf %add3A_242, %sub3A_249 : vector<2048x128xf32>
    %integer_pow3A_251 = arith.mulf %sub3A_250, %sub3A_250 : vector<2048x128xf32>
    %reduce_sum3A_252 = arith.constant dense<0.000000e+00> : vector<128xf32>
    %reduce_sum3A_253 = vector.multi_reduction <add>, %integer_pow3A_251, %reduce_sum3A_252 [0] : vector<2048x128xf32> to vector<128xf32>
    %broadcast_in_dim3A_254 = vector.shape_cast %reduce_sum3A_253 : vector<128xf32> to vector<1x128xf32>
    %div3A_255 = arith.constant 2.048000e+03 : f32
    %div3A_256 = vector.broadcast %div3A_255 : f32 to vector<1x128xf32>
    %div3A_257 = arith.divf %broadcast_in_dim3A_254, %div3A_256 : vector<1x128xf32>
    %add3A_258 = arith.constant 9.99999974E-6 : f32
    %add3A_259 = vector.broadcast %add3A_258 : f32 to vector<1x128xf32>
    %add3A_260 = arith.addf %div3A_257, %add3A_259 : vector<1x128xf32>
    %rsqrt3A_261 = math.rsqrt %add3A_260 : vector<1x128xf32>
    %sub3A_262 = vector.broadcast %div3A_248 : vector<1x128xf32> to vector<2048x128xf32>
    %sub3A_263 = arith.subf %add3A_242, %sub3A_262 : vector<2048x128xf32>
    %mul3A_264 = vector.broadcast %rsqrt3A_261 : vector<1x128xf32> to vector<2048x128xf32>
    %mul3A_265 = arith.mulf %sub3A_263, %mul3A_264 : vector<2048x128xf32>
    %max3A_266 = arith.constant 0.000000e+00 : f32
    %max3A_267 = vector.broadcast %max3A_266 : f32 to vector<2048x128xf32>
    %max3A_268 = arith.maximumf %mul3A_265, %max3A_267 : vector<2048x128xf32>
    %swap3A_269 = arith.constant 0 : index
    %swap3A_270 = arith.constant 0 : index
    %swap3A_271 = arith.constant 0 : index
    %swap3A_272 = vector.load %arg10[%swap3A_269, %swap3A_270, %swap3A_271] : memref<1x2048x128xf32, #tpu.memory_space<vmem>>, vector<1x2048x128xf32>
    %swap3A_273 = vector.shape_cast %swap3A_272 : vector<1x2048x128xf32> to vector<2048x128xf32>
    %swap3A_274 = vector.shape_cast %max3A_268 : vector<2048x128xf32> to vector<1x2048x128xf32>
    tpu.vector_store %arg10[%swap3A_269, %swap3A_270, %swap3A_271], %swap3A_274 {strides = array<i32>} : memref<1x2048x128xf32, #tpu.memory_space<vmem>>, vector<1x2048x128xf32>,
    %div3A_275 = arith.constant 1.843200e+04 : f32
    %div3A_276 = vector.broadcast %div3A_275 : f32 to vector<1x128xf32>
    %div3A_277 = arith.divf %scan3A_30#0, %div3A_276 : vector<1x128xf32>
    %div3A_278 = arith.constant 1.843200e+04 : f32
    %div3A_279 = vector.broadcast %div3A_278 : f32 to vector<1x128xf32>
    %div3A_280 = arith.divf %scan3A_30#1, %div3A_279 : vector<1x128xf32>
    %mul3A_281 = arith.mulf %div3A_277, %div3A_277 : vector<1x128xf32>
    %sub3A_282 = arith.subf %div3A_280, %mul3A_281 : vector<1x128xf32>
    %add3A_283 = arith.constant 9.99999974E-6 : f32
    %add3A_284 = vector.broadcast %add3A_283 : f32 to vector<1x128xf32>
    %add3A_285 = arith.addf %sub3A_282, %add3A_284 : vector<1x128xf32>
    %rsqrt3A_286 = math.rsqrt %add3A_285 : vector<1x128xf32>
    %get3A_287 = arith.constant 0 : index
    %get3A_288 = arith.constant 0 : index
    %get3A_289 = vector.load %arg18[%get3A_287, %get3A_288] : memref<2048x128xf32, #tpu.memory_space<vmem>>, vector<2048x128xf32>
    %sub3A_290 = vector.broadcast %div3A_277 : vector<1x128xf32> to vector<2048x128xf32>
    %sub3A_291 = arith.subf %get3A_289, %sub3A_290 : vector<2048x128xf32>
    %mul3A_292 = vector.broadcast %rsqrt3A_286 : vector<1x128xf32> to vector<2048x128xf32>
    %mul3A_293 = arith.mulf %sub3A_291, %mul3A_292 : vector<2048x128xf32>
    %ge3A = arith.constant 0.000000e+00 : f32
    %ge3A_294 = vector.broadcast %ge3A : f32 to vector<2048x128xf32>
    %ge3A_295 = arith.cmpf oge, %mul3A_293, %ge3A_294 : vector<2048x128xf32>
    %mul3A_296 = arith.constant 2.000000e-01 : f32
    %mul3A_297 = vector.broadcast %mul3A_296 : f32 to vector<2048x128xf32>
    %mul3A_298 = arith.mulf %mul3A_297, %mul3A_293 : vector<2048x128xf32>
    %select_n3A = arith.select %ge3A_295, %mul3A_293, %mul3A_298 : vector<2048x128xi1>, vector<2048x128xf32>
    %swap3A_299 = arith.constant 0 : index
    %swap3A_300 = arith.constant 0 : index
    %swap3A_301 = arith.constant 0 : index
    %swap3A_302 = vector.load %arg11[%swap3A_299, %swap3A_300, %swap3A_301] : memref<1x2048x128xf32, #tpu.memory_space<vmem>>, vector<1x2048x128xf32>
    %swap3A_303 = vector.shape_cast %swap3A_302 : vector<1x2048x128xf32> to vector<2048x128xf32>
    %swap3A_304 = vector.shape_cast %select_n3A : vector<2048x128xf32> to vector<1x2048x128xf32>
    tpu.vector_store %arg11[%swap3A_299, %swap3A_300, %swap3A_301], %swap3A_304 {strides = array<i32>} : memref<1x2048x128xf32, #tpu.memory_space<vmem>>, vector<1x2048x128xf32>,
    return
  }
  func.func @transform_0(%arg0: i32) -> (i32, i32, i32) {
    %c0_i32 = arith.constant 0 : i32
    %c0_i32_0 = arith.constant 0 : i32
    %c0_i32_1 = arith.constant 0 : i32
    return %arg0, %c0_i32, %c0_i32_0 : i32, i32, i32
  }
  func.func @transform_1(%arg0: i32) -> (i32, i32, i32) {
    %c0_i32 = arith.constant 0 : i32
    %c0_i32_0 = arith.constant 0 : i32
    %c0_i32_1 = arith.constant 0 : i32
    return %arg0, %c0_i32, %c0_i32_0 : i32, i32, i32
  }
  func.func @transform_2(%arg0: i32) -> (i32, i32, i32) {
    %c0_i32 = arith.constant 0 : i32
    %c0_i32_0 = arith.constant 0 : i32
    %c0_i32_1 = arith.constant 0 : i32
    return %arg0, %c0_i32, %c0_i32_0 : i32, i32, i32
  }
  func.func @transform_3(%arg0: i32) -> (i32, i32, i32) {
    %c0_i32 = arith.constant 0 : i32
    %c0_i32_0 = arith.constant 0 : i32
    %c0_i32_1 = arith.constant 0 : i32
    %c0_i32_2 = arith.constant 0 : i32
    return %c0_i32, %c0_i32_0, %c0_i32_1 : i32, i32, i32
  }
  func.func @transform_4(%arg0: i32) -> (i32, i32, i32) {
    %c0_i32 = arith.constant 0 : i32
    %c0_i32_0 = arith.constant 0 : i32
    %c0_i32_1 = arith.constant 0 : i32
    %c0_i32_2 = arith.constant 0 : i32
    return %c0_i32, %c0_i32_0, %c0_i32_1 : i32, i32, i32
  }
  func.func @transform_5(%arg0: i32) -> (i32, i32) {
    %c0_i32 = arith.constant 0 : i32
    %c0_i32_0 = arith.constant 0 : i32
    %c0_i32_1 = arith.constant 0 : i32
    return %c0_i32, %c0_i32_0 : i32, i32
  }
  func.func @transform_6(%arg0: i32) -> (i32, i32) {
    %c0_i32 = arith.constant 0 : i32
    %c0_i32_0 = arith.constant 0 : i32
    %c0_i32_1 = arith.constant 0 : i32
    return %c0_i32, %c0_i32_0 : i32, i32
  }
  func.func @transform_7(%arg0: i32) -> (i32, i32, i32) {
    %c0_i32 = arith.constant 0 : i32
    %c0_i32_0 = arith.constant 0 : i32
    %c0_i32_1 = arith.constant 0 : i32
    %c0_i32_2 = arith.constant 0 : i32
    return %c0_i32, %c0_i32_0, %c0_i32_1 : i32, i32, i32
  }
  func.func @transform_8(%arg0: i32) -> (i32, i32, i32) {
    %c0_i32 = arith.constant 0 : i32
    %c0_i32_0 = arith.constant 0 : i32
    %c0_i32_1 = arith.constant 0 : i32
    return %arg0, %c0_i32, %c0_i32_0 : i32, i32, i32
  }
  func.func @transform_9(%arg0: i32) -> (i32, i32, i32) {
    %c0_i32 = arith.constant 0 : i32
    %c0_i32_0 = arith.constant 0 : i32
    %c0_i32_1 = arith.constant 0 : i32
    return %arg0, %c0_i32, %c0_i32_0 : i32, i32, i32
  }
  func.func @transform_10(%arg0: i32) -> (i32, i32, i32) {
    %c0_i32 = arith.constant 0 : i32
    %c0_i32_0 = arith.constant 0 : i32
    %c0_i32_1 = arith.constant 0 : i32
    return %arg0, %c0_i32, %c0_i32_0 : i32, i32, i32
  }
}

module attributes {stable_mosaic.version = 14 : i64} {
  func.func @_self2_kernel(%arg0: i32, %arg1: memref<1x2048x128xf32, #tpu.memory_space<vmem>>, %arg2: memref<1x2048x128xf32, #tpu.memory_space<vmem>>, %arg3: memref<1x2048x128xf32, #tpu.memory_space<vmem>>, %arg4: memref<1x2048x128xf32, #tpu.memory_space<vmem>>, %arg5: memref<1x2048x9xi32, #tpu.memory_space<vmem>>, %arg6: memref<3x256x128xf32, #tpu.memory_space<vmem>>, %arg7: memref<3x128x128xf32, #tpu.memory_space<vmem>>, %arg8: memref<256x256xf32, #tpu.memory_space<vmem>>, %arg9: memref<384x128xf32, #tpu.memory_space<vmem>>, %arg10: memref<512x128xf32, #tpu.memory_space<vmem>>, %arg11: memref<1x2048x128xf32, #tpu.memory_space<vmem>>, %arg12: memref<2048x128xf32, #tpu.memory_space<vmem>>, %arg13: memref<2048x128xf32, #tpu.memory_space<vmem>>, %arg14: memref<2048x128xf32, #tpu.memory_space<vmem>>, %arg15: memref<2048x256xf32, #tpu.memory_space<vmem>>) attributes {dimension_semantics = [#tpu.dimension_semantics<arbitrary>], iteration_bounds = array<i64: 4>, scalar_prefetch = 0 : i64, scratch_operands = 4 : i64, tpu.core_type = #tpu.core_type<tc>, window_params = [{transform_indices = @transform_0, window_bounds = array<i64: 1, 2048, 128>}, {transform_indices = @transform_1, window_bounds = array<i64: 1, 2048, 128>}, {transform_indices = @transform_2, window_bounds = array<i64: 1, 2048, 128>}, {transform_indices = @transform_3, window_bounds = array<i64: 1, 2048, 128>}, {transform_indices = @transform_4, window_bounds = array<i64: 1, 2048, 9>}, {pipeline_mode = #tpu.pipeline_mode<synchronous>, transform_indices = @transform_5, window_bounds = array<i64: 3, 256, 128>}, {pipeline_mode = #tpu.pipeline_mode<synchronous>, transform_indices = @transform_6, window_bounds = array<i64: 3, 128, 128>}, {pipeline_mode = #tpu.pipeline_mode<synchronous>, transform_indices = @transform_7, window_bounds = array<i64: 256, 256>}, {pipeline_mode = #tpu.pipeline_mode<synchronous>, transform_indices = @transform_8, window_bounds = array<i64: 384, 128>}, {pipeline_mode = #tpu.pipeline_mode<synchronous>, transform_indices = @transform_9, window_bounds = array<i64: 512, 128>}, {transform_indices = @transform_10, window_bounds = array<i64: 1, 2048, 128>}]} {
    %get3A = arith.constant 0 : index
    %get3A_0 = arith.constant 0 : index
    %get3A_1 = arith.constant 0 : index
    %get3A_2 = vector.load %arg2[%get3A, %get3A_0, %get3A_1] : memref<1x2048x128xf32, #tpu.memory_space<vmem>>, vector<1x2048x128xf32>
    %get3A_3 = vector.shape_cast %get3A_2 : vector<1x2048x128xf32> to vector<2048x128xf32>
    %get3A_4 = arith.constant 0 : index
    %get3A_5 = arith.constant 0 : index
    %get3A_6 = arith.constant 0 : index
    %get3A_7 = vector.load %arg3[%get3A_4, %get3A_5, %get3A_6] : memref<1x2048x128xf32, #tpu.memory_space<vmem>>, vector<1x2048x128xf32>
    %get3A_8 = vector.shape_cast %get3A_7 : vector<1x2048x128xf32> to vector<2048x128xf32>
    %convert_element_type3A = arith.truncf %get3A_3 : vector<2048x128xf32> to vector<2048x128xbf16>
    %convert_element_type3A_9 = arith.extf %convert_element_type3A : vector<2048x128xbf16> to vector<2048x128xf32>
    %sub3A = arith.subf %get3A_3, %convert_element_type3A_9 : vector<2048x128xf32>
    %convert_element_type3A_10 = arith.truncf %sub3A : vector<2048x128xf32> to vector<2048x128xbf16>
    %convert_element_type3A_11 = arith.extf %convert_element_type3A_10 : vector<2048x128xbf16> to vector<2048x128xf32>
    %sub3A_12 = arith.subf %sub3A, %convert_element_type3A_11 : vector<2048x128xf32>
    %convert_element_type3A_13 = arith.truncf %sub3A_12 : vector<2048x128xf32> to vector<2048x128xbf16>
    %convert_element_type3A_14 = arith.truncf %get3A_8 : vector<2048x128xf32> to vector<2048x128xbf16>
    %convert_element_type3A_15 = arith.extf %convert_element_type3A_14 : vector<2048x128xbf16> to vector<2048x128xf32>
    %sub3A_16 = arith.subf %get3A_8, %convert_element_type3A_15 : vector<2048x128xf32>
    %convert_element_type3A_17 = arith.truncf %sub3A_16 : vector<2048x128xf32> to vector<2048x128xbf16>
    %convert_element_type3A_18 = arith.extf %convert_element_type3A_17 : vector<2048x128xbf16> to vector<2048x128xf32>
    %sub3A_19 = arith.subf %sub3A_16, %convert_element_type3A_18 : vector<2048x128xf32>
    %convert_element_type3A_20 = arith.truncf %sub3A_19 : vector<2048x128xf32> to vector<2048x128xbf16>
    %iota3A = tpu.iota {dimensions = array<i32: 1>} : vector<256x2048xi32>
    %broadcast_in_dim3A = arith.constant 0.000000e+00 : f32
    %broadcast_in_dim3A_21 = vector.broadcast %broadcast_in_dim3A : f32 to vector<1x256xf32>
    %broadcast_in_dim3A_22 = arith.constant 0.000000e+00 : f32
    %broadcast_in_dim3A_23 = vector.broadcast %broadcast_in_dim3A_22 : f32 to vector<1x256xf32>
    %scan3A = arith.constant 0 : i32
    %scan3A_24 = arith.constant 8 : i32
    %scan3A_25 = arith.addi %scan3A, %scan3A_24 : i32
    %scan3A_26 = arith.constant 1 : i32
    %scan3A_27:2 = scf.for %scan3A_270 = %scan3A to %scan3A_25 step %scan3A_26 iter_args(%scan3A_271 = %broadcast_in_dim3A_21, %scan3A_272 = %broadcast_in_dim3A_23) -> (vector<1x256xf32>, vector<1x256xf32>)  : i32 {
      %mul3A_273 = arith.constant 256 : i32
      %mul3A_274 = arith.muli %scan3A_270, %mul3A_273 : i32
      %get3A_275 = arith.constant 0 : index
      %get3A_276 = arith.index_cast %mul3A_274 : i32 to index
      %get3A_277 = arith.constant 0 : index
      %get3A_278 = vector.load %arg5[%get3A_275, %get3A_276, %get3A_277] : memref<1x2048x9xi32, #tpu.memory_space<vmem>>, vector<1x256x9xi32>
      %get3A_279 = vector.shape_cast %get3A_278 : vector<1x256x9xi32> to vector<256x9xi32>
      %get3A_280 = arith.constant 0 : index
      %get3A_281 = arith.index_cast %mul3A_274 : i32 to index
      %get3A_282 = arith.constant 0 : index
      %get3A_283 = vector.load %arg2[%get3A_280, %get3A_281, %get3A_282] : memref<1x2048x128xf32, #tpu.memory_space<vmem>>, vector<1x256x128xf32>
      %get3A_284 = vector.shape_cast %get3A_283 : vector<1x256x128xf32> to vector<256x128xf32>
      %get3A_285 = arith.constant 0 : index
      %get3A_286 = arith.index_cast %mul3A_274 : i32 to index
      %get3A_287 = arith.constant 0 : index
      %get3A_288 = vector.load %arg3[%get3A_285, %get3A_286, %get3A_287] : memref<1x2048x128xf32, #tpu.memory_space<vmem>>, vector<1x256x128xf32>
      %get3A_289 = vector.shape_cast %get3A_288 : vector<1x256x128xf32> to vector<256x128xf32>
      %broadcast_in_dim3A_290 = arith.constant 0.000000e+00 : f32
      %broadcast_in_dim3A_291 = vector.broadcast %broadcast_in_dim3A_290 : f32 to vector<256x128xf32>
      %broadcast_in_dim3A_292 = arith.constant 0.000000e+00 : f32
      %broadcast_in_dim3A_293 = vector.broadcast %broadcast_in_dim3A_292 : f32 to vector<256x128xf32>
      %broadcast_in_dim3A_294 = arith.constant 0.000000e+00 : f32
      %broadcast_in_dim3A_295 = vector.broadcast %broadcast_in_dim3A_294 : f32 to vector<256x128xf32>
      %broadcast_in_dim3A_296 = arith.constant 0xFF800000 : f32
      %broadcast_in_dim3A_297 = vector.broadcast %broadcast_in_dim3A_296 : f32 to vector<256x256xf32>
      %slice3A_298 = vector.extract_strided_slice %get3A_279 {offsets = [0, 0], sizes = [256, 1], strides = [1, 1]} : vector<256x9xi32> to vector<256x1xi32>
      %eq3A = vector.broadcast %slice3A_298 : vector<256x1xi32> to vector<256x2048xi32>
      %eq3A_299 = arith.cmpi eq, %iota3A, %eq3A : vector<256x2048xi32>
      %convert_element_type3A_300 = arith.extui %eq3A_299 : vector<256x2048xi1> to vector<256x2048xi32>
      %convert_element_type3A_301 = arith.sitofp %convert_element_type3A_300 : vector<256x2048xi32> to vector<256x2048xf32>
      %convert_element_type3A_302 = arith.truncf %convert_element_type3A_301 : vector<256x2048xf32> to vector<256x2048xbf16>
      %dot_general3A_303 = arith.constant dense<0.000000e+00> : vector<256x128xf32>
      %dot_general3A_304 = tpu.matmul %convert_element_type3A_302, %convert_element_type3A, %dot_general3A_303 {dimension_numbers = #tpu.dot_dimension_numbers<[1], [0], [0], [1], [0, 0, 1, 1], [], []>, transpose_lhs_hint = false} : vector<256x2048xbf16>, vector<2048x128xbf16>, vector<256x128xf32> -> vector<256x128xf32>
      %dot_general3A_305 = arith.constant dense<0.000000e+00> : vector<256x128xf32>
      %dot_general3A_306 = tpu.matmul %convert_element_type3A_302, %convert_element_type3A_10, %dot_general3A_305 {dimension_numbers = #tpu.dot_dimension_numbers<[1], [0], [0], [1], [0, 0, 1, 1], [], []>, transpose_lhs_hint = false} : vector<256x2048xbf16>, vector<2048x128xbf16>, vector<256x128xf32> -> vector<256x128xf32>
      %add3A_307 = arith.addf %dot_general3A_304, %dot_general3A_306 : vector<256x128xf32>
      %dot_general3A_308 = arith.constant dense<0.000000e+00> : vector<256x128xf32>
      %dot_general3A_309 = tpu.matmul %convert_element_type3A_302, %convert_element_type3A_13, %dot_general3A_308 {dimension_numbers = #tpu.dot_dimension_numbers<[1], [0], [0], [1], [0, 0, 1, 1], [], []>, transpose_lhs_hint = false} : vector<256x2048xbf16>, vector<2048x128xbf16>, vector<256x128xf32> -> vector<256x128xf32>
      %add3A_310 = arith.addf %add3A_307, %dot_general3A_309 : vector<256x128xf32>
      %dot_general3A_311 = arith.constant dense<0.000000e+00> : vector<256x128xf32>
      %dot_general3A_312 = tpu.matmul %convert_element_type3A_302, %convert_element_type3A_14, %dot_general3A_311 {dimension_numbers = #tpu.dot_dimension_numbers<[1], [0], [0], [1], [0, 0, 1, 1], [], []>, transpose_lhs_hint = false} : vector<256x2048xbf16>, vector<2048x128xbf16>, vector<256x128xf32> -> vector<256x128xf32>
      %dot_general3A_313 = arith.constant dense<0.000000e+00> : vector<256x128xf32>
      %dot_general3A_314 = tpu.matmul %convert_element_type3A_302, %convert_element_type3A_17, %dot_general3A_313 {dimension_numbers = #tpu.dot_dimension_numbers<[1], [0], [0], [1], [0, 0, 1, 1], [], []>, transpose_lhs_hint = false} : vector<256x2048xbf16>, vector<2048x128xbf16>, vector<256x128xf32> -> vector<256x128xf32>
      %add3A_315 = arith.addf %dot_general3A_312, %dot_general3A_314 : vector<256x128xf32>
      %dot_general3A_316 = arith.constant dense<0.000000e+00> : vector<256x128xf32>
      %dot_general3A_317 = tpu.matmul %convert_element_type3A_302, %convert_element_type3A_20, %dot_general3A_316 {dimension_numbers = #tpu.dot_dimension_numbers<[1], [0], [0], [1], [0, 0, 1, 1], [], []>, transpose_lhs_hint = false} : vector<256x2048xbf16>, vector<2048x128xbf16>, vector<256x128xf32> -> vector<256x128xf32>
      %add3A_318 = arith.addf %add3A_315, %dot_general3A_317 : vector<256x128xf32>
      %sub3A_319 = arith.subf %add3A_310, %get3A_284 : vector<256x128xf32>
      %concatenate3A = tpu.concatenate %get3A_284, %sub3A_319 in 1 : vector<256x128xf32>, vector<256x128xf32> -> vector<256x256xf32>
      %sub3A_320 = arith.subf %add3A_318, %get3A_289 : vector<256x128xf32>
      %concatenate3A_321 = tpu.concatenate %get3A_289, %sub3A_320 in 1 : vector<256x128xf32>, vector<256x128xf32> -> vector<256x256xf32>
      %get3A_322 = arith.constant 0 : index
      %get3A_323 = arith.constant 0 : index
      %get3A_324 = arith.constant 0 : index
      %get3A_325 = vector.load %arg6[%get3A_322, %get3A_323, %get3A_324] : memref<3x256x128xf32, #tpu.memory_space<vmem>>, vector<1x256x128xf32>
      %get3A_326 = vector.shape_cast %get3A_325 : vector<1x256x128xf32> to vector<256x128xf32>
      %dot_general3A_327 = arith.constant dense<0.000000e+00> : vector<256x128xf32>
      %dot_general3A_328 = tpu.matmul %concatenate3A, %get3A_326, %dot_general3A_327 {dimension_numbers = #tpu.dot_dimension_numbers<[1], [0], [0], [1], [0, 0, 1, 1], [], []>, transpose_lhs_hint = false} : vector<256x256xf32>, vector<256x128xf32>, vector<256x128xf32> -> vector<256x128xf32>
      %add3A_329 = arith.addf %broadcast_in_dim3A_291, %dot_general3A_328 : vector<256x128xf32>
      %get3A_330 = arith.constant 0 : index
      %get3A_331 = arith.constant 0 : index
      %get3A_332 = vector.load %arg8[%get3A_330, %get3A_331] : memref<256x256xf32, #tpu.memory_space<vmem>>, vector<256x256xf32>
      %dot_general3A_333 = arith.constant dense<0.000000e+00> : vector<256x256xf32>
      %dot_general3A_334 = tpu.matmul %concatenate3A_321, %get3A_332, %dot_general3A_333 {dimension_numbers = #tpu.dot_dimension_numbers<[1], [0], [0], [1], [0, 0, 1, 1], [], []>, transpose_lhs_hint = false} : vector<256x256xf32>, vector<256x256xf32>, vector<256x256xf32> -> vector<256x256xf32>
      %max3A_335 = arith.maximumf %broadcast_in_dim3A_297, %dot_general3A_334 : vector<256x256xf32>
      %reduce_sum3A_336 = arith.constant dense<0.000000e+00> : vector<256xf32>
      %reduce_sum3A_337 = vector.multi_reduction <add>, %dot_general3A_334, %reduce_sum3A_336 [0] : vector<256x256xf32> to vector<256xf32>
      %broadcast_in_dim3A_338 = vector.shape_cast %reduce_sum3A_337 : vector<256xf32> to vector<1x256xf32>
      %add3A_339 = arith.addf %scan3A_271, %broadcast_in_dim3A_338 : vector<1x256xf32>
      %mul3A_340 = arith.mulf %dot_general3A_334, %dot_general3A_334 : vector<256x256xf32>
      %reduce_sum3A_341 = arith.constant dense<0.000000e+00> : vector<256xf32>
      %reduce_sum3A_342 = vector.multi_reduction <add>, %mul3A_340, %reduce_sum3A_341 [0] : vector<256x256xf32> to vector<256xf32>
      %broadcast_in_dim3A_343 = vector.shape_cast %reduce_sum3A_342 : vector<256xf32> to vector<1x256xf32>
      %add3A_344 = arith.addf %scan3A_272, %broadcast_in_dim3A_343 : vector<1x256xf32>
      %slice3A_345 = vector.extract_strided_slice %get3A_279 {offsets = [0, 1], sizes = [256, 1], strides = [1, 1]} : vector<256x9xi32> to vector<256x1xi32>
      %eq3A_346 = vector.broadcast %slice3A_345 : vector<256x1xi32> to vector<256x2048xi32>
      %eq3A_347 = arith.cmpi eq, %iota3A, %eq3A_346 : vector<256x2048xi32>
      %convert_element_type3A_348 = arith.extui %eq3A_347 : vector<256x2048xi1> to vector<256x2048xi32>
      %convert_element_type3A_349 = arith.sitofp %convert_element_type3A_348 : vector<256x2048xi32> to vector<256x2048xf32>
      %convert_element_type3A_350 = arith.truncf %convert_element_type3A_349 : vector<256x2048xf32> to vector<256x2048xbf16>
      %dot_general3A_351 = arith.constant dense<0.000000e+00> : vector<256x128xf32>
      %dot_general3A_352 = tpu.matmul %convert_element_type3A_350, %convert_element_type3A, %dot_general3A_351 {dimension_numbers = #tpu.dot_dimension_numbers<[1], [0], [0], [1], [0, 0, 1, 1], [], []>, transpose_lhs_hint = false} : vector<256x2048xbf16>, vector<2048x128xbf16>, vector<256x128xf32> -> vector<256x128xf32>
      %dot_general3A_353 = arith.constant dense<0.000000e+00> : vector<256x128xf32>
      %dot_general3A_354 = tpu.matmul %convert_element_type3A_350, %convert_element_type3A_10, %dot_general3A_353 {dimension_numbers = #tpu.dot_dimension_numbers<[1], [0], [0], [1], [0, 0, 1, 1], [], []>, transpose_lhs_hint = false} : vector<256x2048xbf16>, vector<2048x128xbf16>, vector<256x128xf32> -> vector<256x128xf32>
      %add3A_355 = arith.addf %dot_general3A_352, %dot_general3A_354 : vector<256x128xf32>
      %dot_general3A_356 = arith.constant dense<0.000000e+00> : vector<256x128xf32>
      %dot_general3A_357 = tpu.matmul %convert_element_type3A_350, %convert_element_type3A_13, %dot_general3A_356 {dimension_numbers = #tpu.dot_dimension_numbers<[1], [0], [0], [1], [0, 0, 1, 1], [], []>, transpose_lhs_hint = false} : vector<256x2048xbf16>, vector<2048x128xbf16>, vector<256x128xf32> -> vector<256x128xf32>
      %add3A_358 = arith.addf %add3A_355, %dot_general3A_357 : vector<256x128xf32>
      %dot_general3A_359 = arith.constant dense<0.000000e+00> : vector<256x128xf32>
      %dot_general3A_360 = tpu.matmul %convert_element_type3A_350, %convert_element_type3A_14, %dot_general3A_359 {dimension_numbers = #tpu.dot_dimension_numbers<[1], [0], [0], [1], [0, 0, 1, 1], [], []>, transpose_lhs_hint = false} : vector<256x2048xbf16>, vector<2048x128xbf16>, vector<256x128xf32> -> vector<256x128xf32>
      %dot_general3A_361 = arith.constant dense<0.000000e+00> : vector<256x128xf32>
      %dot_general3A_362 = tpu.matmul %convert_element_type3A_350, %convert_element_type3A_17, %dot_general3A_361 {dimension_numbers = #tpu.dot_dimension_numbers<[1], [0], [0], [1], [0, 0, 1, 1], [], []>, transpose_lhs_hint = false} : vector<256x2048xbf16>, vector<2048x128xbf16>, vector<256x128xf32> -> vector<256x128xf32>
      %add3A_363 = arith.addf %dot_general3A_360, %dot_general3A_362 : vector<256x128xf32>
      %dot_general3A_364 = arith.constant dense<0.000000e+00> : vector<256x128xf32>
      %dot_general3A_365 = tpu.matmul %convert_element_type3A_350, %convert_element_type3A_20, %dot_general3A_364 {dimension_numbers = #tpu.dot_dimension_numbers<[1], [0], [0], [1], [0, 0, 1, 1], [], []>, transpose_lhs_hint = false} : vector<256x2048xbf16>, vector<2048x128xbf16>, vector<256x128xf32> -> vector<256x128xf32>
      %add3A_366 = arith.addf %add3A_363, %dot_general3A_365 : vector<256x128xf32>
      %sub3A_367 = arith.subf %add3A_358, %get3A_284 : vector<256x128xf32>
      %concatenate3A_368 = tpu.concatenate %get3A_284, %sub3A_367 in 1 : vector<256x128xf32>, vector<256x128xf32> -> vector<256x256xf32>
      %sub3A_369 = arith.subf %add3A_366, %get3A_289 : vector<256x128xf32>
      %concatenate3A_370 = tpu.concatenate %get3A_289, %sub3A_369 in 1 : vector<256x128xf32>, vector<256x128xf32> -> vector<256x256xf32>
      %get3A_371 = arith.constant 1 : index
      %get3A_372 = arith.constant 0 : index
      %get3A_373 = arith.constant 0 : index
      %get3A_374 = vector.load %arg6[%get3A_371, %get3A_372, %get3A_373] : memref<3x256x128xf32, #tpu.memory_space<vmem>>, vector<1x256x128xf32>
      %get3A_375 = vector.shape_cast %get3A_374 : vector<1x256x128xf32> to vector<256x128xf32>
      %dot_general3A_376 = arith.constant dense<0.000000e+00> : vector<256x128xf32>
      %dot_general3A_377 = tpu.matmul %concatenate3A_368, %get3A_375, %dot_general3A_376 {dimension_numbers = #tpu.dot_dimension_numbers<[1], [0], [0], [1], [0, 0, 1, 1], [], []>, transpose_lhs_hint = false} : vector<256x256xf32>, vector<256x128xf32>, vector<256x128xf32> -> vector<256x128xf32>
      %add3A_378 = arith.addf %add3A_329, %dot_general3A_377 : vector<256x128xf32>
      %get3A_379 = arith.constant 0 : index
      %get3A_380 = arith.constant 0 : index
      %get3A_381 = vector.load %arg8[%get3A_379, %get3A_380] : memref<256x256xf32, #tpu.memory_space<vmem>>, vector<256x256xf32>
      %dot_general3A_382 = arith.constant dense<0.000000e+00> : vector<256x256xf32>
      %dot_general3A_383 = tpu.matmul %concatenate3A_370, %get3A_381, %dot_general3A_382 {dimension_numbers = #tpu.dot_dimension_numbers<[1], [0], [0], [1], [0, 0, 1, 1], [], []>, transpose_lhs_hint = false} : vector<256x256xf32>, vector<256x256xf32>, vector<256x256xf32> -> vector<256x256xf32>
      %max3A_384 = arith.maximumf %max3A_335, %dot_general3A_383 : vector<256x256xf32>
      %reduce_sum3A_385 = arith.constant dense<0.000000e+00> : vector<256xf32>
      %reduce_sum3A_386 = vector.multi_reduction <add>, %dot_general3A_383, %reduce_sum3A_385 [0] : vector<256x256xf32> to vector<256xf32>
      %broadcast_in_dim3A_387 = vector.shape_cast %reduce_sum3A_386 : vector<256xf32> to vector<1x256xf32>
      %add3A_388 = arith.addf %add3A_339, %broadcast_in_dim3A_387 : vector<1x256xf32>
      %mul3A_389 = arith.mulf %dot_general3A_383, %dot_general3A_383 : vector<256x256xf32>
      %reduce_sum3A_390 = arith.constant dense<0.000000e+00> : vector<256xf32>
      %reduce_sum3A_391 = vector.multi_reduction <add>, %mul3A_389, %reduce_sum3A_390 [0] : vector<256x256xf32> to vector<256xf32>
      %broadcast_in_dim3A_392 = vector.shape_cast %reduce_sum3A_391 : vector<256xf32> to vector<1x256xf32>
      %add3A_393 = arith.addf %add3A_344, %broadcast_in_dim3A_392 : vector<1x256xf32>
      %slice3A_394 = vector.extract_strided_slice %get3A_279 {offsets = [0, 2], sizes = [256, 1], strides = [1, 1]} : vector<256x9xi32> to vector<256x1xi32>
      %eq3A_395 = vector.broadcast %slice3A_394 : vector<256x1xi32> to vector<256x2048xi32>
      %eq3A_396 = arith.cmpi eq, %iota3A, %eq3A_395 : vector<256x2048xi32>
      %convert_element_type3A_397 = arith.extui %eq3A_396 : vector<256x2048xi1> to vector<256x2048xi32>
      %convert_element_type3A_398 = arith.sitofp %convert_element_type3A_397 : vector<256x2048xi32> to vector<256x2048xf32>
      %convert_element_type3A_399 = arith.truncf %convert_element_type3A_398 : vector<256x2048xf32> to vector<256x2048xbf16>
      %dot_general3A_400 = arith.constant dense<0.000000e+00> : vector<256x128xf32>
      %dot_general3A_401 = tpu.matmul %convert_element_type3A_399, %convert_element_type3A, %dot_general3A_400 {dimension_numbers = #tpu.dot_dimension_numbers<[1], [0], [0], [1], [0, 0, 1, 1], [], []>, transpose_lhs_hint = false} : vector<256x2048xbf16>, vector<2048x128xbf16>, vector<256x128xf32> -> vector<256x128xf32>
      %dot_general3A_402 = arith.constant dense<0.000000e+00> : vector<256x128xf32>
      %dot_general3A_403 = tpu.matmul %convert_element_type3A_399, %convert_element_type3A_10, %dot_general3A_402 {dimension_numbers = #tpu.dot_dimension_numbers<[1], [0], [0], [1], [0, 0, 1, 1], [], []>, transpose_lhs_hint = false} : vector<256x2048xbf16>, vector<2048x128xbf16>, vector<256x128xf32> -> vector<256x128xf32>
      %add3A_404 = arith.addf %dot_general3A_401, %dot_general3A_403 : vector<256x128xf32>
      %dot_general3A_405 = arith.constant dense<0.000000e+00> : vector<256x128xf32>
      %dot_general3A_406 = tpu.matmul %convert_element_type3A_399, %convert_element_type3A_13, %dot_general3A_405 {dimension_numbers = #tpu.dot_dimension_numbers<[1], [0], [0], [1], [0, 0, 1, 1], [], []>, transpose_lhs_hint = false} : vector<256x2048xbf16>, vector<2048x128xbf16>, vector<256x128xf32> -> vector<256x128xf32>
      %add3A_407 = arith.addf %add3A_404, %dot_general3A_406 : vector<256x128xf32>
      %dot_general3A_408 = arith.constant dense<0.000000e+00> : vector<256x128xf32>
      %dot_general3A_409 = tpu.matmul %convert_element_type3A_399, %convert_element_type3A_14, %dot_general3A_408 {dimension_numbers = #tpu.dot_dimension_numbers<[1], [0], [0], [1], [0, 0, 1, 1], [], []>, transpose_lhs_hint = false} : vector<256x2048xbf16>, vector<2048x128xbf16>, vector<256x128xf32> -> vector<256x128xf32>
      %dot_general3A_410 = arith.constant dense<0.000000e+00> : vector<256x128xf32>
      %dot_general3A_411 = tpu.matmul %convert_element_type3A_399, %convert_element_type3A_17, %dot_general3A_410 {dimension_numbers = #tpu.dot_dimension_numbers<[1], [0], [0], [1], [0, 0, 1, 1], [], []>, transpose_lhs_hint = false} : vector<256x2048xbf16>, vector<2048x128xbf16>, vector<256x128xf32> -> vector<256x128xf32>
      %add3A_412 = arith.addf %dot_general3A_409, %dot_general3A_411 : vector<256x128xf32>
      %dot_general3A_413 = arith.constant dense<0.000000e+00> : vector<256x128xf32>
      %dot_general3A_414 = tpu.matmul %convert_element_type3A_399, %convert_element_type3A_20, %dot_general3A_413 {dimension_numbers = #tpu.dot_dimension_numbers<[1], [0], [0], [1], [0, 0, 1, 1], [], []>, transpose_lhs_hint = false} : vector<256x2048xbf16>, vector<2048x128xbf16>, vector<256x128xf32> -> vector<256x128xf32>
      %add3A_415 = arith.addf %add3A_412, %dot_general3A_414 : vector<256x128xf32>
      %sub3A_416 = arith.subf %add3A_407, %get3A_284 : vector<256x128xf32>
      %concatenate3A_417 = tpu.concatenate %get3A_284, %sub3A_416 in 1 : vector<256x128xf32>, vector<256x128xf32> -> vector<256x256xf32>
      %sub3A_418 = arith.subf %add3A_415, %get3A_289 : vector<256x128xf32>
      %concatenate3A_419 = tpu.concatenate %get3A_289, %sub3A_418 in 1 : vector<256x128xf32>, vector<256x128xf32> -> vector<256x256xf32>
      %get3A_420 = arith.constant 2 : index
      %get3A_421 = arith.constant 0 : index
      %get3A_422 = arith.constant 0 : index
      %get3A_423 = vector.load %arg6[%get3A_420, %get3A_421, %get3A_422] : memref<3x256x128xf32, #tpu.memory_space<vmem>>, vector<1x256x128xf32>
      %get3A_424 = vector.shape_cast %get3A_423 : vector<1x256x128xf32> to vector<256x128xf32>
      %dot_general3A_425 = arith.constant dense<0.000000e+00> : vector<256x128xf32>
      %dot_general3A_426 = tpu.matmul %concatenate3A_417, %get3A_424, %dot_general3A_425 {dimension_numbers = #tpu.dot_dimension_numbers<[1], [0], [0], [1], [0, 0, 1, 1], [], []>, transpose_lhs_hint = false} : vector<256x256xf32>, vector<256x128xf32>, vector<256x128xf32> -> vector<256x128xf32>
      %add3A_427 = arith.addf %add3A_378, %dot_general3A_426 : vector<256x128xf32>
      %get3A_428 = arith.constant 0 : index
      %get3A_429 = arith.constant 0 : index
      %get3A_430 = vector.load %arg8[%get3A_428, %get3A_429] : memref<256x256xf32, #tpu.memory_space<vmem>>, vector<256x256xf32>
      %dot_general3A_431 = arith.constant dense<0.000000e+00> : vector<256x256xf32>
      %dot_general3A_432 = tpu.matmul %concatenate3A_419, %get3A_430, %dot_general3A_431 {dimension_numbers = #tpu.dot_dimension_numbers<[1], [0], [0], [1], [0, 0, 1, 1], [], []>, transpose_lhs_hint = false} : vector<256x256xf32>, vector<256x256xf32>, vector<256x256xf32> -> vector<256x256xf32>
      %max3A_433 = arith.maximumf %max3A_384, %dot_general3A_432 : vector<256x256xf32>
      %reduce_sum3A_434 = arith.constant dense<0.000000e+00> : vector<256xf32>
      %reduce_sum3A_435 = vector.multi_reduction <add>, %dot_general3A_432, %reduce_sum3A_434 [0] : vector<256x256xf32> to vector<256xf32>
      %broadcast_in_dim3A_436 = vector.shape_cast %reduce_sum3A_435 : vector<256xf32> to vector<1x256xf32>
      %add3A_437 = arith.addf %add3A_388, %broadcast_in_dim3A_436 : vector<1x256xf32>
      %mul3A_438 = arith.mulf %dot_general3A_432, %dot_general3A_432 : vector<256x256xf32>
      %reduce_sum3A_439 = arith.constant dense<0.000000e+00> : vector<256xf32>
      %reduce_sum3A_440 = vector.multi_reduction <add>, %mul3A_438, %reduce_sum3A_439 [0] : vector<256x256xf32> to vector<256xf32>
      %broadcast_in_dim3A_441 = vector.shape_cast %reduce_sum3A_440 : vector<256xf32> to vector<1x256xf32>
      %add3A_442 = arith.addf %add3A_393, %broadcast_in_dim3A_441 : vector<1x256xf32>
      %slice3A_443 = vector.extract_strided_slice %get3A_279 {offsets = [0, 3], sizes = [256, 1], strides = [1, 1]} : vector<256x9xi32> to vector<256x1xi32>
      %eq3A_444 = vector.broadcast %slice3A_443 : vector<256x1xi32> to vector<256x2048xi32>
      %eq3A_445 = arith.cmpi eq, %iota3A, %eq3A_444 : vector<256x2048xi32>
      %convert_element_type3A_446 = arith.extui %eq3A_445 : vector<256x2048xi1> to vector<256x2048xi32>
      %convert_element_type3A_447 = arith.sitofp %convert_element_type3A_446 : vector<256x2048xi32> to vector<256x2048xf32>
      %convert_element_type3A_448 = arith.truncf %convert_element_type3A_447 : vector<256x2048xf32> to vector<256x2048xbf16>
      %dot_general3A_449 = arith.constant dense<0.000000e+00> : vector<256x128xf32>
      %dot_general3A_450 = tpu.matmul %convert_element_type3A_448, %convert_element_type3A, %dot_general3A_449 {dimension_numbers = #tpu.dot_dimension_numbers<[1], [0], [0], [1], [0, 0, 1, 1], [], []>, transpose_lhs_hint = false} : vector<256x2048xbf16>, vector<2048x128xbf16>, vector<256x128xf32> -> vector<256x128xf32>
      %dot_general3A_451 = arith.constant dense<0.000000e+00> : vector<256x128xf32>
      %dot_general3A_452 = tpu.matmul %convert_element_type3A_448, %convert_element_type3A_10, %dot_general3A_451 {dimension_numbers = #tpu.dot_dimension_numbers<[1], [0], [0], [1], [0, 0, 1, 1], [], []>, transpose_lhs_hint = false} : vector<256x2048xbf16>, vector<2048x128xbf16>, vector<256x128xf32> -> vector<256x128xf32>
      %add3A_453 = arith.addf %dot_general3A_450, %dot_general3A_452 : vector<256x128xf32>
      %dot_general3A_454 = arith.constant dense<0.000000e+00> : vector<256x128xf32>
      %dot_general3A_455 = tpu.matmul %convert_element_type3A_448, %convert_element_type3A_13, %dot_general3A_454 {dimension_numbers = #tpu.dot_dimension_numbers<[1], [0], [0], [1], [0, 0, 1, 1], [], []>, transpose_lhs_hint = false} : vector<256x2048xbf16>, vector<2048x128xbf16>, vector<256x128xf32> -> vector<256x128xf32>
      %add3A_456 = arith.addf %add3A_453, %dot_general3A_455 : vector<256x128xf32>
      %dot_general3A_457 = arith.constant dense<0.000000e+00> : vector<256x128xf32>
      %dot_general3A_458 = tpu.matmul %convert_element_type3A_448, %convert_element_type3A_14, %dot_general3A_457 {dimension_numbers = #tpu.dot_dimension_numbers<[1], [0], [0], [1], [0, 0, 1, 1], [], []>, transpose_lhs_hint = false} : vector<256x2048xbf16>, vector<2048x128xbf16>, vector<256x128xf32> -> vector<256x128xf32>
      %dot_general3A_459 = arith.constant dense<0.000000e+00> : vector<256x128xf32>
      %dot_general3A_460 = tpu.matmul %convert_element_type3A_448, %convert_element_type3A_17, %dot_general3A_459 {dimension_numbers = #tpu.dot_dimension_numbers<[1], [0], [0], [1], [0, 0, 1, 1], [], []>, transpose_lhs_hint = false} : vector<256x2048xbf16>, vector<2048x128xbf16>, vector<256x128xf32> -> vector<256x128xf32>
      %add3A_461 = arith.addf %dot_general3A_458, %dot_general3A_460 : vector<256x128xf32>
      %dot_general3A_462 = arith.constant dense<0.000000e+00> : vector<256x128xf32>
      %dot_general3A_463 = tpu.matmul %convert_element_type3A_448, %convert_element_type3A_20, %dot_general3A_462 {dimension_numbers = #tpu.dot_dimension_numbers<[1], [0], [0], [1], [0, 0, 1, 1], [], []>, transpose_lhs_hint = false} : vector<256x2048xbf16>, vector<2048x128xbf16>, vector<256x128xf32> -> vector<256x128xf32>
      %add3A_464 = arith.addf %add3A_461, %dot_general3A_463 : vector<256x128xf32>
      %sub3A_465 = arith.subf %add3A_456, %get3A_284 : vector<256x128xf32>
      %concatenate3A_466 = tpu.concatenate %get3A_284, %sub3A_465 in 1 : vector<256x128xf32>, vector<256x128xf32> -> vector<256x256xf32>
      %sub3A_467 = arith.subf %add3A_464, %get3A_289 : vector<256x128xf32>
      %concatenate3A_468 = tpu.concatenate %get3A_289, %sub3A_467 in 1 : vector<256x128xf32>, vector<256x128xf32> -> vector<256x256xf32>
      %get3A_469 = arith.constant 0 : index
      %get3A_470 = arith.constant 0 : index
      %get3A_471 = arith.constant 0 : index
      %get3A_472 = vector.load %arg6[%get3A_469, %get3A_470, %get3A_471] : memref<3x256x128xf32, #tpu.memory_space<vmem>>, vector<1x256x128xf32>
      %get3A_473 = vector.shape_cast %get3A_472 : vector<1x256x128xf32> to vector<256x128xf32>
      %dot_general3A_474 = arith.constant dense<0.000000e+00> : vector<256x128xf32>
      %dot_general3A_475 = tpu.matmul %concatenate3A_466, %get3A_473, %dot_general3A_474 {dimension_numbers = #tpu.dot_dimension_numbers<[1], [0], [0], [1], [0, 0, 1, 1], [], []>, transpose_lhs_hint = false} : vector<256x256xf32>, vector<256x128xf32>, vector<256x128xf32> -> vector<256x128xf32>
      %add3A_476 = arith.addf %broadcast_in_dim3A_293, %dot_general3A_475 : vector<256x128xf32>
      %get3A_477 = arith.constant 0 : index
      %get3A_478 = arith.constant 0 : index
      %get3A_479 = vector.load %arg8[%get3A_477, %get3A_478] : memref<256x256xf32, #tpu.memory_space<vmem>>, vector<256x256xf32>
      %dot_general3A_480 = arith.constant dense<0.000000e+00> : vector<256x256xf32>
      %dot_general3A_481 = tpu.matmul %concatenate3A_468, %get3A_479, %dot_general3A_480 {dimension_numbers = #tpu.dot_dimension_numbers<[1], [0], [0], [1], [0, 0, 1, 1], [], []>, transpose_lhs_hint = false} : vector<256x256xf32>, vector<256x256xf32>, vector<256x256xf32> -> vector<256x256xf32>
      %max3A_482 = arith.maximumf %max3A_433, %dot_general3A_481 : vector<256x256xf32>
      %reduce_sum3A_483 = arith.constant dense<0.000000e+00> : vector<256xf32>
      %reduce_sum3A_484 = vector.multi_reduction <add>, %dot_general3A_481, %reduce_sum3A_483 [0] : vector<256x256xf32> to vector<256xf32>
      %broadcast_in_dim3A_485 = vector.shape_cast %reduce_sum3A_484 : vector<256xf32> to vector<1x256xf32>
      %add3A_486 = arith.addf %add3A_437, %broadcast_in_dim3A_485 : vector<1x256xf32>
      %mul3A_487 = arith.mulf %dot_general3A_481, %dot_general3A_481 : vector<256x256xf32>
      %reduce_sum3A_488 = arith.constant dense<0.000000e+00> : vector<256xf32>
      %reduce_sum3A_489 = vector.multi_reduction <add>, %mul3A_487, %reduce_sum3A_488 [0] : vector<256x256xf32> to vector<256xf32>
      %broadcast_in_dim3A_490 = vector.shape_cast %reduce_sum3A_489 : vector<256xf32> to vector<1x256xf32>
      %add3A_491 = arith.addf %add3A_442, %broadcast_in_dim3A_490 : vector<1x256xf32>
      %slice3A_492 = vector.extract_strided_slice %get3A_279 {offsets = [0, 4], sizes = [256, 1], strides = [1, 1]} : vector<256x9xi32> to vector<256x1xi32>
      %eq3A_493 = vector.broadcast %slice3A_492 : vector<256x1xi32> to vector<256x2048xi32>
      %eq3A_494 = arith.cmpi eq, %iota3A, %eq3A_493 : vector<256x2048xi32>
      %convert_element_type3A_495 = arith.extui %eq3A_494 : vector<256x2048xi1> to vector<256x2048xi32>
      %convert_element_type3A_496 = arith.sitofp %convert_element_type3A_495 : vector<256x2048xi32> to vector<256x2048xf32>
      %convert_element_type3A_497 = arith.truncf %convert_element_type3A_496 : vector<256x2048xf32> to vector<256x2048xbf16>
      %dot_general3A_498 = arith.constant dense<0.000000e+00> : vector<256x128xf32>
      %dot_general3A_499 = tpu.matmul %convert_element_type3A_497, %convert_element_type3A, %dot_general3A_498 {dimension_numbers = #tpu.dot_dimension_numbers<[1], [0], [0], [1], [0, 0, 1, 1], [], []>, transpose_lhs_hint = false} : vector<256x2048xbf16>, vector<2048x128xbf16>, vector<256x128xf32> -> vector<256x128xf32>
      %dot_general3A_500 = arith.constant dense<0.000000e+00> : vector<256x128xf32>
      %dot_general3A_501 = tpu.matmul %convert_element_type3A_497, %convert_element_type3A_10, %dot_general3A_500 {dimension_numbers = #tpu.dot_dimension_numbers<[1], [0], [0], [1], [0, 0, 1, 1], [], []>, transpose_lhs_hint = false} : vector<256x2048xbf16>, vector<2048x128xbf16>, vector<256x128xf32> -> vector<256x128xf32>
      %add3A_502 = arith.addf %dot_general3A_499, %dot_general3A_501 : vector<256x128xf32>
      %dot_general3A_503 = arith.constant dense<0.000000e+00> : vector<256x128xf32>
      %dot_general3A_504 = tpu.matmul %convert_element_type3A_497, %convert_element_type3A_13, %dot_general3A_503 {dimension_numbers = #tpu.dot_dimension_numbers<[1], [0], [0], [1], [0, 0, 1, 1], [], []>, transpose_lhs_hint = false} : vector<256x2048xbf16>, vector<2048x128xbf16>, vector<256x128xf32> -> vector<256x128xf32>
      %add3A_505 = arith.addf %add3A_502, %dot_general3A_504 : vector<256x128xf32>
      %dot_general3A_506 = arith.constant dense<0.000000e+00> : vector<256x128xf32>
      %dot_general3A_507 = tpu.matmul %convert_element_type3A_497, %convert_element_type3A_14, %dot_general3A_506 {dimension_numbers = #tpu.dot_dimension_numbers<[1], [0], [0], [1], [0, 0, 1, 1], [], []>, transpose_lhs_hint = false} : vector<256x2048xbf16>, vector<2048x128xbf16>, vector<256x128xf32> -> vector<256x128xf32>
      %dot_general3A_508 = arith.constant dense<0.000000e+00> : vector<256x128xf32>
      %dot_general3A_509 = tpu.matmul %convert_element_type3A_497, %convert_element_type3A_17, %dot_general3A_508 {dimension_numbers = #tpu.dot_dimension_numbers<[1], [0], [0], [1], [0, 0, 1, 1], [], []>, transpose_lhs_hint = false} : vector<256x2048xbf16>, vector<2048x128xbf16>, vector<256x128xf32> -> vector<256x128xf32>
      %add3A_510 = arith.addf %dot_general3A_507, %dot_general3A_509 : vector<256x128xf32>
      %dot_general3A_511 = arith.constant dense<0.000000e+00> : vector<256x128xf32>
      %dot_general3A_512 = tpu.matmul %convert_element_type3A_497, %convert_element_type3A_20, %dot_general3A_511 {dimension_numbers = #tpu.dot_dimension_numbers<[1], [0], [0], [1], [0, 0, 1, 1], [], []>, transpose_lhs_hint = false} : vector<256x2048xbf16>, vector<2048x128xbf16>, vector<256x128xf32> -> vector<256x128xf32>
      %add3A_513 = arith.addf %add3A_510, %dot_general3A_512 : vector<256x128xf32>
      %sub3A_514 = arith.subf %add3A_505, %get3A_284 : vector<256x128xf32>
      %concatenate3A_515 = tpu.concatenate %get3A_284, %sub3A_514 in 1 : vector<256x128xf32>, vector<256x128xf32> -> vector<256x256xf32>
      %sub3A_516 = arith.subf %add3A_513, %get3A_289 : vector<256x128xf32>
      %concatenate3A_517 = tpu.concatenate %get3A_289, %sub3A_516 in 1 : vector<256x128xf32>, vector<256x128xf32> -> vector<256x256xf32>
      %get3A_518 = arith.constant 1 : index
      %get3A_519 = arith.constant 0 : index
      %get3A_520 = arith.constant 0 : index
      %get3A_521 = vector.load %arg6[%get3A_518, %get3A_519, %get3A_520] : memref<3x256x128xf32, #tpu.memory_space<vmem>>, vector<1x256x128xf32>
      %get3A_522 = vector.shape_cast %get3A_521 : vector<1x256x128xf32> to vector<256x128xf32>
      %dot_general3A_523 = arith.constant dense<0.000000e+00> : vector<256x128xf32>
      %dot_general3A_524 = tpu.matmul %concatenate3A_515, %get3A_522, %dot_general3A_523 {dimension_numbers = #tpu.dot_dimension_numbers<[1], [0], [0], [1], [0, 0, 1, 1], [], []>, transpose_lhs_hint = false} : vector<256x256xf32>, vector<256x128xf32>, vector<256x128xf32> -> vector<256x128xf32>
      %add3A_525 = arith.addf %add3A_476, %dot_general3A_524 : vector<256x128xf32>
      %get3A_526 = arith.constant 0 : index
      %get3A_527 = arith.constant 0 : index
      %get3A_528 = vector.load %arg8[%get3A_526, %get3A_527] : memref<256x256xf32, #tpu.memory_space<vmem>>, vector<256x256xf32>
      %dot_general3A_529 = arith.constant dense<0.000000e+00> : vector<256x256xf32>
      %dot_general3A_530 = tpu.matmul %concatenate3A_517, %get3A_528, %dot_general3A_529 {dimension_numbers = #tpu.dot_dimension_numbers<[1], [0], [0], [1], [0, 0, 1, 1], [], []>, transpose_lhs_hint = false} : vector<256x256xf32>, vector<256x256xf32>, vector<256x256xf32> -> vector<256x256xf32>
      %max3A_531 = arith.maximumf %max3A_482, %dot_general3A_530 : vector<256x256xf32>
      %reduce_sum3A_532 = arith.constant dense<0.000000e+00> : vector<256xf32>
      %reduce_sum3A_533 = vector.multi_reduction <add>, %dot_general3A_530, %reduce_sum3A_532 [0] : vector<256x256xf32> to vector<256xf32>
      %broadcast_in_dim3A_534 = vector.shape_cast %reduce_sum3A_533 : vector<256xf32> to vector<1x256xf32>
      %add3A_535 = arith.addf %add3A_486, %broadcast_in_dim3A_534 : vector<1x256xf32>
      %mul3A_536 = arith.mulf %dot_general3A_530, %dot_general3A_530 : vector<256x256xf32>
      %reduce_sum3A_537 = arith.constant dense<0.000000e+00> : vector<256xf32>
      %reduce_sum3A_538 = vector.multi_reduction <add>, %mul3A_536, %reduce_sum3A_537 [0] : vector<256x256xf32> to vector<256xf32>
      %broadcast_in_dim3A_539 = vector.shape_cast %reduce_sum3A_538 : vector<256xf32> to vector<1x256xf32>
      %add3A_540 = arith.addf %add3A_491, %broadcast_in_dim3A_539 : vector<1x256xf32>
      %slice3A_541 = vector.extract_strided_slice %get3A_279 {offsets = [0, 5], sizes = [256, 1], strides = [1, 1]} : vector<256x9xi32> to vector<256x1xi32>
      %eq3A_542 = vector.broadcast %slice3A_541 : vector<256x1xi32> to vector<256x2048xi32>
      %eq3A_543 = arith.cmpi eq, %iota3A, %eq3A_542 : vector<256x2048xi32>
      %convert_element_type3A_544 = arith.extui %eq3A_543 : vector<256x2048xi1> to vector<256x2048xi32>
      %convert_element_type3A_545 = arith.sitofp %convert_element_type3A_544 : vector<256x2048xi32> to vector<256x2048xf32>
      %convert_element_type3A_546 = arith.truncf %convert_element_type3A_545 : vector<256x2048xf32> to vector<256x2048xbf16>
      %dot_general3A_547 = arith.constant dense<0.000000e+00> : vector<256x128xf32>
      %dot_general3A_548 = tpu.matmul %convert_element_type3A_546, %convert_element_type3A, %dot_general3A_547 {dimension_numbers = #tpu.dot_dimension_numbers<[1], [0], [0], [1], [0, 0, 1, 1], [], []>, transpose_lhs_hint = false} : vector<256x2048xbf16>, vector<2048x128xbf16>, vector<256x128xf32> -> vector<256x128xf32>
      %dot_general3A_549 = arith.constant dense<0.000000e+00> : vector<256x128xf32>
      %dot_general3A_550 = tpu.matmul %convert_element_type3A_546, %convert_element_type3A_10, %dot_general3A_549 {dimension_numbers = #tpu.dot_dimension_numbers<[1], [0], [0], [1], [0, 0, 1, 1], [], []>, transpose_lhs_hint = false} : vector<256x2048xbf16>, vector<2048x128xbf16>, vector<256x128xf32> -> vector<256x128xf32>
      %add3A_551 = arith.addf %dot_general3A_548, %dot_general3A_550 : vector<256x128xf32>
      %dot_general3A_552 = arith.constant dense<0.000000e+00> : vector<256x128xf32>
      %dot_general3A_553 = tpu.matmul %convert_element_type3A_546, %convert_element_type3A_13, %dot_general3A_552 {dimension_numbers = #tpu.dot_dimension_numbers<[1], [0], [0], [1], [0, 0, 1, 1], [], []>, transpose_lhs_hint = false} : vector<256x2048xbf16>, vector<2048x128xbf16>, vector<256x128xf32> -> vector<256x128xf32>
      %add3A_554 = arith.addf %add3A_551, %dot_general3A_553 : vector<256x128xf32>
      %dot_general3A_555 = arith.constant dense<0.000000e+00> : vector<256x128xf32>
      %dot_general3A_556 = tpu.matmul %convert_element_type3A_546, %convert_element_type3A_14, %dot_general3A_555 {dimension_numbers = #tpu.dot_dimension_numbers<[1], [0], [0], [1], [0, 0, 1, 1], [], []>, transpose_lhs_hint = false} : vector<256x2048xbf16>, vector<2048x128xbf16>, vector<256x128xf32> -> vector<256x128xf32>
      %dot_general3A_557 = arith.constant dense<0.000000e+00> : vector<256x128xf32>
      %dot_general3A_558 = tpu.matmul %convert_element_type3A_546, %convert_element_type3A_17, %dot_general3A_557 {dimension_numbers = #tpu.dot_dimension_numbers<[1], [0], [0], [1], [0, 0, 1, 1], [], []>, transpose_lhs_hint = false} : vector<256x2048xbf16>, vector<2048x128xbf16>, vector<256x128xf32> -> vector<256x128xf32>
      %add3A_559 = arith.addf %dot_general3A_556, %dot_general3A_558 : vector<256x128xf32>
      %dot_general3A_560 = arith.constant dense<0.000000e+00> : vector<256x128xf32>
      %dot_general3A_561 = tpu.matmul %convert_element_type3A_546, %convert_element_type3A_20, %dot_general3A_560 {dimension_numbers = #tpu.dot_dimension_numbers<[1], [0], [0], [1], [0, 0, 1, 1], [], []>, transpose_lhs_hint = false} : vector<256x2048xbf16>, vector<2048x128xbf16>, vector<256x128xf32> -> vector<256x128xf32>
      %add3A_562 = arith.addf %add3A_559, %dot_general3A_561 : vector<256x128xf32>
      %sub3A_563 = arith.subf %add3A_554, %get3A_284 : vector<256x128xf32>
      %concatenate3A_564 = tpu.concatenate %get3A_284, %sub3A_563 in 1 : vector<256x128xf32>, vector<256x128xf32> -> vector<256x256xf32>
      %sub3A_565 = arith.subf %add3A_562, %get3A_289 : vector<256x128xf32>
      %concatenate3A_566 = tpu.concatenate %get3A_289, %sub3A_565 in 1 : vector<256x128xf32>, vector<256x128xf32> -> vector<256x256xf32>
      %get3A_567 = arith.constant 2 : index
      %get3A_568 = arith.constant 0 : index
      %get3A_569 = arith.constant 0 : index
      %get3A_570 = vector.load %arg6[%get3A_567, %get3A_568, %get3A_569] : memref<3x256x128xf32, #tpu.memory_space<vmem>>, vector<1x256x128xf32>
      %get3A_571 = vector.shape_cast %get3A_570 : vector<1x256x128xf32> to vector<256x128xf32>
      %dot_general3A_572 = arith.constant dense<0.000000e+00> : vector<256x128xf32>
      %dot_general3A_573 = tpu.matmul %concatenate3A_564, %get3A_571, %dot_general3A_572 {dimension_numbers = #tpu.dot_dimension_numbers<[1], [0], [0], [1], [0, 0, 1, 1], [], []>, transpose_lhs_hint = false} : vector<256x256xf32>, vector<256x128xf32>, vector<256x128xf32> -> vector<256x128xf32>
      %add3A_574 = arith.addf %add3A_525, %dot_general3A_573 : vector<256x128xf32>
      %get3A_575 = arith.constant 0 : index
      %get3A_576 = arith.constant 0 : index
      %get3A_577 = vector.load %arg8[%get3A_575, %get3A_576] : memref<256x256xf32, #tpu.memory_space<vmem>>, vector<256x256xf32>
      %dot_general3A_578 = arith.constant dense<0.000000e+00> : vector<256x256xf32>
      %dot_general3A_579 = tpu.matmul %concatenate3A_566, %get3A_577, %dot_general3A_578 {dimension_numbers = #tpu.dot_dimension_numbers<[1], [0], [0], [1], [0, 0, 1, 1], [], []>, transpose_lhs_hint = false} : vector<256x256xf32>, vector<256x256xf32>, vector<256x256xf32> -> vector<256x256xf32>
      %max3A_580 = arith.maximumf %max3A_531, %dot_general3A_579 : vector<256x256xf32>
      %reduce_sum3A_581 = arith.constant dense<0.000000e+00> : vector<256xf32>
      %reduce_sum3A_582 = vector.multi_reduction <add>, %dot_general3A_579, %reduce_sum3A_581 [0] : vector<256x256xf32> to vector<256xf32>
      %broadcast_in_dim3A_583 = vector.shape_cast %reduce_sum3A_582 : vector<256xf32> to vector<1x256xf32>
      %add3A_584 = arith.addf %add3A_535, %broadcast_in_dim3A_583 : vector<1x256xf32>
      %mul3A_585 = arith.mulf %dot_general3A_579, %dot_general3A_579 : vector<256x256xf32>
      %reduce_sum3A_586 = arith.constant dense<0.000000e+00> : vector<256xf32>
      %reduce_sum3A_587 = vector.multi_reduction <add>, %mul3A_585, %reduce_sum3A_586 [0] : vector<256x256xf32> to vector<256xf32>
      %broadcast_in_dim3A_588 = vector.shape_cast %reduce_sum3A_587 : vector<256xf32> to vector<1x256xf32>
      %add3A_589 = arith.addf %add3A_540, %broadcast_in_dim3A_588 : vector<1x256xf32>
      %slice3A_590 = vector.extract_strided_slice %get3A_279 {offsets = [0, 6], sizes = [256, 1], strides = [1, 1]} : vector<256x9xi32> to vector<256x1xi32>
      %eq3A_591 = vector.broadcast %slice3A_590 : vector<256x1xi32> to vector<256x2048xi32>
      %eq3A_592 = arith.cmpi eq, %iota3A, %eq3A_591 : vector<256x2048xi32>
      %convert_element_type3A_593 = arith.extui %eq3A_592 : vector<256x2048xi1> to vector<256x2048xi32>
      %convert_element_type3A_594 = arith.sitofp %convert_element_type3A_593 : vector<256x2048xi32> to vector<256x2048xf32>
      %convert_element_type3A_595 = arith.truncf %convert_element_type3A_594 : vector<256x2048xf32> to vector<256x2048xbf16>
      %dot_general3A_596 = arith.constant dense<0.000000e+00> : vector<256x128xf32>
      %dot_general3A_597 = tpu.matmul %convert_element_type3A_595, %convert_element_type3A, %dot_general3A_596 {dimension_numbers = #tpu.dot_dimension_numbers<[1], [0], [0], [1], [0, 0, 1, 1], [], []>, transpose_lhs_hint = false} : vector<256x2048xbf16>, vector<2048x128xbf16>, vector<256x128xf32> -> vector<256x128xf32>
      %dot_general3A_598 = arith.constant dense<0.000000e+00> : vector<256x128xf32>
      %dot_general3A_599 = tpu.matmul %convert_element_type3A_595, %convert_element_type3A_10, %dot_general3A_598 {dimension_numbers = #tpu.dot_dimension_numbers<[1], [0], [0], [1], [0, 0, 1, 1], [], []>, transpose_lhs_hint = false} : vector<256x2048xbf16>, vector<2048x128xbf16>, vector<256x128xf32> -> vector<256x128xf32>
      %add3A_600 = arith.addf %dot_general3A_597, %dot_general3A_599 : vector<256x128xf32>
      %dot_general3A_601 = arith.constant dense<0.000000e+00> : vector<256x128xf32>
      %dot_general3A_602 = tpu.matmul %convert_element_type3A_595, %convert_element_type3A_13, %dot_general3A_601 {dimension_numbers = #tpu.dot_dimension_numbers<[1], [0], [0], [1], [0, 0, 1, 1], [], []>, transpose_lhs_hint = false} : vector<256x2048xbf16>, vector<2048x128xbf16>, vector<256x128xf32> -> vector<256x128xf32>
      %add3A_603 = arith.addf %add3A_600, %dot_general3A_602 : vector<256x128xf32>
      %dot_general3A_604 = arith.constant dense<0.000000e+00> : vector<256x128xf32>
      %dot_general3A_605 = tpu.matmul %convert_element_type3A_595, %convert_element_type3A_14, %dot_general3A_604 {dimension_numbers = #tpu.dot_dimension_numbers<[1], [0], [0], [1], [0, 0, 1, 1], [], []>, transpose_lhs_hint = false} : vector<256x2048xbf16>, vector<2048x128xbf16>, vector<256x128xf32> -> vector<256x128xf32>
      %dot_general3A_606 = arith.constant dense<0.000000e+00> : vector<256x128xf32>
      %dot_general3A_607 = tpu.matmul %convert_element_type3A_595, %convert_element_type3A_17, %dot_general3A_606 {dimension_numbers = #tpu.dot_dimension_numbers<[1], [0], [0], [1], [0, 0, 1, 1], [], []>, transpose_lhs_hint = false} : vector<256x2048xbf16>, vector<2048x128xbf16>, vector<256x128xf32> -> vector<256x128xf32>
      %add3A_608 = arith.addf %dot_general3A_605, %dot_general3A_607 : vector<256x128xf32>
      %dot_general3A_609 = arith.constant dense<0.000000e+00> : vector<256x128xf32>
      %dot_general3A_610 = tpu.matmul %convert_element_type3A_595, %convert_element_type3A_20, %dot_general3A_609 {dimension_numbers = #tpu.dot_dimension_numbers<[1], [0], [0], [1], [0, 0, 1, 1], [], []>, transpose_lhs_hint = false} : vector<256x2048xbf16>, vector<2048x128xbf16>, vector<256x128xf32> -> vector<256x128xf32>
      %add3A_611 = arith.addf %add3A_608, %dot_general3A_610 : vector<256x128xf32>
      %sub3A_612 = arith.subf %add3A_603, %get3A_284 : vector<256x128xf32>
      %concatenate3A_613 = tpu.concatenate %get3A_284, %sub3A_612 in 1 : vector<256x128xf32>, vector<256x128xf32> -> vector<256x256xf32>
      %sub3A_614 = arith.subf %add3A_611, %get3A_289 : vector<256x128xf32>
      %concatenate3A_615 = tpu.concatenate %get3A_289, %sub3A_614 in 1 : vector<256x128xf32>, vector<256x128xf32> -> vector<256x256xf32>
      %get3A_616 = arith.constant 0 : index
      %get3A_617 = arith.constant 0 : index
      %get3A_618 = arith.constant 0 : index
      %get3A_619 = vector.load %arg6[%get3A_616, %get3A_617, %get3A_618] : memref<3x256x128xf32, #tpu.memory_space<vmem>>, vector<1x256x128xf32>
      %get3A_620 = vector.shape_cast %get3A_619 : vector<1x256x128xf32> to vector<256x128xf32>
      %dot_general3A_621 = arith.constant dense<0.000000e+00> : vector<256x128xf32>
      %dot_general3A_622 = tpu.matmul %concatenate3A_613, %get3A_620, %dot_general3A_621 {dimension_numbers = #tpu.dot_dimension_numbers<[1], [0], [0], [1], [0, 0, 1, 1], [], []>, transpose_lhs_hint = false} : vector<256x256xf32>, vector<256x128xf32>, vector<256x128xf32> -> vector<256x128xf32>
      %add3A_623 = arith.addf %broadcast_in_dim3A_295, %dot_general3A_622 : vector<256x128xf32>
      %get3A_624 = arith.constant 0 : index
      %get3A_625 = arith.constant 0 : index
      %get3A_626 = vector.load %arg8[%get3A_624, %get3A_625] : memref<256x256xf32, #tpu.memory_space<vmem>>, vector<256x256xf32>
      %dot_general3A_627 = arith.constant dense<0.000000e+00> : vector<256x256xf32>
      %dot_general3A_628 = tpu.matmul %concatenate3A_615, %get3A_626, %dot_general3A_627 {dimension_numbers = #tpu.dot_dimension_numbers<[1], [0], [0], [1], [0, 0, 1, 1], [], []>, transpose_lhs_hint = false} : vector<256x256xf32>, vector<256x256xf32>, vector<256x256xf32> -> vector<256x256xf32>
      %max3A_629 = arith.maximumf %max3A_580, %dot_general3A_628 : vector<256x256xf32>
      %reduce_sum3A_630 = arith.constant dense<0.000000e+00> : vector<256xf32>
      %reduce_sum3A_631 = vector.multi_reduction <add>, %dot_general3A_628, %reduce_sum3A_630 [0] : vector<256x256xf32> to vector<256xf32>
      %broadcast_in_dim3A_632 = vector.shape_cast %reduce_sum3A_631 : vector<256xf32> to vector<1x256xf32>
      %add3A_633 = arith.addf %add3A_584, %broadcast_in_dim3A_632 : vector<1x256xf32>
      %mul3A_634 = arith.mulf %dot_general3A_628, %dot_general3A_628 : vector<256x256xf32>
      %reduce_sum3A_635 = arith.constant dense<0.000000e+00> : vector<256xf32>
      %reduce_sum3A_636 = vector.multi_reduction <add>, %mul3A_634, %reduce_sum3A_635 [0] : vector<256x256xf32> to vector<256xf32>
      %broadcast_in_dim3A_637 = vector.shape_cast %reduce_sum3A_636 : vector<256xf32> to vector<1x256xf32>
      %add3A_638 = arith.addf %add3A_589, %broadcast_in_dim3A_637 : vector<1x256xf32>
      %slice3A_639 = vector.extract_strided_slice %get3A_279 {offsets = [0, 7], sizes = [256, 1], strides = [1, 1]} : vector<256x9xi32> to vector<256x1xi32>
      %eq3A_640 = vector.broadcast %slice3A_639 : vector<256x1xi32> to vector<256x2048xi32>
      %eq3A_641 = arith.cmpi eq, %iota3A, %eq3A_640 : vector<256x2048xi32>
      %convert_element_type3A_642 = arith.extui %eq3A_641 : vector<256x2048xi1> to vector<256x2048xi32>
      %convert_element_type3A_643 = arith.sitofp %convert_element_type3A_642 : vector<256x2048xi32> to vector<256x2048xf32>
      %convert_element_type3A_644 = arith.truncf %convert_element_type3A_643 : vector<256x2048xf32> to vector<256x2048xbf16>
      %dot_general3A_645 = arith.constant dense<0.000000e+00> : vector<256x128xf32>
      %dot_general3A_646 = tpu.matmul %convert_element_type3A_644, %convert_element_type3A, %dot_general3A_645 {dimension_numbers = #tpu.dot_dimension_numbers<[1], [0], [0], [1], [0, 0, 1, 1], [], []>, transpose_lhs_hint = false} : vector<256x2048xbf16>, vector<2048x128xbf16>, vector<256x128xf32> -> vector<256x128xf32>
      %dot_general3A_647 = arith.constant dense<0.000000e+00> : vector<256x128xf32>
      %dot_general3A_648 = tpu.matmul %convert_element_type3A_644, %convert_element_type3A_10, %dot_general3A_647 {dimension_numbers = #tpu.dot_dimension_numbers<[1], [0], [0], [1], [0, 0, 1, 1], [], []>, transpose_lhs_hint = false} : vector<256x2048xbf16>, vector<2048x128xbf16>, vector<256x128xf32> -> vector<256x128xf32>
      %add3A_649 = arith.addf %dot_general3A_646, %dot_general3A_648 : vector<256x128xf32>
      %dot_general3A_650 = arith.constant dense<0.000000e+00> : vector<256x128xf32>
      %dot_general3A_651 = tpu.matmul %convert_element_type3A_644, %convert_element_type3A_13, %dot_general3A_650 {dimension_numbers = #tpu.dot_dimension_numbers<[1], [0], [0], [1], [0, 0, 1, 1], [], []>, transpose_lhs_hint = false} : vector<256x2048xbf16>, vector<2048x128xbf16>, vector<256x128xf32> -> vector<256x128xf32>
      %add3A_652 = arith.addf %add3A_649, %dot_general3A_651 : vector<256x128xf32>
      %dot_general3A_653 = arith.constant dense<0.000000e+00> : vector<256x128xf32>
      %dot_general3A_654 = tpu.matmul %convert_element_type3A_644, %convert_element_type3A_14, %dot_general3A_653 {dimension_numbers = #tpu.dot_dimension_numbers<[1], [0], [0], [1], [0, 0, 1, 1], [], []>, transpose_lhs_hint = false} : vector<256x2048xbf16>, vector<2048x128xbf16>, vector<256x128xf32> -> vector<256x128xf32>
      %dot_general3A_655 = arith.constant dense<0.000000e+00> : vector<256x128xf32>
      %dot_general3A_656 = tpu.matmul %convert_element_type3A_644, %convert_element_type3A_17, %dot_general3A_655 {dimension_numbers = #tpu.dot_dimension_numbers<[1], [0], [0], [1], [0, 0, 1, 1], [], []>, transpose_lhs_hint = false} : vector<256x2048xbf16>, vector<2048x128xbf16>, vector<256x128xf32> -> vector<256x128xf32>
      %add3A_657 = arith.addf %dot_general3A_654, %dot_general3A_656 : vector<256x128xf32>
      %dot_general3A_658 = arith.constant dense<0.000000e+00> : vector<256x128xf32>
      %dot_general3A_659 = tpu.matmul %convert_element_type3A_644, %convert_element_type3A_20, %dot_general3A_658 {dimension_numbers = #tpu.dot_dimension_numbers<[1], [0], [0], [1], [0, 0, 1, 1], [], []>, transpose_lhs_hint = false} : vector<256x2048xbf16>, vector<2048x128xbf16>, vector<256x128xf32> -> vector<256x128xf32>
      %add3A_660 = arith.addf %add3A_657, %dot_general3A_659 : vector<256x128xf32>
      %sub3A_661 = arith.subf %add3A_652, %get3A_284 : vector<256x128xf32>
      %concatenate3A_662 = tpu.concatenate %get3A_284, %sub3A_661 in 1 : vector<256x128xf32>, vector<256x128xf32> -> vector<256x256xf32>
      %sub3A_663 = arith.subf %add3A_660, %get3A_289 : vector<256x128xf32>
      %concatenate3A_664 = tpu.concatenate %get3A_289, %sub3A_663 in 1 : vector<256x128xf32>, vector<256x128xf32> -> vector<256x256xf32>
      %get3A_665 = arith.constant 1 : index
      %get3A_666 = arith.constant 0 : index
      %get3A_667 = arith.constant 0 : index
      %get3A_668 = vector.load %arg6[%get3A_665, %get3A_666, %get3A_667] : memref<3x256x128xf32, #tpu.memory_space<vmem>>, vector<1x256x128xf32>
      %get3A_669 = vector.shape_cast %get3A_668 : vector<1x256x128xf32> to vector<256x128xf32>
      %dot_general3A_670 = arith.constant dense<0.000000e+00> : vector<256x128xf32>
      %dot_general3A_671 = tpu.matmul %concatenate3A_662, %get3A_669, %dot_general3A_670 {dimension_numbers = #tpu.dot_dimension_numbers<[1], [0], [0], [1], [0, 0, 1, 1], [], []>, transpose_lhs_hint = false} : vector<256x256xf32>, vector<256x128xf32>, vector<256x128xf32> -> vector<256x128xf32>
      %add3A_672 = arith.addf %add3A_623, %dot_general3A_671 : vector<256x128xf32>
      %get3A_673 = arith.constant 0 : index
      %get3A_674 = arith.constant 0 : index
      %get3A_675 = vector.load %arg8[%get3A_673, %get3A_674] : memref<256x256xf32, #tpu.memory_space<vmem>>, vector<256x256xf32>
      %dot_general3A_676 = arith.constant dense<0.000000e+00> : vector<256x256xf32>
      %dot_general3A_677 = tpu.matmul %concatenate3A_664, %get3A_675, %dot_general3A_676 {dimension_numbers = #tpu.dot_dimension_numbers<[1], [0], [0], [1], [0, 0, 1, 1], [], []>, transpose_lhs_hint = false} : vector<256x256xf32>, vector<256x256xf32>, vector<256x256xf32> -> vector<256x256xf32>
      %max3A_678 = arith.maximumf %max3A_629, %dot_general3A_677 : vector<256x256xf32>
      %reduce_sum3A_679 = arith.constant dense<0.000000e+00> : vector<256xf32>
      %reduce_sum3A_680 = vector.multi_reduction <add>, %dot_general3A_677, %reduce_sum3A_679 [0] : vector<256x256xf32> to vector<256xf32>
      %broadcast_in_dim3A_681 = vector.shape_cast %reduce_sum3A_680 : vector<256xf32> to vector<1x256xf32>
      %add3A_682 = arith.addf %add3A_633, %broadcast_in_dim3A_681 : vector<1x256xf32>
      %mul3A_683 = arith.mulf %dot_general3A_677, %dot_general3A_677 : vector<256x256xf32>
      %reduce_sum3A_684 = arith.constant dense<0.000000e+00> : vector<256xf32>
      %reduce_sum3A_685 = vector.multi_reduction <add>, %mul3A_683, %reduce_sum3A_684 [0] : vector<256x256xf32> to vector<256xf32>
      %broadcast_in_dim3A_686 = vector.shape_cast %reduce_sum3A_685 : vector<256xf32> to vector<1x256xf32>
      %add3A_687 = arith.addf %add3A_638, %broadcast_in_dim3A_686 : vector<1x256xf32>
      %slice3A_688 = vector.extract_strided_slice %get3A_279 {offsets = [0, 8], sizes = [256, 1], strides = [1, 1]} : vector<256x9xi32> to vector<256x1xi32>
      %eq3A_689 = vector.broadcast %slice3A_688 : vector<256x1xi32> to vector<256x2048xi32>
      %eq3A_690 = arith.cmpi eq, %iota3A, %eq3A_689 : vector<256x2048xi32>
      %convert_element_type3A_691 = arith.extui %eq3A_690 : vector<256x2048xi1> to vector<256x2048xi32>
      %convert_element_type3A_692 = arith.sitofp %convert_element_type3A_691 : vector<256x2048xi32> to vector<256x2048xf32>
      %convert_element_type3A_693 = arith.truncf %convert_element_type3A_692 : vector<256x2048xf32> to vector<256x2048xbf16>
      %dot_general3A_694 = arith.constant dense<0.000000e+00> : vector<256x128xf32>
      %dot_general3A_695 = tpu.matmul %convert_element_type3A_693, %convert_element_type3A, %dot_general3A_694 {dimension_numbers = #tpu.dot_dimension_numbers<[1], [0], [0], [1], [0, 0, 1, 1], [], []>, transpose_lhs_hint = false} : vector<256x2048xbf16>, vector<2048x128xbf16>, vector<256x128xf32> -> vector<256x128xf32>
      %dot_general3A_696 = arith.constant dense<0.000000e+00> : vector<256x128xf32>
      %dot_general3A_697 = tpu.matmul %convert_element_type3A_693, %convert_element_type3A_10, %dot_general3A_696 {dimension_numbers = #tpu.dot_dimension_numbers<[1], [0], [0], [1], [0, 0, 1, 1], [], []>, transpose_lhs_hint = false} : vector<256x2048xbf16>, vector<2048x128xbf16>, vector<256x128xf32> -> vector<256x128xf32>
      %add3A_698 = arith.addf %dot_general3A_695, %dot_general3A_697 : vector<256x128xf32>
      %dot_general3A_699 = arith.constant dense<0.000000e+00> : vector<256x128xf32>
      %dot_general3A_700 = tpu.matmul %convert_element_type3A_693, %convert_element_type3A_13, %dot_general3A_699 {dimension_numbers = #tpu.dot_dimension_numbers<[1], [0], [0], [1], [0, 0, 1, 1], [], []>, transpose_lhs_hint = false} : vector<256x2048xbf16>, vector<2048x128xbf16>, vector<256x128xf32> -> vector<256x128xf32>
      %add3A_701 = arith.addf %add3A_698, %dot_general3A_700 : vector<256x128xf32>
      %dot_general3A_702 = arith.constant dense<0.000000e+00> : vector<256x128xf32>
      %dot_general3A_703 = tpu.matmul %convert_element_type3A_693, %convert_element_type3A_14, %dot_general3A_702 {dimension_numbers = #tpu.dot_dimension_numbers<[1], [0], [0], [1], [0, 0, 1, 1], [], []>, transpose_lhs_hint = false} : vector<256x2048xbf16>, vector<2048x128xbf16>, vector<256x128xf32> -> vector<256x128xf32>
      %dot_general3A_704 = arith.constant dense<0.000000e+00> : vector<256x128xf32>
      %dot_general3A_705 = tpu.matmul %convert_element_type3A_693, %convert_element_type3A_17, %dot_general3A_704 {dimension_numbers = #tpu.dot_dimension_numbers<[1], [0], [0], [1], [0, 0, 1, 1], [], []>, transpose_lhs_hint = false} : vector<256x2048xbf16>, vector<2048x128xbf16>, vector<256x128xf32> -> vector<256x128xf32>
      %add3A_706 = arith.addf %dot_general3A_703, %dot_general3A_705 : vector<256x128xf32>
      %dot_general3A_707 = arith.constant dense<0.000000e+00> : vector<256x128xf32>
      %dot_general3A_708 = tpu.matmul %convert_element_type3A_693, %convert_element_type3A_20, %dot_general3A_707 {dimension_numbers = #tpu.dot_dimension_numbers<[1], [0], [0], [1], [0, 0, 1, 1], [], []>, transpose_lhs_hint = false} : vector<256x2048xbf16>, vector<2048x128xbf16>, vector<256x128xf32> -> vector<256x128xf32>
      %add3A_709 = arith.addf %add3A_706, %dot_general3A_708 : vector<256x128xf32>
      %sub3A_710 = arith.subf %add3A_701, %get3A_284 : vector<256x128xf32>
      %concatenate3A_711 = tpu.concatenate %get3A_284, %sub3A_710 in 1 : vector<256x128xf32>, vector<256x128xf32> -> vector<256x256xf32>
      %sub3A_712 = arith.subf %add3A_709, %get3A_289 : vector<256x128xf32>
      %concatenate3A_713 = tpu.concatenate %get3A_289, %sub3A_712 in 1 : vector<256x128xf32>, vector<256x128xf32> -> vector<256x256xf32>
      %get3A_714 = arith.constant 2 : index
      %get3A_715 = arith.constant 0 : index
      %get3A_716 = arith.constant 0 : index
      %get3A_717 = vector.load %arg6[%get3A_714, %get3A_715, %get3A_716] : memref<3x256x128xf32, #tpu.memory_space<vmem>>, vector<1x256x128xf32>
      %get3A_718 = vector.shape_cast %get3A_717 : vector<1x256x128xf32> to vector<256x128xf32>
      %dot_general3A_719 = arith.constant dense<0.000000e+00> : vector<256x128xf32>
      %dot_general3A_720 = tpu.matmul %concatenate3A_711, %get3A_718, %dot_general3A_719 {dimension_numbers = #tpu.dot_dimension_numbers<[1], [0], [0], [1], [0, 0, 1, 1], [], []>, transpose_lhs_hint = false} : vector<256x256xf32>, vector<256x128xf32>, vector<256x128xf32> -> vector<256x128xf32>
      %add3A_721 = arith.addf %add3A_672, %dot_general3A_720 : vector<256x128xf32>
      %get3A_722 = arith.constant 0 : index
      %get3A_723 = arith.constant 0 : index
      %get3A_724 = vector.load %arg8[%get3A_722, %get3A_723] : memref<256x256xf32, #tpu.memory_space<vmem>>, vector<256x256xf32>
      %dot_general3A_725 = arith.constant dense<0.000000e+00> : vector<256x256xf32>
      %dot_general3A_726 = tpu.matmul %concatenate3A_713, %get3A_724, %dot_general3A_725 {dimension_numbers = #tpu.dot_dimension_numbers<[1], [0], [0], [1], [0, 0, 1, 1], [], []>, transpose_lhs_hint = false} : vector<256x256xf32>, vector<256x256xf32>, vector<256x256xf32> -> vector<256x256xf32>
      %max3A_727 = arith.maximumf %max3A_678, %dot_general3A_726 : vector<256x256xf32>
      %reduce_sum3A_728 = arith.constant dense<0.000000e+00> : vector<256xf32>
      %reduce_sum3A_729 = vector.multi_reduction <add>, %dot_general3A_726, %reduce_sum3A_728 [0] : vector<256x256xf32> to vector<256xf32>
      %broadcast_in_dim3A_730 = vector.shape_cast %reduce_sum3A_729 : vector<256xf32> to vector<1x256xf32>
      %add3A_731 = arith.addf %add3A_682, %broadcast_in_dim3A_730 : vector<1x256xf32>
      %mul3A_732 = arith.mulf %dot_general3A_726, %dot_general3A_726 : vector<256x256xf32>
      %reduce_sum3A_733 = arith.constant dense<0.000000e+00> : vector<256xf32>
      %reduce_sum3A_734 = vector.multi_reduction <add>, %mul3A_732, %reduce_sum3A_733 [0] : vector<256x256xf32> to vector<256xf32>
      %broadcast_in_dim3A_735 = vector.shape_cast %reduce_sum3A_734 : vector<256xf32> to vector<1x256xf32>
      %add3A_736 = arith.addf %add3A_687, %broadcast_in_dim3A_735 : vector<1x256xf32>
      %swap3A_737 = arith.index_cast %mul3A_274 : i32 to index
      %swap3A_738 = arith.constant 0 : index
      %swap3A_739 = vector.load %arg12[%swap3A_737, %swap3A_738] : memref<2048x128xf32, #tpu.memory_space<vmem>>, vector<256x128xf32>
      tpu.vector_store %arg12[%swap3A_737, %swap3A_738], %add3A_427 {strides = array<i32>} : memref<2048x128xf32, #tpu.memory_space<vmem>>, vector<256x128xf32>,
      %swap3A_740 = arith.index_cast %mul3A_274 : i32 to index
      %swap3A_741 = arith.constant 0 : index
      %swap3A_742 = vector.load %arg13[%swap3A_740, %swap3A_741] : memref<2048x128xf32, #tpu.memory_space<vmem>>, vector<256x128xf32>
      tpu.vector_store %arg13[%swap3A_740, %swap3A_741], %add3A_574 {strides = array<i32>} : memref<2048x128xf32, #tpu.memory_space<vmem>>, vector<256x128xf32>,
      %swap3A_743 = arith.index_cast %mul3A_274 : i32 to index
      %swap3A_744 = arith.constant 0 : index
      %swap3A_745 = vector.load %arg14[%swap3A_743, %swap3A_744] : memref<2048x128xf32, #tpu.memory_space<vmem>>, vector<256x128xf32>
      tpu.vector_store %arg14[%swap3A_743, %swap3A_744], %add3A_721 {strides = array<i32>} : memref<2048x128xf32, #tpu.memory_space<vmem>>, vector<256x128xf32>,
      %swap3A_746 = arith.index_cast %mul3A_274 : i32 to index
      %swap3A_747 = arith.constant 0 : index
      %swap3A_748 = vector.load %arg15[%swap3A_746, %swap3A_747] : memref<2048x256xf32, #tpu.memory_space<vmem>>, vector<256x256xf32>
      tpu.vector_store %arg15[%swap3A_746, %swap3A_747], %max3A_727 {strides = array<i32>} : memref<2048x256xf32, #tpu.memory_space<vmem>>, vector<256x256xf32>,
      scf.yield %add3A_731, %add3A_736 : vector<1x256xf32>, vector<1x256xf32>
    }
    %scan3A_28 = arith.constant 8 : i32
    %get3A_29 = arith.constant 0 : index
    %get3A_30 = arith.constant 0 : index
    %get3A_31 = vector.load %arg12[%get3A_29, %get3A_30] : memref<2048x128xf32, #tpu.memory_space<vmem>>, vector<2048x128xf32>
    %get3A_32 = arith.constant 0 : index
    %get3A_33 = arith.constant 0 : index
    %get3A_34 = vector.load %arg13[%get3A_32, %get3A_33] : memref<2048x128xf32, #tpu.memory_space<vmem>>, vector<2048x128xf32>
    %get3A_35 = arith.constant 0 : index
    %get3A_36 = arith.constant 0 : index
    %get3A_37 = vector.load %arg14[%get3A_35, %get3A_36] : memref<2048x128xf32, #tpu.memory_space<vmem>>, vector<2048x128xf32>
    %reduce_sum3A = arith.constant dense<0.000000e+00> : vector<128xf32>
    %reduce_sum3A_38 = vector.multi_reduction <add>, %get3A_31, %reduce_sum3A [0] : vector<2048x128xf32> to vector<128xf32>
    %broadcast_in_dim3A_39 = vector.shape_cast %reduce_sum3A_38 : vector<128xf32> to vector<1x128xf32>
    %reduce_sum3A_40 = arith.constant dense<0.000000e+00> : vector<128xf32>
    %reduce_sum3A_41 = vector.multi_reduction <add>, %get3A_34, %reduce_sum3A_40 [0] : vector<2048x128xf32> to vector<128xf32>
    %broadcast_in_dim3A_42 = vector.shape_cast %reduce_sum3A_41 : vector<128xf32> to vector<1x128xf32>
    %add3A = arith.addf %broadcast_in_dim3A_39, %broadcast_in_dim3A_42 : vector<1x128xf32>
    %reduce_sum3A_43 = arith.constant dense<0.000000e+00> : vector<128xf32>
    %reduce_sum3A_44 = vector.multi_reduction <add>, %get3A_37, %reduce_sum3A_43 [0] : vector<2048x128xf32> to vector<128xf32>
    %broadcast_in_dim3A_45 = vector.shape_cast %reduce_sum3A_44 : vector<128xf32> to vector<1x128xf32>
    %add3A_46 = arith.addf %add3A, %broadcast_in_dim3A_45 : vector<1x128xf32>
    %div3A = arith.constant 6.144000e+03 : f32
    %div3A_47 = vector.broadcast %div3A : f32 to vector<1x128xf32>
    %div3A_48 = arith.divf %add3A_46, %div3A_47 : vector<1x128xf32>
    %sub3A_49 = vector.broadcast %div3A_48 : vector<1x128xf32> to vector<2048x128xf32>
    %sub3A_50 = arith.subf %get3A_31, %sub3A_49 : vector<2048x128xf32>
    %integer_pow3A = arith.mulf %sub3A_50, %sub3A_50 : vector<2048x128xf32>
    %reduce_sum3A_51 = arith.constant dense<0.000000e+00> : vector<128xf32>
    %reduce_sum3A_52 = vector.multi_reduction <add>, %integer_pow3A, %reduce_sum3A_51 [0] : vector<2048x128xf32> to vector<128xf32>
    %broadcast_in_dim3A_53 = vector.shape_cast %reduce_sum3A_52 : vector<128xf32> to vector<1x128xf32>
    %sub3A_54 = vector.broadcast %div3A_48 : vector<1x128xf32> to vector<2048x128xf32>
    %sub3A_55 = arith.subf %get3A_34, %sub3A_54 : vector<2048x128xf32>
    %integer_pow3A_56 = arith.mulf %sub3A_55, %sub3A_55 : vector<2048x128xf32>
    %reduce_sum3A_57 = arith.constant dense<0.000000e+00> : vector<128xf32>
    %reduce_sum3A_58 = vector.multi_reduction <add>, %integer_pow3A_56, %reduce_sum3A_57 [0] : vector<2048x128xf32> to vector<128xf32>
    %broadcast_in_dim3A_59 = vector.shape_cast %reduce_sum3A_58 : vector<128xf32> to vector<1x128xf32>
    %add3A_60 = arith.addf %broadcast_in_dim3A_53, %broadcast_in_dim3A_59 : vector<1x128xf32>
    %sub3A_61 = vector.broadcast %div3A_48 : vector<1x128xf32> to vector<2048x128xf32>
    %sub3A_62 = arith.subf %get3A_37, %sub3A_61 : vector<2048x128xf32>
    %integer_pow3A_63 = arith.mulf %sub3A_62, %sub3A_62 : vector<2048x128xf32>
    %reduce_sum3A_64 = arith.constant dense<0.000000e+00> : vector<128xf32>
    %reduce_sum3A_65 = vector.multi_reduction <add>, %integer_pow3A_63, %reduce_sum3A_64 [0] : vector<2048x128xf32> to vector<128xf32>
    %broadcast_in_dim3A_66 = vector.shape_cast %reduce_sum3A_65 : vector<128xf32> to vector<1x128xf32>
    %add3A_67 = arith.addf %add3A_60, %broadcast_in_dim3A_66 : vector<1x128xf32>
    %div3A_68 = arith.constant 6.144000e+03 : f32
    %div3A_69 = vector.broadcast %div3A_68 : f32 to vector<1x128xf32>
    %div3A_70 = arith.divf %add3A_67, %div3A_69 : vector<1x128xf32>
    %add3A_71 = arith.constant 9.99999974E-6 : f32
    %add3A_72 = vector.broadcast %add3A_71 : f32 to vector<1x128xf32>
    %add3A_73 = arith.addf %div3A_70, %add3A_72 : vector<1x128xf32>
    %rsqrt3A = math.rsqrt %add3A_73 : vector<1x128xf32>
    %sub3A_74 = vector.broadcast %div3A_48 : vector<1x128xf32> to vector<2048x128xf32>
    %sub3A_75 = arith.subf %get3A_31, %sub3A_74 : vector<2048x128xf32>
    %mul3A = vector.broadcast %rsqrt3A : vector<1x128xf32> to vector<2048x128xf32>
    %mul3A_76 = arith.mulf %sub3A_75, %mul3A : vector<2048x128xf32>
    %max3A = arith.constant 0.000000e+00 : f32
    %max3A_77 = vector.broadcast %max3A : f32 to vector<2048x128xf32>
    %max3A_78 = arith.maximumf %mul3A_76, %max3A_77 : vector<2048x128xf32>
    %sub3A_79 = vector.broadcast %div3A_48 : vector<1x128xf32> to vector<2048x128xf32>
    %sub3A_80 = arith.subf %get3A_34, %sub3A_79 : vector<2048x128xf32>
    %mul3A_81 = vector.broadcast %rsqrt3A : vector<1x128xf32> to vector<2048x128xf32>
    %mul3A_82 = arith.mulf %sub3A_80, %mul3A_81 : vector<2048x128xf32>
    %max3A_83 = arith.constant 0.000000e+00 : f32
    %max3A_84 = vector.broadcast %max3A_83 : f32 to vector<2048x128xf32>
    %max3A_85 = arith.maximumf %mul3A_82, %max3A_84 : vector<2048x128xf32>
    %sub3A_86 = vector.broadcast %div3A_48 : vector<1x128xf32> to vector<2048x128xf32>
    %sub3A_87 = arith.subf %get3A_37, %sub3A_86 : vector<2048x128xf32>
    %mul3A_88 = vector.broadcast %rsqrt3A : vector<1x128xf32> to vector<2048x128xf32>
    %mul3A_89 = arith.mulf %sub3A_87, %mul3A_88 : vector<2048x128xf32>
    %max3A_90 = arith.constant 0.000000e+00 : f32
    %max3A_91 = vector.broadcast %max3A_90 : f32 to vector<2048x128xf32>
    %max3A_92 = arith.maximumf %mul3A_89, %max3A_91 : vector<2048x128xf32>
    %get3A_93 = arith.constant 0 : index
    %get3A_94 = arith.constant 0 : index
    %get3A_95 = arith.constant 0 : index
    %get3A_96 = vector.load %arg7[%get3A_93, %get3A_94, %get3A_95] : memref<3x128x128xf32, #tpu.memory_space<vmem>>, vector<1x128x128xf32>
    %get3A_97 = vector.shape_cast %get3A_96 : vector<1x128x128xf32> to vector<128x128xf32>
    %dot_general3A = arith.constant dense<0.000000e+00> : vector<2048x128xf32>
    %dot_general3A_98 = tpu.matmul %max3A_78, %get3A_97, %dot_general3A {dimension_numbers = #tpu.dot_dimension_numbers<[1], [0], [0], [1], [0, 0, 1, 1], [], []>, transpose_lhs_hint = false} : vector<2048x128xf32>, vector<128x128xf32>, vector<2048x128xf32> -> vector<2048x128xf32>
    %get3A_99 = arith.constant 1 : index
    %get3A_100 = arith.constant 0 : index
    %get3A_101 = arith.constant 0 : index
    %get3A_102 = vector.load %arg7[%get3A_99, %get3A_100, %get3A_101] : memref<3x128x128xf32, #tpu.memory_space<vmem>>, vector<1x128x128xf32>
    %get3A_103 = vector.shape_cast %get3A_102 : vector<1x128x128xf32> to vector<128x128xf32>
    %dot_general3A_104 = arith.constant dense<0.000000e+00> : vector<2048x128xf32>
    %dot_general3A_105 = tpu.matmul %max3A_85, %get3A_103, %dot_general3A_104 {dimension_numbers = #tpu.dot_dimension_numbers<[1], [0], [0], [1], [0, 0, 1, 1], [], []>, transpose_lhs_hint = false} : vector<2048x128xf32>, vector<128x128xf32>, vector<2048x128xf32> -> vector<2048x128xf32>
    %add3A_106 = arith.addf %dot_general3A_98, %dot_general3A_105 : vector<2048x128xf32>
    %get3A_107 = arith.constant 2 : index
    %get3A_108 = arith.constant 0 : index
    %get3A_109 = arith.constant 0 : index
    %get3A_110 = vector.load %arg7[%get3A_107, %get3A_108, %get3A_109] : memref<3x128x128xf32, #tpu.memory_space<vmem>>, vector<1x128x128xf32>
    %get3A_111 = vector.shape_cast %get3A_110 : vector<1x128x128xf32> to vector<128x128xf32>
    %dot_general3A_112 = arith.constant dense<0.000000e+00> : vector<2048x128xf32>
    %dot_general3A_113 = tpu.matmul %max3A_92, %get3A_111, %dot_general3A_112 {dimension_numbers = #tpu.dot_dimension_numbers<[1], [0], [0], [1], [0, 0, 1, 1], [], []>, transpose_lhs_hint = false} : vector<2048x128xf32>, vector<128x128xf32>, vector<2048x128xf32> -> vector<2048x128xf32>
    %add3A_114 = arith.addf %add3A_106, %dot_general3A_113 : vector<2048x128xf32>
    %reduce_sum3A_115 = arith.constant dense<0.000000e+00> : vector<128xf32>
    %reduce_sum3A_116 = vector.multi_reduction <add>, %add3A_114, %reduce_sum3A_115 [0] : vector<2048x128xf32> to vector<128xf32>
    %broadcast_in_dim3A_117 = vector.shape_cast %reduce_sum3A_116 : vector<128xf32> to vector<1x128xf32>
    %div3A_118 = arith.constant 2.048000e+03 : f32
    %div3A_119 = vector.broadcast %div3A_118 : f32 to vector<1x128xf32>
    %div3A_120 = arith.divf %broadcast_in_dim3A_117, %div3A_119 : vector<1x128xf32>
    %sub3A_121 = vector.broadcast %div3A_120 : vector<1x128xf32> to vector<2048x128xf32>
    %sub3A_122 = arith.subf %add3A_114, %sub3A_121 : vector<2048x128xf32>
    %integer_pow3A_123 = arith.mulf %sub3A_122, %sub3A_122 : vector<2048x128xf32>
    %reduce_sum3A_124 = arith.constant dense<0.000000e+00> : vector<128xf32>
    %reduce_sum3A_125 = vector.multi_reduction <add>, %integer_pow3A_123, %reduce_sum3A_124 [0] : vector<2048x128xf32> to vector<128xf32>
    %broadcast_in_dim3A_126 = vector.shape_cast %reduce_sum3A_125 : vector<128xf32> to vector<1x128xf32>
    %div3A_127 = arith.constant 2.048000e+03 : f32
    %div3A_128 = vector.broadcast %div3A_127 : f32 to vector<1x128xf32>
    %div3A_129 = arith.divf %broadcast_in_dim3A_126, %div3A_128 : vector<1x128xf32>
    %add3A_130 = arith.constant 9.99999974E-6 : f32
    %add3A_131 = vector.broadcast %add3A_130 : f32 to vector<1x128xf32>
    %add3A_132 = arith.addf %div3A_129, %add3A_131 : vector<1x128xf32>
    %rsqrt3A_133 = math.rsqrt %add3A_132 : vector<1x128xf32>
    %sub3A_134 = vector.broadcast %div3A_120 : vector<1x128xf32> to vector<2048x128xf32>
    %sub3A_135 = arith.subf %add3A_114, %sub3A_134 : vector<2048x128xf32>
    %mul3A_136 = vector.broadcast %rsqrt3A_133 : vector<1x128xf32> to vector<2048x128xf32>
    %mul3A_137 = arith.mulf %sub3A_135, %mul3A_136 : vector<2048x128xf32>
    %max3A_138 = arith.constant 0.000000e+00 : f32
    %max3A_139 = vector.broadcast %max3A_138 : f32 to vector<2048x128xf32>
    %max3A_140 = arith.maximumf %mul3A_137, %max3A_139 : vector<2048x128xf32>
    %div3A_141 = arith.constant 1.843200e+04 : f32
    %div3A_142 = vector.broadcast %div3A_141 : f32 to vector<1x256xf32>
    %div3A_143 = arith.divf %scan3A_27#0, %div3A_142 : vector<1x256xf32>
    %div3A_144 = arith.constant 1.843200e+04 : f32
    %div3A_145 = vector.broadcast %div3A_144 : f32 to vector<1x256xf32>
    %div3A_146 = arith.divf %scan3A_27#1, %div3A_145 : vector<1x256xf32>
    %mul3A_147 = arith.mulf %div3A_143, %div3A_143 : vector<1x256xf32>
    %sub3A_148 = arith.subf %div3A_146, %mul3A_147 : vector<1x256xf32>
    %add3A_149 = arith.constant 9.99999974E-6 : f32
    %add3A_150 = vector.broadcast %add3A_149 : f32 to vector<1x256xf32>
    %add3A_151 = arith.addf %sub3A_148, %add3A_150 : vector<1x256xf32>
    %rsqrt3A_152 = math.rsqrt %add3A_151 : vector<1x256xf32>
    %get3A_153 = arith.constant 0 : index
    %get3A_154 = arith.constant 0 : index
    %get3A_155 = vector.load %arg15[%get3A_153, %get3A_154] : memref<2048x256xf32, #tpu.memory_space<vmem>>, vector<2048x256xf32>
    %sub3A_156 = vector.broadcast %div3A_143 : vector<1x256xf32> to vector<2048x256xf32>
    %sub3A_157 = arith.subf %get3A_155, %sub3A_156 : vector<2048x256xf32>
    %mul3A_158 = vector.broadcast %rsqrt3A_152 : vector<1x256xf32> to vector<2048x256xf32>
    %mul3A_159 = arith.mulf %sub3A_157, %mul3A_158 : vector<2048x256xf32>
    %ge3A = arith.constant 0.000000e+00 : f32
    %ge3A_160 = vector.broadcast %ge3A : f32 to vector<2048x256xf32>
    %ge3A_161 = arith.cmpf oge, %mul3A_159, %ge3A_160 : vector<2048x256xf32>
    %mul3A_162 = arith.constant 2.000000e-01 : f32
    %mul3A_163 = vector.broadcast %mul3A_162 : f32 to vector<2048x256xf32>
    %mul3A_164 = arith.mulf %mul3A_163, %mul3A_159 : vector<2048x256xf32>
    %select_n3A = arith.select %ge3A_161, %mul3A_159, %mul3A_164 : vector<2048x256xi1>, vector<2048x256xf32>
    %get3A_165 = arith.constant 0 : index
    %get3A_166 = arith.constant 0 : index
    %get3A_167 = arith.constant 0 : index
    %get3A_168 = vector.load %arg1[%get3A_165, %get3A_166, %get3A_167] : memref<1x2048x128xf32, #tpu.memory_space<vmem>>, vector<1x2048x128xf32>
    %get3A_169 = vector.shape_cast %get3A_168 : vector<1x2048x128xf32> to vector<2048x128xf32>
    %get3A_170 = arith.constant 0 : index
    %get3A_171 = arith.constant 0 : index
    %get3A_172 = arith.constant 0 : index
    %get3A_173 = vector.load %arg4[%get3A_170, %get3A_171, %get3A_172] : memref<1x2048x128xf32, #tpu.memory_space<vmem>>, vector<1x2048x128xf32>
    %get3A_174 = vector.shape_cast %get3A_173 : vector<1x2048x128xf32> to vector<2048x128xf32>
    %get3A_175 = arith.constant 0 : index
    %get3A_176 = arith.constant 0 : index
    %get3A_177 = vector.load %arg9[%get3A_175, %get3A_176] : memref<384x128xf32, #tpu.memory_space<vmem>>, vector<384x128xf32>
    %add3A_178 = arith.addf %get3A_3, %get3A_174 : vector<2048x128xf32>
    %add3A_179 = arith.addf %max3A_140, %get3A_174 : vector<2048x128xf32>
    %slice3A = vector.extract_strided_slice %get3A_177 {offsets = [0, 0], sizes = [128, 128], strides = [1, 1]} : vector<384x128xf32> to vector<128x128xf32>
    %dot_general3A_180 = arith.constant dense<0.000000e+00> : vector<2048x128xf32>
    %dot_general3A_181 = tpu.matmul %get3A_169, %slice3A, %dot_general3A_180 {dimension_numbers = #tpu.dot_dimension_numbers<[1], [0], [0], [1], [0, 0, 1, 1], [], []>, transpose_lhs_hint = false} : vector<2048x128xf32>, vector<128x128xf32>, vector<2048x128xf32> -> vector<2048x128xf32>
    %slice3A_182 = vector.extract_strided_slice %get3A_177 {offsets = [128, 0], sizes = [128, 128], strides = [1, 1]} : vector<384x128xf32> to vector<128x128xf32>
    %dot_general3A_183 = arith.constant dense<0.000000e+00> : vector<2048x128xf32>
    %dot_general3A_184 = tpu.matmul %add3A_178, %slice3A_182, %dot_general3A_183 {dimension_numbers = #tpu.dot_dimension_numbers<[1], [0], [0], [1], [0, 0, 1, 1], [], []>, transpose_lhs_hint = false} : vector<2048x128xf32>, vector<128x128xf32>, vector<2048x128xf32> -> vector<2048x128xf32>
    %add3A_185 = arith.addf %dot_general3A_181, %dot_general3A_184 : vector<2048x128xf32>
    %slice3A_186 = vector.extract_strided_slice %get3A_177 {offsets = [256, 0], sizes = [128, 128], strides = [1, 1]} : vector<384x128xf32> to vector<128x128xf32>
    %dot_general3A_187 = arith.constant dense<0.000000e+00> : vector<2048x128xf32>
    %dot_general3A_188 = tpu.matmul %add3A_179, %slice3A_186, %dot_general3A_187 {dimension_numbers = #tpu.dot_dimension_numbers<[1], [0], [0], [1], [0, 0, 1, 1], [], []>, transpose_lhs_hint = false} : vector<2048x128xf32>, vector<128x128xf32>, vector<2048x128xf32> -> vector<2048x128xf32>
    %add3A_189 = arith.addf %add3A_185, %dot_general3A_188 : vector<2048x128xf32>
    %reduce_sum3A_190 = arith.constant dense<0.000000e+00> : vector<128xf32>
    %reduce_sum3A_191 = vector.multi_reduction <add>, %add3A_189, %reduce_sum3A_190 [0] : vector<2048x128xf32> to vector<128xf32>
    %broadcast_in_dim3A_192 = vector.shape_cast %reduce_sum3A_191 : vector<128xf32> to vector<1x128xf32>
    %div3A_193 = arith.constant 2.048000e+03 : f32
    %div3A_194 = vector.broadcast %div3A_193 : f32 to vector<1x128xf32>
    %div3A_195 = arith.divf %broadcast_in_dim3A_192, %div3A_194 : vector<1x128xf32>
    %sub3A_196 = vector.broadcast %div3A_195 : vector<1x128xf32> to vector<2048x128xf32>
    %sub3A_197 = arith.subf %add3A_189, %sub3A_196 : vector<2048x128xf32>
    %integer_pow3A_198 = arith.mulf %sub3A_197, %sub3A_197 : vector<2048x128xf32>
    %reduce_sum3A_199 = arith.constant dense<0.000000e+00> : vector<128xf32>
    %reduce_sum3A_200 = vector.multi_reduction <add>, %integer_pow3A_198, %reduce_sum3A_199 [0] : vector<2048x128xf32> to vector<128xf32>
    %broadcast_in_dim3A_201 = vector.shape_cast %reduce_sum3A_200 : vector<128xf32> to vector<1x128xf32>
    %div3A_202 = arith.constant 2.048000e+03 : f32
    %div3A_203 = vector.broadcast %div3A_202 : f32 to vector<1x128xf32>
    %div3A_204 = arith.divf %broadcast_in_dim3A_201, %div3A_203 : vector<1x128xf32>
    %add3A_205 = arith.constant 9.99999974E-6 : f32
    %add3A_206 = vector.broadcast %add3A_205 : f32 to vector<1x128xf32>
    %add3A_207 = arith.addf %div3A_204, %add3A_206 : vector<1x128xf32>
    %rsqrt3A_208 = math.rsqrt %add3A_207 : vector<1x128xf32>
    %sub3A_209 = vector.broadcast %div3A_195 : vector<1x128xf32> to vector<2048x128xf32>
    %sub3A_210 = arith.subf %add3A_189, %sub3A_209 : vector<2048x128xf32>
    %mul3A_211 = vector.broadcast %rsqrt3A_208 : vector<1x128xf32> to vector<2048x128xf32>
    %mul3A_212 = arith.mulf %sub3A_210, %mul3A_211 : vector<2048x128xf32>
    %ge3A_213 = arith.constant 0.000000e+00 : f32
    %ge3A_214 = vector.broadcast %ge3A_213 : f32 to vector<2048x128xf32>
    %ge3A_215 = arith.cmpf oge, %mul3A_212, %ge3A_214 : vector<2048x128xf32>
    %mul3A_216 = arith.constant 2.000000e-01 : f32
    %mul3A_217 = vector.broadcast %mul3A_216 : f32 to vector<2048x128xf32>
    %mul3A_218 = arith.mulf %mul3A_217, %mul3A_212 : vector<2048x128xf32>
    %select_n3A_219 = arith.select %ge3A_215, %mul3A_212, %mul3A_218 : vector<2048x128xi1>, vector<2048x128xf32>
    %get3A_220 = arith.constant 0 : index
    %get3A_221 = arith.constant 0 : index
    %get3A_222 = vector.load %arg10[%get3A_220, %get3A_221] : memref<512x128xf32, #tpu.memory_space<vmem>>, vector<512x128xf32>
    %slice3A_223 = vector.extract_strided_slice %get3A_222 {offsets = [0, 0], sizes = [128, 128], strides = [1, 1]} : vector<512x128xf32> to vector<128x128xf32>
    %dot_general3A_224 = arith.constant dense<0.000000e+00> : vector<2048x128xf32>
    %dot_general3A_225 = tpu.matmul %get3A_169, %slice3A_223, %dot_general3A_224 {dimension_numbers = #tpu.dot_dimension_numbers<[1], [0], [0], [1], [0, 0, 1, 1], [], []>, transpose_lhs_hint = false} : vector<2048x128xf32>, vector<128x128xf32>, vector<2048x128xf32> -> vector<2048x128xf32>
    %slice3A_226 = vector.extract_strided_slice %get3A_222 {offsets = [128, 0], sizes = [128, 128], strides = [1, 1]} : vector<512x128xf32> to vector<128x128xf32>
    %dot_general3A_227 = arith.constant dense<0.000000e+00> : vector<2048x128xf32>
    %dot_general3A_228 = tpu.matmul %get3A_8, %slice3A_226, %dot_general3A_227 {dimension_numbers = #tpu.dot_dimension_numbers<[1], [0], [0], [1], [0, 0, 1, 1], [], []>, transpose_lhs_hint = false} : vector<2048x128xf32>, vector<128x128xf32>, vector<2048x128xf32> -> vector<2048x128xf32>
    %add3A_229 = arith.addf %dot_general3A_225, %dot_general3A_228 : vector<2048x128xf32>
    %slice3A_230 = vector.extract_strided_slice %get3A_222 {offsets = [256, 0], sizes = [256, 128], strides = [1, 1]} : vector<512x128xf32> to vector<256x128xf32>
    %dot_general3A_231 = arith.constant dense<0.000000e+00> : vector<2048x128xf32>
    %dot_general3A_232 = tpu.matmul %select_n3A, %slice3A_230, %dot_general3A_231 {dimension_numbers = #tpu.dot_dimension_numbers<[1], [0], [0], [1], [0, 0, 1, 1], [], []>, transpose_lhs_hint = false} : vector<2048x256xf32>, vector<256x128xf32>, vector<2048x128xf32> -> vector<2048x128xf32>
    %add3A_233 = arith.addf %add3A_229, %dot_general3A_232 : vector<2048x128xf32>
    %reduce_sum3A_234 = arith.constant dense<0.000000e+00> : vector<128xf32>
    %reduce_sum3A_235 = vector.multi_reduction <add>, %add3A_233, %reduce_sum3A_234 [0] : vector<2048x128xf32> to vector<128xf32>
    %broadcast_in_dim3A_236 = vector.shape_cast %reduce_sum3A_235 : vector<128xf32> to vector<1x128xf32>
    %div3A_237 = arith.constant 2.048000e+03 : f32
    %div3A_238 = vector.broadcast %div3A_237 : f32 to vector<1x128xf32>
    %div3A_239 = arith.divf %broadcast_in_dim3A_236, %div3A_238 : vector<1x128xf32>
    %sub3A_240 = vector.broadcast %div3A_239 : vector<1x128xf32> to vector<2048x128xf32>
    %sub3A_241 = arith.subf %add3A_233, %sub3A_240 : vector<2048x128xf32>
    %integer_pow3A_242 = arith.mulf %sub3A_241, %sub3A_241 : vector<2048x128xf32>
    %reduce_sum3A_243 = arith.constant dense<0.000000e+00> : vector<128xf32>
    %reduce_sum3A_244 = vector.multi_reduction <add>, %integer_pow3A_242, %reduce_sum3A_243 [0] : vector<2048x128xf32> to vector<128xf32>
    %broadcast_in_dim3A_245 = vector.shape_cast %reduce_sum3A_244 : vector<128xf32> to vector<1x128xf32>
    %div3A_246 = arith.constant 2.048000e+03 : f32
    %div3A_247 = vector.broadcast %div3A_246 : f32 to vector<1x128xf32>
    %div3A_248 = arith.divf %broadcast_in_dim3A_245, %div3A_247 : vector<1x128xf32>
    %add3A_249 = arith.constant 9.99999974E-6 : f32
    %add3A_250 = vector.broadcast %add3A_249 : f32 to vector<1x128xf32>
    %add3A_251 = arith.addf %div3A_248, %add3A_250 : vector<1x128xf32>
    %rsqrt3A_252 = math.rsqrt %add3A_251 : vector<1x128xf32>
    %sub3A_253 = vector.broadcast %div3A_239 : vector<1x128xf32> to vector<2048x128xf32>
    %sub3A_254 = arith.subf %add3A_233, %sub3A_253 : vector<2048x128xf32>
    %mul3A_255 = vector.broadcast %rsqrt3A_252 : vector<1x128xf32> to vector<2048x128xf32>
    %mul3A_256 = arith.mulf %sub3A_254, %mul3A_255 : vector<2048x128xf32>
    %ge3A_257 = arith.constant 0.000000e+00 : f32
    %ge3A_258 = vector.broadcast %ge3A_257 : f32 to vector<2048x128xf32>
    %ge3A_259 = arith.cmpf oge, %mul3A_256, %ge3A_258 : vector<2048x128xf32>
    %mul3A_260 = arith.constant 2.000000e-01 : f32
    %mul3A_261 = vector.broadcast %mul3A_260 : f32 to vector<2048x128xf32>
    %mul3A_262 = arith.mulf %mul3A_261, %mul3A_256 : vector<2048x128xf32>
    %select_n3A_263 = arith.select %ge3A_259, %mul3A_256, %mul3A_262 : vector<2048x128xi1>, vector<2048x128xf32>
    %add3A_264 = arith.addf %select_n3A_219, %select_n3A_263 : vector<2048x128xf32>
    %swap3A = arith.constant 0 : index
    %swap3A_265 = arith.constant 0 : index
    %swap3A_266 = arith.constant 0 : index
    %swap3A_267 = vector.load %arg11[%swap3A, %swap3A_265, %swap3A_266] : memref<1x2048x128xf32, #tpu.memory_space<vmem>>, vector<1x2048x128xf32>
    %swap3A_268 = vector.shape_cast %swap3A_267 : vector<1x2048x128xf32> to vector<2048x128xf32>
    %swap3A_269 = vector.shape_cast %add3A_264 : vector<2048x128xf32> to vector<1x2048x128xf32>
    tpu.vector_store %arg11[%swap3A, %swap3A_265, %swap3A_266], %swap3A_269 {strides = array<i32>} : memref<1x2048x128xf32, #tpu.memory_space<vmem>>, vector<1x2048x128xf32>,
    return
  }
  func.func @transform_0(%arg0: i32) -> (i32, i32, i32) {
    %c0_i32 = arith.constant 0 : i32
    %c0_i32_0 = arith.constant 0 : i32
    %c0_i32_1 = arith.constant 0 : i32
    return %arg0, %c0_i32, %c0_i32_0 : i32, i32, i32
  }
  func.func @transform_1(%arg0: i32) -> (i32, i32, i32) {
    %c0_i32 = arith.constant 0 : i32
    %c0_i32_0 = arith.constant 0 : i32
    %c0_i32_1 = arith.constant 0 : i32
    return %arg0, %c0_i32, %c0_i32_0 : i32, i32, i32
  }
  func.func @transform_2(%arg0: i32) -> (i32, i32, i32) {
    %c0_i32 = arith.constant 0 : i32
    %c0_i32_0 = arith.constant 0 : i32
    %c0_i32_1 = arith.constant 0 : i32
    return %arg0, %c0_i32, %c0_i32_0 : i32, i32, i32
  }
  func.func @transform_3(%arg0: i32) -> (i32, i32, i32) {
    %c0_i32 = arith.constant 0 : i32
    %c0_i32_0 = arith.constant 0 : i32
    %c0_i32_1 = arith.constant 0 : i32
    return %arg0, %c0_i32, %c0_i32_0 : i32, i32, i32
  }
  func.func @transform_4(%arg0: i32) -> (i32, i32, i32) {
    %c0_i32 = arith.constant 0 : i32
    %c0_i32_0 = arith.constant 0 : i32
    %c0_i32_1 = arith.constant 0 : i32
    return %arg0, %c0_i32, %c0_i32_0 : i32, i32, i32
  }
  func.func @transform_5(%arg0: i32) -> (i32, i32, i32) {
    %c0_i32 = arith.constant 0 : i32
    %c0_i32_0 = arith.constant 0 : i32
    %c0_i32_1 = arith.constant 0 : i32
    %c0_i32_2 = arith.constant 0 : i32
    return %c0_i32, %c0_i32_0, %c0_i32_1 : i32, i32, i32
  }
  func.func @transform_6(%arg0: i32) -> (i32, i32, i32) {
    %c0_i32 = arith.constant 0 : i32
    %c0_i32_0 = arith.constant 0 : i32
    %c0_i32_1 = arith.constant 0 : i32
    %c0_i32_2 = arith.constant 0 : i32
    return %c0_i32, %c0_i32_0, %c0_i32_1 : i32, i32, i32
  }
  func.func @transform_7(%arg0: i32) -> (i32, i32) {
    %c0_i32 = arith.constant 0 : i32
    %c0_i32_0 = arith.constant 0 : i32
    %c0_i32_1 = arith.constant 0 : i32
    return %c0_i32, %c0_i32_0 : i32, i32
  }
  func.func @transform_8(%arg0: i32) -> (i32, i32) {
    %c0_i32 = arith.constant 0 : i32
    %c0_i32_0 = arith.constant 0 : i32
    %c0_i32_1 = arith.constant 0 : i32
    return %c0_i32, %c0_i32_0 : i32, i32
  }
  func.func @transform_9(%arg0: i32) -> (i32, i32) {
    %c0_i32 = arith.constant 0 : i32
    %c0_i32_0 = arith.constant 0 : i32
    %c0_i32_1 = arith.constant 0 : i32
    return %c0_i32, %c0_i32_0 : i32, i32
  }
  func.func @transform_10(%arg0: i32) -> (i32, i32, i32) {
    %c0_i32 = arith.constant 0 : i32
    %c0_i32_0 = arith.constant 0 : i32
    %c0_i32_1 = arith.constant 0 : i32
    return %arg0, %c0_i32, %c0_i32_0 : i32, i32, i32
  }
}

module attributes {stable_mosaic.version = 14 : i64} {
  func.func @_qkv_kernel(%arg0: i32, %arg1: i32, %arg2: memref<1x256x128xf32, #tpu.memory_space<vmem>>, %arg3: memref<128x384xf32, #tpu.memory_space<vmem>>, %arg4: memref<1x384xf32, #tpu.memory_space<vmem>>, %arg5: memref<1x256x384xf32, #tpu.memory_space<vmem>>) attributes {dimension_semantics = [#tpu.dimension_semantics<arbitrary>, #tpu.dimension_semantics<arbitrary>], iteration_bounds = array<i64: 4, 8>, scalar_prefetch = 0 : i64, scratch_operands = 0 : i64, tpu.core_type = #tpu.core_type<tc>, window_params = [{transform_indices = @transform_0, window_bounds = array<i64: 1, 256, 128>}, {pipeline_mode = #tpu.pipeline_mode<synchronous>, transform_indices = @transform_1, window_bounds = array<i64: 128, 384>}, {pipeline_mode = #tpu.pipeline_mode<synchronous>, transform_indices = @transform_2, window_bounds = array<i64: 1, 384>}, {transform_indices = @transform_3, window_bounds = array<i64: 1, 256, 384>}]} {
    %get3A = arith.constant 0 : index
    %get3A_0 = arith.constant 0 : index
    %get3A_1 = arith.constant 0 : index
    %get3A_2 = vector.load %arg2[%get3A, %get3A_0, %get3A_1] : memref<1x256x128xf32, #tpu.memory_space<vmem>>, vector<1x256x128xf32>
    %get3A_3 = vector.shape_cast %get3A_2 : vector<1x256x128xf32> to vector<256x128xf32>
    %get3A_4 = arith.constant 0 : index
    %get3A_5 = arith.constant 0 : index
    %get3A_6 = vector.load %arg3[%get3A_4, %get3A_5] : memref<128x384xf32, #tpu.memory_space<vmem>>, vector<128x384xf32>
    %dot_general3A = arith.constant dense<0.000000e+00> : vector<256x384xf32>
    %dot_general3A_7 = tpu.matmul %get3A_3, %get3A_6, %dot_general3A {dimension_numbers = #tpu.dot_dimension_numbers<[1], [0], [0], [1], [0, 0, 1, 1], [], []>, transpose_lhs_hint = false} : vector<256x128xf32>, vector<128x384xf32>, vector<256x384xf32> -> vector<256x384xf32>
    %get3A_8 = arith.constant 0 : index
    %get3A_9 = arith.constant 0 : index
    %get3A_10 = vector.load %arg4[%get3A_8, %get3A_9] : memref<1x384xf32, #tpu.memory_space<vmem>>, vector<1x384xf32>
    %add3A = vector.broadcast %get3A_10 : vector<1x384xf32> to vector<256x384xf32>
    %add3A_11 = arith.addf %dot_general3A_7, %add3A : vector<256x384xf32>
    %swap3A = arith.constant 0 : index
    %swap3A_12 = arith.constant 0 : index
    %swap3A_13 = arith.constant 0 : index
    %swap3A_14 = vector.load %arg5[%swap3A, %swap3A_12, %swap3A_13] : memref<1x256x384xf32, #tpu.memory_space<vmem>>, vector<1x256x384xf32>
    %swap3A_15 = vector.shape_cast %swap3A_14 : vector<1x256x384xf32> to vector<256x384xf32>
    %swap3A_16 = vector.shape_cast %add3A_11 : vector<256x384xf32> to vector<1x256x384xf32>
    tpu.vector_store %arg5[%swap3A, %swap3A_12, %swap3A_13], %swap3A_16 {strides = array<i32>} : memref<1x256x384xf32, #tpu.memory_space<vmem>>, vector<1x256x384xf32>,
    return
  }
  func.func @transform_0(%arg0: i32, %arg1: i32) -> (i32, i32, i32) {
    %c0_i32 = arith.constant 0 : i32
    %c0_i32_0 = arith.constant 0 : i32
    return %arg0, %arg1, %c0_i32 : i32, i32, i32
  }
  func.func @transform_1(%arg0: i32, %arg1: i32) -> (i32, i32) {
    %c0_i32 = arith.constant 0 : i32
    %c0_i32_0 = arith.constant 0 : i32
    %c0_i32_1 = arith.constant 0 : i32
    return %c0_i32, %c0_i32_0 : i32, i32
  }
  func.func @transform_2(%arg0: i32, %arg1: i32) -> (i32, i32) {
    %c0_i32 = arith.constant 0 : i32
    %c0_i32_0 = arith.constant 0 : i32
    %c0_i32_1 = arith.constant 0 : i32
    return %c0_i32, %c0_i32_0 : i32, i32
  }
  func.func @transform_3(%arg0: i32, %arg1: i32) -> (i32, i32, i32) {
    %c0_i32 = arith.constant 0 : i32
    %c0_i32_0 = arith.constant 0 : i32
    return %arg0, %arg1, %c0_i32 : i32, i32, i32
  }
}

module attributes {stable_mosaic.version = 14 : i64} {
  func.func @_attn_kernel(%arg0: i32, %arg1: i32, %arg2: memref<1x256x384xf32, #tpu.memory_space<vmem>>, %arg3: memref<1x2048x384xf32, #tpu.memory_space<vmem>>, %arg4: memref<1x256x128xf32, #tpu.memory_space<vmem>>, %arg5: memref<128x128xf32, #tpu.memory_space<vmem>>, %arg6: memref<1x128xf32, #tpu.memory_space<vmem>>, %arg7: memref<256x256xf32, #tpu.memory_space<vmem>>, %arg8: memref<1x256x256xf32, #tpu.memory_space<vmem>>, %arg9: memref<1x2x256xf32, #tpu.memory_space<vmem>>) attributes {dimension_semantics = [#tpu.dimension_semantics<arbitrary>, #tpu.dimension_semantics<arbitrary>], iteration_bounds = array<i64: 4, 8>, scalar_prefetch = 0 : i64, scratch_operands = 0 : i64, tpu.core_type = #tpu.core_type<tc>, window_params = [{transform_indices = @transform_0, window_bounds = array<i64: 1, 256, 384>}, {transform_indices = @transform_1, window_bounds = array<i64: 1, 2048, 384>}, {transform_indices = @transform_2, window_bounds = array<i64: 1, 256, 128>}, {pipeline_mode = #tpu.pipeline_mode<synchronous>, transform_indices = @transform_3, window_bounds = array<i64: 128, 128>}, {pipeline_mode = #tpu.pipeline_mode<synchronous>, transform_indices = @transform_4, window_bounds = array<i64: 1, 128>}, {pipeline_mode = #tpu.pipeline_mode<synchronous>, transform_indices = @transform_5, window_bounds = array<i64: 256, 256>}, {transform_indices = @transform_6, window_bounds = array<i64: 1, 256, 256>}, {transform_indices = @transform_7, window_bounds = array<i64: 1, 2, 256>}]} {
    %get3A = arith.constant 0 : index
    %get3A_0 = arith.constant 0 : index
    %get3A_1 = arith.constant 0 : index
    %get3A_2 = vector.load %arg2[%get3A, %get3A_0, %get3A_1] : memref<1x256x384xf32, #tpu.memory_space<vmem>>, vector<1x256x384xf32>
    %get3A_3 = vector.shape_cast %get3A_2 : vector<1x256x384xf32> to vector<256x384xf32>
    %get3A_4 = arith.constant 0 : index
    %get3A_5 = arith.constant 0 : index
    %get3A_6 = arith.constant 0 : index
    %get3A_7 = vector.load %arg3[%get3A_4, %get3A_5, %get3A_6] : memref<1x2048x384xf32, #tpu.memory_space<vmem>>, vector<1x2048x384xf32>
    %get3A_8 = vector.shape_cast %get3A_7 : vector<1x2048x384xf32> to vector<2048x384xf32>
    %slice3A = vector.extract_strided_slice %get3A_3 {offsets = [0, 0], sizes = [256, 32], strides = [1, 1]} : vector<256x384xf32> to vector<256x32xf32>
    %slice3A_9 = vector.extract_strided_slice %get3A_8 {offsets = [0, 128], sizes = [2048, 32], strides = [1, 1]} : vector<2048x384xf32> to vector<2048x32xf32>
    %slice3A_10 = vector.extract_strided_slice %get3A_8 {offsets = [0, 256], sizes = [2048, 32], strides = [1, 1]} : vector<2048x384xf32> to vector<2048x32xf32>
    %dot_general3A = arith.constant dense<0.000000e+00> : vector<256x2048xf32>
    %dot_general3A_11 = tpu.matmul %slice3A, %slice3A_9, %dot_general3A {dimension_numbers = #tpu.dot_dimension_numbers<[1], [1], [0], [0], [0, 0, 1, 0], [], []>, transpose_lhs_hint = false} : vector<256x32xf32>, vector<2048x32xf32>, vector<256x2048xf32> -> vector<256x2048xf32>
    %mul3A = arith.constant 0.176776692 : f32
    %mul3A_12 = vector.broadcast %mul3A : f32 to vector<256x2048xf32>
    %mul3A_13 = arith.mulf %dot_general3A_11, %mul3A_12 : vector<256x2048xf32>
    %reduce_max3A = arith.constant dense<0xFF800000> : vector<256xf32>
    %reduce_max3A_14 = vector.multi_reduction <maximumf>, %mul3A_13, %reduce_max3A [1] : vector<256x2048xf32> to vector<256xf32>
    %broadcast_in_dim3A = vector.shape_cast %reduce_max3A_14 : vector<256xf32> to vector<256x1xf32>
    %sub3A = vector.broadcast %broadcast_in_dim3A : vector<256x1xf32> to vector<256x2048xf32>
    %sub3A_15 = arith.subf %mul3A_13, %sub3A : vector<256x2048xf32>
    %exp3A = math.exp %sub3A_15 : vector<256x2048xf32>
    %reduce_sum3A = arith.constant dense<0.000000e+00> : vector<256xf32>
    %reduce_sum3A_16 = vector.multi_reduction <add>, %exp3A, %reduce_sum3A [1] : vector<256x2048xf32> to vector<256xf32>
    %broadcast_in_dim3A_17 = vector.shape_cast %reduce_sum3A_16 : vector<256xf32> to vector<256x1xf32>
    %div3A = vector.broadcast %broadcast_in_dim3A_17 : vector<256x1xf32> to vector<256x2048xf32>
    %div3A_18 = arith.divf %exp3A, %div3A : vector<256x2048xf32>
    %dot_general3A_19 = arith.constant dense<0.000000e+00> : vector<256x32xf32>
    %dot_general3A_20 = tpu.matmul %div3A_18, %slice3A_10, %dot_general3A_19 {dimension_numbers = #tpu.dot_dimension_numbers<[1], [0], [0], [1], [0, 0, 1, 1], [], []>, transpose_lhs_hint = false} : vector<256x2048xf32>, vector<2048x32xf32>, vector<256x32xf32> -> vector<256x32xf32>
    %slice3A_21 = vector.extract_strided_slice %get3A_3 {offsets = [0, 32], sizes = [256, 32], strides = [1, 1]} : vector<256x384xf32> to vector<256x32xf32>
    %slice3A_22 = vector.extract_strided_slice %get3A_8 {offsets = [0, 160], sizes = [2048, 32], strides = [1, 1]} : vector<2048x384xf32> to vector<2048x32xf32>
    %slice3A_23 = vector.extract_strided_slice %get3A_8 {offsets = [0, 288], sizes = [2048, 32], strides = [1, 1]} : vector<2048x384xf32> to vector<2048x32xf32>
    %dot_general3A_24 = arith.constant dense<0.000000e+00> : vector<256x2048xf32>
    %dot_general3A_25 = tpu.matmul %slice3A_21, %slice3A_22, %dot_general3A_24 {dimension_numbers = #tpu.dot_dimension_numbers<[1], [1], [0], [0], [0, 0, 1, 0], [], []>, transpose_lhs_hint = false} : vector<256x32xf32>, vector<2048x32xf32>, vector<256x2048xf32> -> vector<256x2048xf32>
    %mul3A_26 = arith.constant 0.176776692 : f32
    %mul3A_27 = vector.broadcast %mul3A_26 : f32 to vector<256x2048xf32>
    %mul3A_28 = arith.mulf %dot_general3A_25, %mul3A_27 : vector<256x2048xf32>
    %reduce_max3A_29 = arith.constant dense<0xFF800000> : vector<256xf32>
    %reduce_max3A_30 = vector.multi_reduction <maximumf>, %mul3A_28, %reduce_max3A_29 [1] : vector<256x2048xf32> to vector<256xf32>
    %broadcast_in_dim3A_31 = vector.shape_cast %reduce_max3A_30 : vector<256xf32> to vector<256x1xf32>
    %sub3A_32 = vector.broadcast %broadcast_in_dim3A_31 : vector<256x1xf32> to vector<256x2048xf32>
    %sub3A_33 = arith.subf %mul3A_28, %sub3A_32 : vector<256x2048xf32>
    %exp3A_34 = math.exp %sub3A_33 : vector<256x2048xf32>
    %reduce_sum3A_35 = arith.constant dense<0.000000e+00> : vector<256xf32>
    %reduce_sum3A_36 = vector.multi_reduction <add>, %exp3A_34, %reduce_sum3A_35 [1] : vector<256x2048xf32> to vector<256xf32>
    %broadcast_in_dim3A_37 = vector.shape_cast %reduce_sum3A_36 : vector<256xf32> to vector<256x1xf32>
    %div3A_38 = vector.broadcast %broadcast_in_dim3A_37 : vector<256x1xf32> to vector<256x2048xf32>
    %div3A_39 = arith.divf %exp3A_34, %div3A_38 : vector<256x2048xf32>
    %dot_general3A_40 = arith.constant dense<0.000000e+00> : vector<256x32xf32>
    %dot_general3A_41 = tpu.matmul %div3A_39, %slice3A_23, %dot_general3A_40 {dimension_numbers = #tpu.dot_dimension_numbers<[1], [0], [0], [1], [0, 0, 1, 1], [], []>, transpose_lhs_hint = false} : vector<256x2048xf32>, vector<2048x32xf32>, vector<256x32xf32> -> vector<256x32xf32>
    %slice3A_42 = vector.extract_strided_slice %get3A_3 {offsets = [0, 64], sizes = [256, 32], strides = [1, 1]} : vector<256x384xf32> to vector<256x32xf32>
    %slice3A_43 = vector.extract_strided_slice %get3A_8 {offsets = [0, 192], sizes = [2048, 32], strides = [1, 1]} : vector<2048x384xf32> to vector<2048x32xf32>
    %slice3A_44 = vector.extract_strided_slice %get3A_8 {offsets = [0, 320], sizes = [2048, 32], strides = [1, 1]} : vector<2048x384xf32> to vector<2048x32xf32>
    %dot_general3A_45 = arith.constant dense<0.000000e+00> : vector<256x2048xf32>
    %dot_general3A_46 = tpu.matmul %slice3A_42, %slice3A_43, %dot_general3A_45 {dimension_numbers = #tpu.dot_dimension_numbers<[1], [1], [0], [0], [0, 0, 1, 0], [], []>, transpose_lhs_hint = false} : vector<256x32xf32>, vector<2048x32xf32>, vector<256x2048xf32> -> vector<256x2048xf32>
    %mul3A_47 = arith.constant 0.176776692 : f32
    %mul3A_48 = vector.broadcast %mul3A_47 : f32 to vector<256x2048xf32>
    %mul3A_49 = arith.mulf %dot_general3A_46, %mul3A_48 : vector<256x2048xf32>
    %reduce_max3A_50 = arith.constant dense<0xFF800000> : vector<256xf32>
    %reduce_max3A_51 = vector.multi_reduction <maximumf>, %mul3A_49, %reduce_max3A_50 [1] : vector<256x2048xf32> to vector<256xf32>
    %broadcast_in_dim3A_52 = vector.shape_cast %reduce_max3A_51 : vector<256xf32> to vector<256x1xf32>
    %sub3A_53 = vector.broadcast %broadcast_in_dim3A_52 : vector<256x1xf32> to vector<256x2048xf32>
    %sub3A_54 = arith.subf %mul3A_49, %sub3A_53 : vector<256x2048xf32>
    %exp3A_55 = math.exp %sub3A_54 : vector<256x2048xf32>
    %reduce_sum3A_56 = arith.constant dense<0.000000e+00> : vector<256xf32>
    %reduce_sum3A_57 = vector.multi_reduction <add>, %exp3A_55, %reduce_sum3A_56 [1] : vector<256x2048xf32> to vector<256xf32>
    %broadcast_in_dim3A_58 = vector.shape_cast %reduce_sum3A_57 : vector<256xf32> to vector<256x1xf32>
    %div3A_59 = vector.broadcast %broadcast_in_dim3A_58 : vector<256x1xf32> to vector<256x2048xf32>
    %div3A_60 = arith.divf %exp3A_55, %div3A_59 : vector<256x2048xf32>
    %dot_general3A_61 = arith.constant dense<0.000000e+00> : vector<256x32xf32>
    %dot_general3A_62 = tpu.matmul %div3A_60, %slice3A_44, %dot_general3A_61 {dimension_numbers = #tpu.dot_dimension_numbers<[1], [0], [0], [1], [0, 0, 1, 1], [], []>, transpose_lhs_hint = false} : vector<256x2048xf32>, vector<2048x32xf32>, vector<256x32xf32> -> vector<256x32xf32>
    %slice3A_63 = vector.extract_strided_slice %get3A_3 {offsets = [0, 96], sizes = [256, 32], strides = [1, 1]} : vector<256x384xf32> to vector<256x32xf32>
    %slice3A_64 = vector.extract_strided_slice %get3A_8 {offsets = [0, 224], sizes = [2048, 32], strides = [1, 1]} : vector<2048x384xf32> to vector<2048x32xf32>
    %slice3A_65 = vector.extract_strided_slice %get3A_8 {offsets = [0, 352], sizes = [2048, 32], strides = [1, 1]} : vector<2048x384xf32> to vector<2048x32xf32>
    %dot_general3A_66 = arith.constant dense<0.000000e+00> : vector<256x2048xf32>
    %dot_general3A_67 = tpu.matmul %slice3A_63, %slice3A_64, %dot_general3A_66 {dimension_numbers = #tpu.dot_dimension_numbers<[1], [1], [0], [0], [0, 0, 1, 0], [], []>, transpose_lhs_hint = false} : vector<256x32xf32>, vector<2048x32xf32>, vector<256x2048xf32> -> vector<256x2048xf32>
    %mul3A_68 = arith.constant 0.176776692 : f32
    %mul3A_69 = vector.broadcast %mul3A_68 : f32 to vector<256x2048xf32>
    %mul3A_70 = arith.mulf %dot_general3A_67, %mul3A_69 : vector<256x2048xf32>
    %reduce_max3A_71 = arith.constant dense<0xFF800000> : vector<256xf32>
    %reduce_max3A_72 = vector.multi_reduction <maximumf>, %mul3A_70, %reduce_max3A_71 [1] : vector<256x2048xf32> to vector<256xf32>
    %broadcast_in_dim3A_73 = vector.shape_cast %reduce_max3A_72 : vector<256xf32> to vector<256x1xf32>
    %sub3A_74 = vector.broadcast %broadcast_in_dim3A_73 : vector<256x1xf32> to vector<256x2048xf32>
    %sub3A_75 = arith.subf %mul3A_70, %sub3A_74 : vector<256x2048xf32>
    %exp3A_76 = math.exp %sub3A_75 : vector<256x2048xf32>
    %reduce_sum3A_77 = arith.constant dense<0.000000e+00> : vector<256xf32>
    %reduce_sum3A_78 = vector.multi_reduction <add>, %exp3A_76, %reduce_sum3A_77 [1] : vector<256x2048xf32> to vector<256xf32>
    %broadcast_in_dim3A_79 = vector.shape_cast %reduce_sum3A_78 : vector<256xf32> to vector<256x1xf32>
    %div3A_80 = vector.broadcast %broadcast_in_dim3A_79 : vector<256x1xf32> to vector<256x2048xf32>
    %div3A_81 = arith.divf %exp3A_76, %div3A_80 : vector<256x2048xf32>
    %dot_general3A_82 = arith.constant dense<0.000000e+00> : vector<256x32xf32>
    %dot_general3A_83 = tpu.matmul %div3A_81, %slice3A_65, %dot_general3A_82 {dimension_numbers = #tpu.dot_dimension_numbers<[1], [0], [0], [1], [0, 0, 1, 1], [], []>, transpose_lhs_hint = false} : vector<256x2048xf32>, vector<2048x32xf32>, vector<256x32xf32> -> vector<256x32xf32>
    %concatenate3A = tpu.concatenate %dot_general3A_20, %dot_general3A_41, %dot_general3A_62, %dot_general3A_83 in 1 : vector<256x32xf32>, vector<256x32xf32>, vector<256x32xf32>, vector<256x32xf32> -> vector<256x128xf32>
    %get3A_84 = arith.constant 0 : index
    %get3A_85 = arith.constant 0 : index
    %get3A_86 = vector.load %arg5[%get3A_84, %get3A_85] : memref<128x128xf32, #tpu.memory_space<vmem>>, vector<128x128xf32>
    %dot_general3A_87 = arith.constant dense<0.000000e+00> : vector<256x128xf32>
    %dot_general3A_88 = tpu.matmul %concatenate3A, %get3A_86, %dot_general3A_87 {dimension_numbers = #tpu.dot_dimension_numbers<[1], [0], [0], [1], [0, 0, 1, 1], [], []>, transpose_lhs_hint = false} : vector<256x128xf32>, vector<128x128xf32>, vector<256x128xf32> -> vector<256x128xf32>
    %get3A_89 = arith.constant 0 : index
    %get3A_90 = arith.constant 0 : index
    %get3A_91 = vector.load %arg6[%get3A_89, %get3A_90] : memref<1x128xf32, #tpu.memory_space<vmem>>, vector<1x128xf32>
    %add3A = vector.broadcast %get3A_91 : vector<1x128xf32> to vector<256x128xf32>
    %add3A_92 = arith.addf %dot_general3A_88, %add3A : vector<256x128xf32>
    %get3A_93 = arith.constant 0 : index
    %get3A_94 = arith.constant 0 : index
    %get3A_95 = arith.constant 0 : index
    %get3A_96 = vector.load %arg4[%get3A_93, %get3A_94, %get3A_95] : memref<1x256x128xf32, #tpu.memory_space<vmem>>, vector<1x256x128xf32>
    %get3A_97 = vector.shape_cast %get3A_96 : vector<1x256x128xf32> to vector<256x128xf32>
    %get3A_98 = arith.constant 0 : index
    %get3A_99 = arith.constant 0 : index
    %get3A_100 = vector.load %arg7[%get3A_98, %get3A_99] : memref<256x256xf32, #tpu.memory_space<vmem>>, vector<256x256xf32>
    %slice3A_101 = vector.extract_strided_slice %get3A_100 {offsets = [0, 0], sizes = [128, 256], strides = [1, 1]} : vector<256x256xf32> to vector<128x256xf32>
    %dot_general3A_102 = arith.constant dense<0.000000e+00> : vector<256x256xf32>
    %dot_general3A_103 = tpu.matmul %get3A_97, %slice3A_101, %dot_general3A_102 {dimension_numbers = #tpu.dot_dimension_numbers<[1], [0], [0], [1], [0, 0, 1, 1], [], []>, transpose_lhs_hint = false} : vector<256x128xf32>, vector<128x256xf32>, vector<256x256xf32> -> vector<256x256xf32>
    %slice3A_104 = vector.extract_strided_slice %get3A_100 {offsets = [128, 0], sizes = [128, 256], strides = [1, 1]} : vector<256x256xf32> to vector<128x256xf32>
    %dot_general3A_105 = arith.constant dense<0.000000e+00> : vector<256x256xf32>
    %dot_general3A_106 = tpu.matmul %add3A_92, %slice3A_104, %dot_general3A_105 {dimension_numbers = #tpu.dot_dimension_numbers<[1], [0], [0], [1], [0, 0, 1, 1], [], []>, transpose_lhs_hint = false} : vector<256x128xf32>, vector<128x256xf32>, vector<256x256xf32> -> vector<256x256xf32>
    %add3A_107 = arith.addf %dot_general3A_103, %dot_general3A_106 : vector<256x256xf32>
    %swap3A = arith.constant 0 : index
    %swap3A_108 = arith.constant 0 : index
    %swap3A_109 = arith.constant 0 : index
    %swap3A_110 = vector.load %arg8[%swap3A, %swap3A_108, %swap3A_109] : memref<1x256x256xf32, #tpu.memory_space<vmem>>, vector<1x256x256xf32>
    %swap3A_111 = vector.shape_cast %swap3A_110 : vector<1x256x256xf32> to vector<256x256xf32>
    %swap3A_112 = vector.shape_cast %add3A_107 : vector<256x256xf32> to vector<1x256x256xf32>
    tpu.vector_store %arg8[%swap3A, %swap3A_108, %swap3A_109], %swap3A_112 {strides = array<i32>} : memref<1x256x256xf32, #tpu.memory_space<vmem>>, vector<1x256x256xf32>,
    %eq3A = arith.constant 0 : i32
    %eq3A_113 = arith.cmpi eq, %arg1, %eq3A : i32
    %convert_element_type3A = arith.extui %eq3A_113 : i1 to i32
    %cond3A = arith.constant 0 : i32
    %cond3A_114 = arith.cmpi ne, %convert_element_type3A, %cond3A : i32
    scf.if %cond3A_114 {
      %broadcast_in_dim3A_146 = arith.constant 0.000000e+00 : f32
      %broadcast_in_dim3A_147 = vector.broadcast %broadcast_in_dim3A_146 : f32 to vector<2x256xf32>
      %swap3A_148 = arith.constant 0 : index
      %swap3A_149 = arith.constant 0 : index
      %swap3A_150 = arith.constant 0 : index
      %swap3A_151 = vector.load %arg9[%swap3A_148, %swap3A_149, %swap3A_150] : memref<1x2x256xf32, #tpu.memory_space<vmem>>, vector<1x2x256xf32>
      %swap3A_152 = vector.shape_cast %swap3A_151 : vector<1x2x256xf32> to vector<2x256xf32>
      %swap3A_153 = vector.shape_cast %broadcast_in_dim3A_147 : vector<2x256xf32> to vector<1x2x256xf32>
      tpu.vector_store %arg9[%swap3A_148, %swap3A_149, %swap3A_150], %swap3A_153 {strides = array<i32>} : memref<1x2x256xf32, #tpu.memory_space<vmem>>, vector<1x2x256xf32>,
    } else {
    }
    %get3A_115 = arith.constant 0 : index
    %get3A_116 = arith.constant 0 : index
    %get3A_117 = arith.constant 0 : index
    %get3A_118 = vector.load %arg9[%get3A_115, %get3A_116, %get3A_117] : memref<1x2x256xf32, #tpu.memory_space<vmem>>, vector<1x1x256xf32>
    %get3A_119 = vector.shape_cast %get3A_118 : vector<1x1x256xf32> to vector<1x256xf32>
    %reduce_sum3A_120 = arith.constant dense<0.000000e+00> : vector<256xf32>
    %reduce_sum3A_121 = vector.multi_reduction <add>, %add3A_107, %reduce_sum3A_120 [0] : vector<256x256xf32> to vector<256xf32>
    %broadcast_in_dim3A_122 = vector.shape_cast %reduce_sum3A_121 : vector<256xf32> to vector<1x256xf32>
    %add3A_123 = arith.addf %get3A_119, %broadcast_in_dim3A_122 : vector<1x256xf32>
    %swap3A_124 = arith.constant 0 : index
    %swap3A_125 = arith.constant 0 : index
    %swap3A_126 = arith.constant 0 : index
    %swap3A_127 = vector.load %arg9[%swap3A_124, %swap3A_125, %swap3A_126] : memref<1x2x256xf32, #tpu.memory_space<vmem>>, vector<1x1x256xf32>
    %swap3A_128 = vector.shape_cast %swap3A_127 : vector<1x1x256xf32> to vector<1x256xf32>
    %swap3A_129 = vector.shape_cast %add3A_123 : vector<1x256xf32> to vector<1x1x256xf32>
    tpu.vector_store %arg9[%swap3A_124, %swap3A_125, %swap3A_126], %swap3A_129 {strides = array<i32>} : memref<1x2x256xf32, #tpu.memory_space<vmem>>, vector<1x1x256xf32>,
    %get3A_130 = arith.constant 0 : index
    %get3A_131 = arith.constant 1 : index
    %get3A_132 = arith.constant 0 : index
    %get3A_133 = vector.load %arg9[%get3A_130, %get3A_131, %get3A_132] : memref<1x2x256xf32, #tpu.memory_space<vmem>>, vector<1x1x256xf32>
    %get3A_134 = vector.shape_cast %get3A_133 : vector<1x1x256xf32> to vector<1x256xf32>
    %mul3A_135 = arith.mulf %add3A_107, %add3A_107 : vector<256x256xf32>
    %reduce_sum3A_136 = arith.constant dense<0.000000e+00> : vector<256xf32>
    %reduce_sum3A_137 = vector.multi_reduction <add>, %mul3A_135, %reduce_sum3A_136 [0] : vector<256x256xf32> to vector<256xf32>
    %broadcast_in_dim3A_138 = vector.shape_cast %reduce_sum3A_137 : vector<256xf32> to vector<1x256xf32>
    %add3A_139 = arith.addf %get3A_134, %broadcast_in_dim3A_138 : vector<1x256xf32>
    %swap3A_140 = arith.constant 0 : index
    %swap3A_141 = arith.constant 1 : index
    %swap3A_142 = arith.constant 0 : index
    %swap3A_143 = vector.load %arg9[%swap3A_140, %swap3A_141, %swap3A_142] : memref<1x2x256xf32, #tpu.memory_space<vmem>>, vector<1x1x256xf32>
    %swap3A_144 = vector.shape_cast %swap3A_143 : vector<1x1x256xf32> to vector<1x256xf32>
    %swap3A_145 = vector.shape_cast %add3A_139 : vector<1x256xf32> to vector<1x1x256xf32>
    tpu.vector_store %arg9[%swap3A_140, %swap3A_141, %swap3A_142], %swap3A_145 {strides = array<i32>} : memref<1x2x256xf32, #tpu.memory_space<vmem>>, vector<1x1x256xf32>,
    return
  }
  func.func @transform_0(%arg0: i32, %arg1: i32) -> (i32, i32, i32) {
    %c0_i32 = arith.constant 0 : i32
    %c0_i32_0 = arith.constant 0 : i32
    return %arg0, %arg1, %c0_i32 : i32, i32, i32
  }
  func.func @transform_1(%arg0: i32, %arg1: i32) -> (i32, i32, i32) {
    %add3A = arith.constant 2 : i32
    %add3A_0 = arith.addi %arg0, %add3A : i32
    %jit3A = arith.constant 4 : i32
    %eq3A = arith.constant 0 : i32
    %eq3A_1 = arith.cmpi eq, %jit3A, %eq3A : i32
    %jit3A_2 = arith.constant 1 : i32
    %select_n3A = arith.select %eq3A_1, %jit3A_2, %jit3A : i32
    %rem3A = arith.remsi %add3A_0, %select_n3A : i32
    %ne3A = arith.constant 0 : i32
    %ne3A_3 = arith.cmpi ne, %rem3A, %ne3A : i32
    %lt3A = arith.constant 0 : i32
    %lt3A_4 = arith.cmpi slt, %rem3A, %lt3A : i32
    %lt3A_5 = arith.constant 0 : i32
    %lt3A_6 = arith.cmpi slt, %select_n3A, %lt3A_5 : i32
    %ne3A_7 = arith.xori %lt3A_4, %lt3A_6 : i1
    %and3A = arith.andi %ne3A_7, %ne3A_3 : i1
    %add3A_8 = arith.addi %rem3A, %select_n3A : i32
    %select_n3A_9 = arith.select %and3A, %add3A_8, %rem3A : i32
    %c0_i32 = arith.constant 0 : i32
    %c0_i32_10 = arith.constant 0 : i32
    %c0_i32_11 = arith.constant 0 : i32
    return %select_n3A_9, %c0_i32, %c0_i32_10 : i32, i32, i32
  }
  func.func @transform_2(%arg0: i32, %arg1: i32) -> (i32, i32, i32) {
    %c0_i32 = arith.constant 0 : i32
    %c0_i32_0 = arith.constant 0 : i32
    return %arg0, %arg1, %c0_i32 : i32, i32, i32
  }
  func.func @transform_3(%arg0: i32, %arg1: i32) -> (i32, i32) {
    %c0_i32 = arith.constant 0 : i32
    %c0_i32_0 = arith.constant 0 : i32
    %c0_i32_1 = arith.constant 0 : i32
    return %c0_i32, %c0_i32_0 : i32, i32
  }
  func.func @transform_4(%arg0: i32, %arg1: i32) -> (i32, i32) {
    %c0_i32 = arith.constant 0 : i32
    %c0_i32_0 = arith.constant 0 : i32
    %c0_i32_1 = arith.constant 0 : i32
    return %c0_i32, %c0_i32_0 : i32, i32
  }
  func.func @transform_5(%arg0: i32, %arg1: i32) -> (i32, i32) {
    %c0_i32 = arith.constant 0 : i32
    %c0_i32_0 = arith.constant 0 : i32
    %c0_i32_1 = arith.constant 0 : i32
    return %c0_i32, %c0_i32_0 : i32, i32
  }
  func.func @transform_6(%arg0: i32, %arg1: i32) -> (i32, i32, i32) {
    %c0_i32 = arith.constant 0 : i32
    %c0_i32_0 = arith.constant 0 : i32
    return %arg0, %arg1, %c0_i32 : i32, i32, i32
  }
  func.func @transform_7(%arg0: i32, %arg1: i32) -> (i32, i32, i32) {
    %c0_i32 = arith.constant 0 : i32
    %c0_i32_0 = arith.constant 0 : i32
    %c0_i32_1 = arith.constant 0 : i32
    return %arg0, %c0_i32, %c0_i32_0 : i32, i32, i32
  }
}

module attributes {stable_mosaic.version = 14 : i64} {
  func.func @_final_kernel(%arg0: i32, %arg1: i32, %arg2: memref<1x256x256xf32, #tpu.memory_space<vmem>>, %arg3: memref<1x2x256xf32, #tpu.memory_space<vmem>>, %arg4: memref<1x256x128xf32, #tpu.memory_space<vmem>>, %arg5: memref<256x128xf32, #tpu.memory_space<vmem>>, %arg6: memref<1x128xf32, #tpu.memory_space<vmem>>, %arg7: memref<1x256x128xf32, #tpu.memory_space<vmem>>) attributes {dimension_semantics = [#tpu.dimension_semantics<arbitrary>, #tpu.dimension_semantics<arbitrary>], iteration_bounds = array<i64: 4, 8>, scalar_prefetch = 0 : i64, scratch_operands = 0 : i64, tpu.core_type = #tpu.core_type<tc>, window_params = [{transform_indices = @transform_0, window_bounds = array<i64: 1, 256, 256>}, {transform_indices = @transform_1, window_bounds = array<i64: 1, 2, 256>}, {transform_indices = @transform_2, window_bounds = array<i64: 1, 256, 128>}, {pipeline_mode = #tpu.pipeline_mode<synchronous>, transform_indices = @transform_3, window_bounds = array<i64: 256, 128>}, {pipeline_mode = #tpu.pipeline_mode<synchronous>, transform_indices = @transform_4, window_bounds = array<i64: 1, 128>}, {transform_indices = @transform_5, window_bounds = array<i64: 1, 256, 128>}]} {
    %get3A = arith.constant 0 : index
    %get3A_0 = arith.constant 0 : index
    %get3A_1 = arith.constant 0 : index
    %get3A_2 = vector.load %arg3[%get3A, %get3A_0, %get3A_1] : memref<1x2x256xf32, #tpu.memory_space<vmem>>, vector<1x1x256xf32>
    %get3A_3 = vector.shape_cast %get3A_2 : vector<1x1x256xf32> to vector<1x256xf32>
    %get3A_4 = arith.constant 0 : index
    %get3A_5 = arith.constant 1 : index
    %get3A_6 = arith.constant 0 : index
    %get3A_7 = vector.load %arg3[%get3A_4, %get3A_5, %get3A_6] : memref<1x2x256xf32, #tpu.memory_space<vmem>>, vector<1x1x256xf32>
    %get3A_8 = vector.shape_cast %get3A_7 : vector<1x1x256xf32> to vector<1x256xf32>
    %get3A_9 = arith.constant 0 : index
    %get3A_10 = arith.constant 0 : index
    %get3A_11 = arith.constant 0 : index
    %get3A_12 = vector.load %arg2[%get3A_9, %get3A_10, %get3A_11] : memref<1x256x256xf32, #tpu.memory_space<vmem>>, vector<1x256x256xf32>
    %get3A_13 = vector.shape_cast %get3A_12 : vector<1x256x256xf32> to vector<256x256xf32>
    %sub3A = vector.broadcast %get3A_3 : vector<1x256xf32> to vector<256x256xf32>
    %sub3A_14 = arith.subf %get3A_13, %sub3A : vector<256x256xf32>
    %mul3A = vector.broadcast %get3A_8 : vector<1x256xf32> to vector<256x256xf32>
    %mul3A_15 = arith.mulf %sub3A_14, %mul3A : vector<256x256xf32>
    %max3A = arith.constant 0.000000e+00 : f32
    %max3A_16 = vector.broadcast %max3A : f32 to vector<256x256xf32>
    %max3A_17 = arith.maximumf %mul3A_15, %max3A_16 : vector<256x256xf32>
    %get3A_18 = arith.constant 0 : index
    %get3A_19 = arith.constant 0 : index
    %get3A_20 = arith.constant 0 : index
    %get3A_21 = vector.load %arg4[%get3A_18, %get3A_19, %get3A_20] : memref<1x256x128xf32, #tpu.memory_space<vmem>>, vector<1x256x128xf32>
    %get3A_22 = vector.shape_cast %get3A_21 : vector<1x256x128xf32> to vector<256x128xf32>
    %get3A_23 = arith.constant 0 : index
    %get3A_24 = arith.constant 0 : index
    %get3A_25 = vector.load %arg5[%get3A_23, %get3A_24] : memref<256x128xf32, #tpu.memory_space<vmem>>, vector<256x128xf32>
    %dot_general3A = arith.constant dense<0.000000e+00> : vector<256x128xf32>
    %dot_general3A_26 = tpu.matmul %max3A_17, %get3A_25, %dot_general3A {dimension_numbers = #tpu.dot_dimension_numbers<[1], [0], [0], [1], [0, 0, 1, 1], [], []>, transpose_lhs_hint = false} : vector<256x256xf32>, vector<256x128xf32>, vector<256x128xf32> -> vector<256x128xf32>
    %add3A = arith.addf %get3A_22, %dot_general3A_26 : vector<256x128xf32>
    %get3A_27 = arith.constant 0 : index
    %get3A_28 = arith.constant 0 : index
    %get3A_29 = vector.load %arg6[%get3A_27, %get3A_28] : memref<1x128xf32, #tpu.memory_space<vmem>>, vector<1x128xf32>
    %add3A_30 = vector.broadcast %get3A_29 : vector<1x128xf32> to vector<256x128xf32>
    %add3A_31 = arith.addf %add3A, %add3A_30 : vector<256x128xf32>
    %swap3A = arith.constant 0 : index
    %swap3A_32 = arith.constant 0 : index
    %swap3A_33 = arith.constant 0 : index
    %swap3A_34 = vector.load %arg7[%swap3A, %swap3A_32, %swap3A_33] : memref<1x256x128xf32, #tpu.memory_space<vmem>>, vector<1x256x128xf32>
    %swap3A_35 = vector.shape_cast %swap3A_34 : vector<1x256x128xf32> to vector<256x128xf32>
    %swap3A_36 = vector.shape_cast %add3A_31 : vector<256x128xf32> to vector<1x256x128xf32>
    tpu.vector_store %arg7[%swap3A, %swap3A_32, %swap3A_33], %swap3A_36 {strides = array<i32>} : memref<1x256x128xf32, #tpu.memory_space<vmem>>, vector<1x256x128xf32>,
    return
  }
  func.func @transform_0(%arg0: i32, %arg1: i32) -> (i32, i32, i32) {
    %c0_i32 = arith.constant 0 : i32
    %c0_i32_0 = arith.constant 0 : i32
    return %arg0, %arg1, %c0_i32 : i32, i32, i32
  }
  func.func @transform_1(%arg0: i32, %arg1: i32) -> (i32, i32, i32) {
    %c0_i32 = arith.constant 0 : i32
    %c0_i32_0 = arith.constant 0 : i32
    %c0_i32_1 = arith.constant 0 : i32
    return %arg0, %c0_i32, %c0_i32_0 : i32, i32, i32
  }
  func.func @transform_2(%arg0: i32, %arg1: i32) -> (i32, i32, i32) {
    %c0_i32 = arith.constant 0 : i32
    %c0_i32_0 = arith.constant 0 : i32
    return %arg0, %arg1, %c0_i32 : i32, i32, i32
  }
  func.func @transform_3(%arg0: i32, %arg1: i32) -> (i32, i32) {
    %c0_i32 = arith.constant 0 : i32
    %c0_i32_0 = arith.constant 0 : i32
    %c0_i32_1 = arith.constant 0 : i32
    return %c0_i32, %c0_i32_0 : i32, i32
  }
  func.func @transform_4(%arg0: i32, %arg1: i32) -> (i32, i32) {
    %c0_i32 = arith.constant 0 : i32
    %c0_i32_0 = arith.constant 0 : i32
    %c0_i32_1 = arith.constant 0 : i32
    return %c0_i32, %c0_i32_0 : i32, i32
  }
  func.func @transform_5(%arg0: i32, %arg1: i32) -> (i32, i32, i32) {
    %c0_i32 = arith.constant 0 : i32
    %c0_i32_0 = arith.constant 0 : i32
    return %arg0, %arg1, %c0_i32 : i32, i32, i32
  }
}

</mosaic_0001>

<sc_bundles>
// kernel: sparse-core-data-format-call.1.cloned.1.call-start
scs
called_computation.1_lowered:
.L_overlay_start_0:
0x0: {  	s2 =	sld [smem:$0x3FD9]  }
0x1: {  	s3 =	sld [smem:$0x3FFE];
	_ =	sdelay $0x1  }
0x2: {  	s1 =	srdreg.scid  }
0x3: {  	s0 =	sand.u32 $0x1, s1  }
0x4: {  	s18 =	sshll.u32 s0, $0xA;
	s2 =	sadd.s32 s3, s2  }
0x5: {  	s2 =	sadd.s32 s2, s18  }
0x6: {  	[smem:$0x3FAF] =	sst s2  }
0x7: {  	_ = 	snop  }
0x8: {  	(tm) =	ssettm $0x1  }
0x9: {  	s19 =	sld [smem:$0x3FFB];
	_ =	sdelay $0x3  }
0xa: {  	_ =	strace s19  }
0xb: {  	s2 =	sld [smem:$0x3FFC];
	_ =	sdelay $0x3  }
0xc: {  	_ =	strace s2  }
0xd: {  	s2 =	sld [smem:$0x3FFD];
	_ =	sdelay $0x3  }
0xe: {  	_ =	strace s2  }
0xf: {  	_ =	strace $0x8FFFFFFF  }
0x10: {  	s20 =	sld [smem:$0x3FDB];
	_ =	sdelay $0x1  }
0x11: {  	s21 =	simm.s32 $_scs_section_size  }
0x12: {  	s4 =	simm.s32 $_size__tile_overlayer_lowered;
	s5 =	simm.s32 $_tile_overlayer_lowered  }
0x13: {  	s6 =	simm.s32 $0x1BFF;
	s22 =	sshll.u32 s5, $0x1;
	s3 =	sadd.s32 s21, s20  }
0x14: {  	s23 =	simm.s32 $0x0;
	s4 =	sshll.u32 s4, $0x1;
	s5 =	sadd.s32 s22, s3  }
0x15: {  	[timem:s23], [sflag:s6] =	dma.local [hbm:s5], s4  }
0x16: {  	_ =	swait.ge [sflag:s6], s4  }
0x17: {  	s4 =	ssub.s32 $0x0, s4;
	[sflag:s6] =	ssyncset.done $0x0  }
0x18: {  	[sflag:s6] =	ssyncadd.s32 s4;
	_ =	sdelay $0x1  }
0x19: {  	s24 =	simm.s32 $0x1B8B  }
0x1a: {  	_ =	swait.ge [sflag:s24], $0x1  }
0x1b: {  	[sflag:s24] =	ssyncset.done $0x0  }
0x1c: {  	[sflag:s24] =	ssyncadd.s32 $0xFFFFFFFF  }
0x1d: {  	s4 =	sld [smem:$0x0]  }
0x1e: {  	s5 =	sand.u32 $0xFFFFFFFE, s1  }
0x1f: {  	p0 =	sne.s32 s1, s5  }
0x20: {  	s5 =	sshll.u32 @p0 s5, $0xE  }
0x21: {  	s5 =	sadd.s32 @p0 $0x11B8D, s5;
	s6 =	sshll.u32 @p0 s4, $0x11  }
0x22: {  	s5 =	sor.u32 @p0 s6, s5  }
0x23: {  	[sflag:s5] =	ssyncadd.remote.s32 @p0 $0x1;
	_ =	sdelay $0x1  }
0x24: {  	s5 =	simm.s32 @p0 $0x1B8D  }
0x25: {  	_ =	swait.eq @p0 [sflag:s5], $0x1  }
0x26: {  	[sflag:s5] =	ssyncadd.s32 @p0 $0xFFFFFFFF  }
0x27: {  	s6 =	sshll.u32 @!p0 s1, $0xE  }
0x28: {  	s6 =	sor.u32 @!p0 $0x4000, s6;
	s5 =	simm.s32 @!p0 $0x1B8D  }
0x29: {  	s4 =	sshll.u32 @!p0 s4, $0x11;
	s6 =	sadd.s32 @!p0 $0x11B8D, s6;
	_ =	swait.eq @!p0 [sflag:s5], $0x1  }
0x2a: {  	s4 =	sor.u32 @!p0 s4, s6;
	[sflag:s5] =	ssyncadd.s32 @!p0 $0xFFFFFFFF  }
0x2b: {  	s26 =	simm.s32 $0x1B8E;
	s25 =	sld [smem:$0x3FFE];
	[sflag:s4] =	ssyncadd.remote.s32 @!p0 $0x1  }
0x2c: {  	s27 =	simm.s32 $execute0_lowered;
	[smem:$0x3FD2] =	sst s26  }
0x2d: {  	s5 =	sshll.u32 s27, $0x1;
	_ =	strace $0x80000049;
	[dreg:$0x1] =	wrdreg $0xFFFFFFFF  }
0x2e: {  	s28 =	simm.s32 $_size_execute0_lowered;
	s3 =	sadd.s32 s3, s5;
	[dreg:$0x0] =	wrdreg $0x0  }
0x2f: {  	s5 =	sshll.u32 s28, $0x1;
	[dreg:$0x2] =	wrdreg s3  }
0x30: {  	[dreg:$0x3] =	wrdreg s5  }
0x31: {  	[dreg:$0x4] =	wrdreg $0xC0  }
0x32: {  	_ =	task [dreg:s23], $0x5FFFF  }
0x33: {  	[dreg:$0x1] =	wrdreg $0xFFFFFFFF  }
0x34: {  	[dreg:$0x0] =	wrdreg $0x60  }
0x35: {  	[dreg:$0x2] =	wrdreg s25  }
0x36: {  	[dreg:$0x3] =	wrdreg $0xA  }
0x37: {  	_ =	task.clear_ibuf [dreg:s23], $0x4FFFF;
	_ =	strace $0x90000049  }
0x38: {  	s29 =	simm.s32 $0xA;
	_ =	strace $0x8000004B  }
0x39: {  	_ =	swait.ge [sflag:s29], $0x1  }
0x3a: {  	[sflag:s29] =	ssyncadd.s32 $0xFFFFFFFF  }
0x3b: {  	_ =	strace $0x9000004B  }
0x3c: {  	_ =	sfence  }
0x3d: {  	s30 =	sld [smem:$0x0];
	_ =	sdelay $0x2  }
0x3e: {  	s31 =	sshll.u32 s1, $0xD;
	s1 =	sshrl.u32 s1, $0x2  }
0x3f: {  	s4 =	sand.u32 $0x4000, s31;
	s1 =	sadd.s32 s1, s30  }
0x40: {  	s0 =	sor.u32 s4, s0;
	s1 =	sshll.u32 s1, $0x11  }
0x41: {  	s0 =	sor.u32 s1, s0  }
0x42: {  	s0 =	sadd.s32 $0x8F2B, s0  }
0x43: {  	[sflag:s0] =	ssyncadd.remote.s32 $0x1  }
0x44: {  	_ =	sfence.sel $0xFFFF  }
0x45: {  	[dreg:$0x0] =	wrdreg $0xFFFFFFFF;
	(pc) =	sbr.abs _section_cstart, $3  }
0x46: {  	[dreg:$0x1] =	wrdreg $0xFFFFFFFF  }
0x47: {  	_ =	task.clear_ibuf [dreg:s23], $0x2FFFF;
	_ =	strace $0x9FFFFFFF  }
0x48: {  	(tm) =	ssettm $0x7FFFFFFF  }
0x49: {  	_ =	shalt  }
tec
execute0_lowered:
.L_overlay_start_1:
0x0: {  	(tag) =	ssettag $0x1  }
0x1: {  	s0 =	stileid.u32  }
0x2: {  	s1 =	srdreg.scid;
	s5 =	rddreg [dreg:$0x0];
	s31 =	simm.s32 $0x2  }
0x3: {  	s16 =	simm.s32 $0x0;
	s2 =	sshll.u32 s0, $0x6;
	s1 =	sshll.u32 s1, $0xA  }
0x4: {  	s9 =	simm.s32 $0x4000;
	s14 =	simm.s32 $0x0;
	s1 =	sor.u32 s2, s1  }
0x5: {  	s15 =	simm.s32 $0x0;
	s10 =	simm.s32 $0x0;
	s1 =	sand.u32 $0x780, s1  }
0x6: {  	s13 =	simm.s32 $0x0;
	s2 =	sand.u32 $0x1, s0;
	s3 =	ssub.s32 $0x800, s1  }
0x7: {  	s4 =	ssub.s32 $0x2, s2;
	s12 =	smov.u32 s2;
	s6 =	sand.u32 $0x780, s3  }
0x8: {  	s7 =	sshrl.u32 s4, $0x1;
	p0 =	sne.s32 s6, $0x0;
	s6 =	simm.s32 $0x1  }
0x9: {  	s4 =	sand.u32 $0x1, s4;
	s8 =	sshrl.u32 s3, $0xB;
	s6 =	simm.s32 @!p0 $0x0  }
.Ltmp0:
0xa: {  	s4 =	sadd.s32 s4, s7;
	s6 =	sadd.s32 s6, s8;
	(pc) =	sbr.rel .LBB1_1-.Ltmp0, $4  }
0xb: {  	s11 =	smov.u32 s1;
	s3 =	rddreg [dreg:$0x1];
	s7 =	smul.u32 s6, s4  }
0xc: {  	_ =	strace $0x8000004A;
	p0 =	por $0x0, $0x0;
	s6 =	simm.s32 $0x1  }
0xd: {  	s4 =	sadd.s32 $0x200000, s5;
	[sflag:s6] =	ssyncpa.u1 $0x0;
	s7 =	sshll.u32 s7, $0x4  }
0xe: {  	s5 =	sadd.s32 $0x300000, s5;
	[sflag:s31] =	ssyncpa.u1 $0x0;
	s8 =	sor.u32 $0x1, s7  }
.LBB1_4:
0xf: {  	v5 =	vld [tilespmem:s19+$0xFFFFFFD0]  }
0x10: {  	[tilespmem:s20+$0x2040 ss:$0x81] =	vst.msk $0xffff, v1;
	v58 =	vld [tilespmem:s19+$0xFFFFFFE0]  }
0x11: {  	[tilespmem:s20+$0x2850 ss:$0x81] =	vst.msk $0xffff, v2;
	v59 =	vld [tilespmem:s19+$0xFFFFFFF0]  }
0x12: {  	s21 =	sshra.s32 s21, $0x2;
	[tilespmem:s20+$0x3060 ss:$0x81] =	vst.msk $0xffff, v3;
	v60 =	vld [tilespmem:s19+$0x0]  }
0x13: {  	[tilespmem:s20+$0x0 ss:$0x81] =	vst.msk $0xffff, v0;
	v61 =	vld [tilespmem:s19+$0x10];
	s18 =	sadd.s32 s21, s18  }
0x14: {  	s26 =	sshll.u32 s16, $0xB;
	v62 =	vld [tilespmem:s19+$0x20];
	[tilespmem:s18+$0x3870 ss:$0x81] =	vst.msk $0xffff, v4  }
0x15: {  	s27 =	sand.u32 $0x78, s14;
	s22 =	sshll.u32 s14, $0x3;
	v63 =	vld [tilespmem:s19+$0xFFFFFFC0];
	s29 =	sshll.u32 s16, $0x7;
	[tilespmem:s18+$0x810 ss:$0x81] =	vst.msk $0xffff, v5  }
0x16: {  	s15 =	sshll.u32 s15, $0x13;
	s20 =	sand.u32 $0x3FC000, s26;
	s28 =	sand.u32 $0x3FFC00, s22;
	[tilespmem:s18+$0x1020 ss:$0x81] =	vst.msk $0xffff, v58  }
0x17: {  	s31 =	sand.u32 $0x7, s14;
	s22 =	sand.u32 $0x400, s22;
	s19 =	sadd.s32 s28, s20;
	[tilespmem:s18+$0x1830 ss:$0x81] =	vst.msk $0xffff, v59  }
0x18: {  	s16 =	sand.u32 $0x380, s29;
	s30 =	sor.u32 s27, s22;
	s19 =	sshrl.u32 s19, $0x3;
	[tilespmem:s18+$0x2040 ss:$0x81] =	vst.msk $0xffff, v60  }
0x19: {  	s15 =	sadd.s32 s5, s15;
	s16 =	sor.u32 s16, s30;
	s19 =	sand.u32 $0x7FF00, s19;
	[tilespmem:s18+$0x2850 ss:$0x81] =	vst.msk $0xffff, v61  }
0x1a: {  	s14 =	sshll.u32 s31, $0x12;
	s16 =	sshrl.u32 s16, $0x3;
	[tilespmem:s18+$0x3060 ss:$0x81] =	vst.msk $0xffff, v62;
	s15 =	sadd.s32 s19, s15  }
0x1b: {  	s14 =	sor.u32 $0x400, s14;
	[tilespmem:s18+$0x0 ss:$0x81] =	vst.msk $0xffff, v63;
	s15 =	sadd.s32 s16, s15  }
0x1c: {  	[hbm4b:s15+s14] =	stream.strided.scatter [tilespmem:s17], [sflag:$0x2], $0x4000, s9, s14, $0x20;
	[tilespmem:$0x10100] =	vst v63  }
.LBB1_5:
0x1d: {  	s17 =	sadd.s32 $0x80, s10  }
0x1e: {  	s14 =	sadd.s32 $0x800, s11;
	s18 =	smov.u32 s11;
	p2 =	sgt.s32 s17, $0x7FF  }
0x1f: {  	s18 =	smov.u32 @p2 s14  }
0x20: {  	s20 =	smov.u32 s12;
	s14 =	sadd.s32 $0x2, s12;
	p3 =	sgt.s32 s18, $0x7FF  }
0x21: {  	s20 =	smov.u32 @p3 s14  }
0x22: {  	s17 =	simm.s32 @p2 $0x0;
	p2 =	sgt.s32 s20, $0x1  }
0x23: {  	p1 =	slt.u32 s13, $0x2;
	s20 =	smov.u32 @p2 s2;
	p2 =	sne.s32 s13, s8  }
.Ltmp1:
0x24: {  	s19 =	simm.s32 @!p1 $0x2;
	(pc) =	sbr.rel @!p2 .LBB1_6-.Ltmp1, $4  }
0x25: {  	s16 =	smov.u32 s10;
	s15 =	smov.u32 s12;
	_ =	swait.ge @!p1 [sflag:s19], $0x4000  }
0x26: {  	p0 =	por !p0, !p0;
	[sflag:s19] =	ssyncset.done @!p1 $0x0;
	s10 =	smov.u32 s17  }
0x27: {  	s18 =	smov.u32 @p3 s1;
	s14 =	smov.u32 s11;
	[sflag:s19] =	ssyncadd.s32 @!p1 $0xFFFFC000  }
0x28: {  	s11 =	smov.u32 s18;
	s13 =	sadd.s32 $0x1, s13;
	s12 =	smov.u32 s20  }
.LBB1_1:
0x29: {  	p1 =	sge.u32 s13, s7;
	s31 =	sadd.s32 $0xFFFFFFFF, s13  }
0x2a: {  	s17 =	sxor.u32 @!p1 $0xFFFFFFFF, s13;
	s18 =	sand.u32 @!p1 $0x78, s10;
	s19 =	sshll.u32 @!p1 s11, $0xB  }
0x2b: {  	s20 =	sshll.u32 @!p1 s11, $0x7;
	s21 =	sshll.u32 @!p1 s10, $0x3;
	s17 =	sshll.u32 @!p1 s17, $0xE  }
0x2c: {  	s19 =	sand.u32 @!p1 $0x3FC000, s19;
	s20 =	sand.u32 @!p1 $0x380, s20;
	s17 =	sand.u32 @!p1 $0x4000, s17  }
0x2d: {  	s19 =	sadd.s32 @!p1 s19, s21;
	s21 =	sand.u32 @!p1 $0x400, s21;
	s18 =	sor.u32 @!p1 s20, s18  }
0x2e: {  	s20 =	sshll.u32 @!p1 s12, $0x13;
	s18 =	sor.u32 @!p1 s21, s18;
	s19 =	sshrl.u32 @!p1 s19, $0x3  }
0x2f: {  	s20 =	sadd.s32 @!p1 s4, s20;
	s21 =	sand.u32 @!p1 $0x7, s10;
	s19 =	sand.u32 @!p1 $0x7FF00, s19  }
0x30: {  	s18 =	sshrl.u32 @!p1 s18, $0x3;
	s19 =	sadd.s32 @!p1 s19, s20;
	s20 =	sshll.u32 @!p1 s21, $0x12  }
0x31: {  	s18 =	sadd.s32 @!p1 s18, s19;
	s19 =	sor.u32 @!p1 $0x400, s20;
	s20 =	simm.s32 @!p1 $0x4000  }
0x32: {  	[tilespmem:s17], [sflag:$0x1] =	stream.strided.gather @!p1 [hbm4b:s18+s19], $0x4000, s20, s19, $0x38;
	[tilespmem:$0x10100] =	vst v63  }
0x33: {  	p1 =	sge.u32 s31, s7  }
.Ltmp2:
0x34: {  	_ = 	snop;
	(pc) =	sbr.rel @p1 .LBB1_5-.Ltmp2, $1  }
0x35: {  	_ =	sdelay $0x3  }
0x36: {  	s17 =	simm.s32 $0x1  }
0x37: {  	_ =	swait.ge [sflag:s6], $0x4000;
	s17 =	simm.s32 @!p0 $0x0  }
0x38: {  	[sflag:s6] =	ssyncset.done $0x0;
	s18 =	sshll.u32 s17, $0xE  }
0x39: {  	[sflag:s6] =	ssyncadd.s32 $0xFFFFC000;
	s19 =	sor.u32 $0x40, s18  }
0x3a: {  	s17 =	smul.u32 $0x10200, s17;
	v0 =	vld [tilespmem:s19+$0x30]  }
0x3b: {  	v3 =	vld [tilespmem:s19+$0xFFFFFFD0]  }
0x3c: {  	s17 =	sshrl.u32 s17, $0x2;
	v4 =	vld [tilespmem:s19+$0xFFFFFFE0]  }
0x3d: {  	v5 =	vld [tilespmem:s19+$0xFFFFFFF0];
	s18 =	sor.u32 $0x8000, s17  }
0x3e: {  	s31 =	sand.u32 $0x1, s13;
	v1 =	vld [tilespmem:s19+$0x0];
	s20 =	sadd.s32 $0x0, s18  }
0x3f: {  	v2 =	vld [tilespmem:s19+$0x10];
	s17 =	smul.u32 $0x10200, s31;
	[tilespmem:s20+$0x3870 ss:$0x81] =	vst.msk $0xffff, v0  }
0x40: {  	[tilespmem:s20+$0x810 ss:$0x81] =	vst.msk $0xffff, v3;
	v3 =	vld [tilespmem:s19+$0x20]  }
0x41: {  	s17 =	sshrl.u32 s17, $0x2;
	v0 =	vld [tilespmem:s19+$0xFFFFFFC0];
	[tilespmem:s20+$0x1020 ss:$0x81] =	vst.msk $0xffff, v4;
	s19 =	sadd.s32 $0x80, s19  }
0x42: {  	s21 =	simm.s32 $0x4;
	s22 =	simm.s32 $0x8;
	s17 =	sor.u32 $0x8000, s17;
	[tilespmem:s20+$0x1830 ss:$0x81] =	vst.msk $0xffff, v5;
	v4 =	vld [tilespmem:s19+$0x30]  }
.LBB1_3:
0x43: {  	p1 =	sne.s32 s22, $0x1FC;
	v5 =	vld [tilespmem:s19+$0xFFFFFFD0];
	[tilespmem:s20+$0x2040 ss:$0x81] =	vst.msk $0xffff, v1  }
0x44: {  	v6 =	vld [tilespmem:s19+$0xFFFFFFE0];
	[tilespmem:s20+$0x2850 ss:$0x81] =	vst.msk $0xffff, v2  }
0x45: {  	s23 =	sshra.s32 s21, $0x2;
	s21 =	smov.u32 s22;
	v7 =	vld [tilespmem:s19+$0xFFFFFFF0];
	[tilespmem:s20+$0x3060 ss:$0x81] =	vst.msk $0xffff, v3  }
.Ltmp3:
0x46: {  	v1 =	vld [tilespmem:s19+$0x0];
	[tilespmem:s20+$0x0 ss:$0x81] =	vst.msk $0xffff, v0;
	s20 =	sadd.s32 s23, s18;
	(pc) =	sbr.rel @p1 .LBB1_3-.Ltmp3, $4  }
0x47: {  	v2 =	vld [tilespmem:s19+$0x10];
	[tilespmem:s20+$0x3870 ss:$0x81] =	vst.msk $0xffff, v4  }
0x48: {  	[tilespmem:s20+$0x810 ss:$0x81] =	vst.msk $0xffff, v5;
	v3 =	vld [tilespmem:s19+$0x20]  }
0x49: {  	v0 =	vld [tilespmem:s19+$0xFFFFFFC0];
	[tilespmem:s20+$0x1020 ss:$0x81] =	vst.msk $0xffff, v6;
	s19 =	sadd.s32 $0x80, s19  }
0x4a: {  	s22 =	sadd.s32 $0x4, s22;
	v4 =	vld [tilespmem:s19+$0x30];
	[tilespmem:s20+$0x1830 ss:$0x81] =	vst.msk $0xffff, v7  }
.Ltmp4:
0x4b: {  	_ = 	snop;
	(pc) =	sbr.rel .LBB1_4-.Ltmp4, $1  }
0x4c: {  	_ =	sdelay $0x3  }
.LBB1_6:
0x4d: {  	_ =	sfence.sel $0x180000  }
0x4e: {  	s1 =	simm.s32 $0x1;
	[bflag:$0x0] =	sbarrier.arrive $0xFFFF  }
0x4f: {  	s31 =	simm.s32 $0x2;
	[sflag:s1] =	ssyncpa.u1 $0x1  }
0x50: {  	[sflag:s31] =	ssyncpa.u1 $0x1  }
0x51: {  	p0 =	sne.s32 s0, $0x0;
	_ =	strace $0x9000004A  }
0x52: {  	s0 =	sadd.s32 @!p0 $0x100000, s3;
	[bflag:$0x2] =	sbarrier.arrive $0xFFFF  }
0x53: {  	[sflag:s0] =	ssyncadd.tile.s32 @!p0 $0x1;
	_ =	shalt  }
.Lfunc_end1:
_tile_overlayer_lowered:
.L_overlay_start_2:
0x54: {  	(tag) =	ssettag $0x2  }
0x55: {  	s0 =	rddreg [dreg:$0x0];
	s2 =	stileid.u32  }
0x56: {  	s1 =	rddreg [dreg:$0x1];
	p0 =	sne.s32 s2, $0x0  }
0x57: {  	s3 =	rddreg [dreg:$0x2];
	[bflag:$0x3] =	sbarrier.arrive $0xFFFF;
	s2 =	simm.s32 @!p0 $0x1C01  }
0x58: {  	[timem:s3], [sflag:s2] =	dma.local @!p0 [hbm:s0], s1  }
0x59: {  	s0 =	simm.s32 @!p0 $0x1  }
0x5a: {  	_ =	swait.ge @!p0 [sflag:s0], s1  }
0x5b: {  	s1 =	ssub.s32 @!p0 $0x0, s1;
	[sflag:s0] =	ssyncset.done @!p0 $0x0  }
0x5c: {  	[sflag:s0] =	ssyncadd.s32 @!p0 s1  }
0x5d: {  	[bflag:$0x3] =	sbarrier.arrive $0xFFFF  }
0x5e: {  	_ =	shalt  }

// kernel: sparse-core-data-format-call.cloned.1.call-start
scs
called_computation_lowered:
.L_overlay_start_0:
0x0: {  	s1 =	sld [smem:$0x3FD9]  }
0x1: {  	s2 =	sld [smem:$0x3FFE];
	_ =	sdelay $0x1  }
0x2: {  	s3 =	srdreg.scid  }
0x3: {  	s0 =	sand.u32 $0x1, s3  }
0x4: {  	s17 =	sshll.u32 s0, $0xA;
	s1 =	sadd.s32 s2, s1  }
0x5: {  	s1 =	sadd.s32 s1, s17  }
0x6: {  	[smem:$0x3FAF] =	sst s1  }
0x7: {  	_ = 	snop  }
0x8: {  	(tm) =	ssettm $0x1  }
0x9: {  	s18 =	sld [smem:$0x3FFB];
	_ =	sdelay $0x3  }
0xa: {  	_ =	strace s18  }
0xb: {  	s1 =	sld [smem:$0x3FFC];
	_ =	sdelay $0x3  }
0xc: {  	_ =	strace s1  }
0xd: {  	s1 =	sld [smem:$0x3FFD];
	_ =	sdelay $0x3  }
0xe: {  	_ =	strace s1  }
0xf: {  	_ =	strace $0x8FFFFFFF  }
0x10: {  	s19 =	sld [smem:$0x3FDB];
	_ =	sdelay $0x1  }
0x11: {  	s20 =	simm.s32 $_scs_section_size  }
0x12: {  	s4 =	simm.s32 $_size__tile_overlayer_lowered;
	s5 =	simm.s32 $_tile_overlayer_lowered  }
0x13: {  	s23 =	simm.s32 $0x1BFF;
	s22 =	sshll.u32 s5, $0x1;
	s1 =	sadd.s32 s20, s19  }
0x14: {  	s6 =	simm.s32 $0x0;
	s21 =	sshll.u32 s4, $0x1;
	s4 =	sadd.s32 s22, s1  }
0x15: {  	[timem:s6], [sflag:s23] =	dma.local [hbm:s4], s21  }
0x16: {  	_ =	swait.ge [sflag:s23], s21  }
0x17: {  	s2 =	ssub.s32 $0x0, s21;
	[sflag:s23] =	ssyncset.done $0x0  }
0x18: {  	[sflag:s23] =	ssyncadd.s32 s2;
	_ =	sdelay $0x1  }
0x19: {  	s24 =	simm.s32 $0x1B8B  }
0x1a: {  	_ =	swait.ge [sflag:s24], $0x1  }
0x1b: {  	[sflag:s24] =	ssyncset.done $0x0  }
0x1c: {  	s26 =	simm.s32 $0x1B8E;
	s25 =	sld [smem:$0x3FFE];
	[sflag:s24] =	ssyncadd.s32 $0xFFFFFFFF  }
0x1d: {  	s27 =	simm.s32 $execute0_lowered;
	[smem:$0x3FD2] =	sst s26  }
0x1e: {  	s4 =	sshll.u32 s27, $0x1;
	_ =	strace $0x80000046;
	[dreg:$0x1] =	wrdreg $0xFFFFFFFF  }
0x1f: {  	s28 =	simm.s32 $_size_execute0_lowered;
	s1 =	sadd.s32 s1, s4;
	[dreg:$0x0] =	wrdreg $0x0  }
0x20: {  	s4 =	sshll.u32 s28, $0x1;
	[dreg:$0x2] =	wrdreg s1  }
0x21: {  	[dreg:$0x3] =	wrdreg s4  }
0x22: {  	[dreg:$0x4] =	wrdreg $0xC0  }
0x23: {  	_ =	task [dreg:s6], $0x5FFFF  }
0x24: {  	[dreg:$0x1] =	wrdreg $0xFFFFFFFF  }
0x25: {  	[dreg:$0x0] =	wrdreg $0x60  }
0x26: {  	[dreg:$0x2] =	wrdreg s25  }
0x27: {  	[dreg:$0x3] =	wrdreg $0x9  }
0x28: {  	_ =	task.clear_ibuf [dreg:s6], $0x4FFFF;
	_ =	strace $0x90000046  }
0x29: {  	s29 =	simm.s32 $0x9;
	_ =	strace $0x80000048  }
0x2a: {  	_ =	swait.ge [sflag:s29], $0x1  }
0x2b: {  	[sflag:s29] =	ssyncadd.s32 $0xFFFFFFFF  }
0x2c: {  	_ =	strace $0x90000048  }
0x2d: {  	_ =	sfence  }
0x2e: {  	s30 =	sld [smem:$0x0];
	_ =	sdelay $0x2  }
0x2f: {  	s31 =	sshll.u32 s3, $0xD;
	s3 =	sshrl.u32 s3, $0x2  }
0x30: {  	s2 =	sand.u32 $0x4000, s31;
	s1 =	sadd.s32 s3, s30  }
0x31: {  	s0 =	sor.u32 s2, s0;
	s1 =	sshll.u32 s1, $0x11  }
0x32: {  	s0 =	sor.u32 s1, s0  }
0x33: {  	s0 =	sadd.s32 $0x8F2B, s0  }
0x34: {  	[sflag:s0] =	ssyncadd.remote.s32 $0x1  }
0x35: {  	_ =	sfence.sel $0xFFFF  }
0x36: {  	[dreg:$0x0] =	wrdreg $0xFFFFFFFF;
	(pc) =	sbr.abs _section_cstart, $3  }
0x37: {  	[dreg:$0x1] =	wrdreg $0xFFFFFFFF  }
0x38: {  	_ =	task.clear_ibuf [dreg:s6], $0x2FFFF;
	_ =	strace $0x9FFFFFFF  }
0x39: {  	(tm) =	ssettm $0x7FFFFFFF  }
tec
execute0_lowered:
.L_overlay_start_1:
0x0: {  	(tag) =	ssettag $0x1  }
0x1: {  	s0 =	stileid.u32;
	s1 =	srdreg.scid;
	s8 =	simm.s32 $0x2  }
0x2: {  	s16 =	simm.s32 $0x0;
	s2 =	sshll.u32 s0, $0x6;
	s1 =	sshll.u32 s1, $0xA  }
0x3: {  	s9 =	simm.s32 $0x4000;
	s14 =	simm.s32 $0x0;
	s1 =	sor.u32 s2, s1  }
0x4: {  	s15 =	simm.s32 $0x0;
	s10 =	simm.s32 $0x0;
	s1 =	sand.u32 $0x780, s1  }
0x5: {  	s13 =	simm.s32 $0x0;
	s2 =	sand.u32 $0x1, s0;
	s3 =	ssub.s32 $0x800, s1  }
0x6: {  	s4 =	ssub.s32 $0x2, s2;
	s12 =	smov.u32 s2;
	s5 =	sand.u32 $0x780, s3  }
0x7: {  	s6 =	sshrl.u32 s4, $0x1;
	p0 =	sne.s32 s5, $0x0;
	s5 =	simm.s32 $0x1  }
0x8: {  	s7 =	sand.u32 $0x1, s4;
	s3 =	sshrl.u32 s3, $0xB;
	s5 =	simm.s32 @!p0 $0x0  }
.Ltmp0:
0x9: {  	s6 =	sadd.s32 s7, s6;
	s5 =	sadd.s32 s5, s3;
	(pc) =	sbr.rel .LBB1_1-.Ltmp0, $4  }
0xa: {  	s4 =	rddreg [dreg:$0x0];
	s11 =	smov.u32 s1;
	s7 =	smul.u32 s5, s6  }
0xb: {  	s3 =	rddreg [dreg:$0x1];
	_ =	strace $0x80000047;
	s6 =	simm.s32 $0x1  }
0xc: {  	p0 =	por $0x0, $0x0;
	[sflag:s6] =	ssyncpa.u1 $0x0;
	s7 =	sshll.u32 s7, $0x4  }
0xd: {  	s5 =	sadd.s32 $0x100000, s4;
	[sflag:s8] =	ssyncpa.u1 $0x0;
	s8 =	sor.u32 $0x1, s7  }
.LBB1_4:
0xe: {  	v5 =	vld [tilespmem:s19+$0xFFFFFFD0]  }
0xf: {  	[tilespmem:s20+$0x2040 ss:$0x81] =	vst.msk $0xffff, v1;
	v58 =	vld [tilespmem:s19+$0xFFFFFFE0]  }
0x10: {  	[tilespmem:s20+$0x2850 ss:$0x81] =	vst.msk $0xffff, v2;
	v59 =	vld [tilespmem:s19+$0xFFFFFFF0]  }
0x11: {  	s21 =	sshra.s32 s21, $0x2;
	[tilespmem:s20+$0x3060 ss:$0x81] =	vst.msk $0xffff, v3;
	v60 =	vld [tilespmem:s19+$0x0]  }
0x12: {  	[tilespmem:s20+$0x0 ss:$0x81] =	vst.msk $0xffff, v0;
	v61 =	vld [tilespmem:s19+$0x10];
	s18 =	sadd.s32 s21, s18  }
0x13: {  	s26 =	sshll.u32 s16, $0xB;
	v62 =	vld [tilespmem:s19+$0x20];
	[tilespmem:s18+$0x3870 ss:$0x81] =	vst.msk $0xffff, v4  }
0x14: {  	s27 =	sand.u32 $0x78, s14;
	s22 =	sshll.u32 s14, $0x3;
	v63 =	vld [tilespmem:s19+$0xFFFFFFC0];
	s29 =	sshll.u32 s16, $0x7;
	[tilespmem:s18+$0x810 ss:$0x81] =	vst.msk $0xffff, v5  }
0x15: {  	s15 =	sshll.u32 s15, $0x13;
	s20 =	sand.u32 $0x3FC000, s26;
	s28 =	sand.u32 $0x3FFC00, s22;
	[tilespmem:s18+$0x1020 ss:$0x81] =	vst.msk $0xffff, v58  }
0x16: {  	s31 =	sand.u32 $0x7, s14;
	s22 =	sand.u32 $0x400, s22;
	s19 =	sadd.s32 s28, s20;
	[tilespmem:s18+$0x1830 ss:$0x81] =	vst.msk $0xffff, v59  }
0x17: {  	s16 =	sand.u32 $0x380, s29;
	s30 =	sor.u32 s27, s22;
	s19 =	sshrl.u32 s19, $0x3;
	[tilespmem:s18+$0x2040 ss:$0x81] =	vst.msk $0xffff, v60  }
0x18: {  	s15 =	sadd.s32 s5, s15;
	s16 =	sor.u32 s16, s30;
	s19 =	sand.u32 $0x7FF00, s19;
	[tilespmem:s18+$0x2850 ss:$0x81] =	vst.msk $0xffff, v61  }
0x19: {  	s14 =	sshll.u32 s31, $0x12;
	s16 =	sshrl.u32 s16, $0x3;
	[tilespmem:s18+$0x3060 ss:$0x81] =	vst.msk $0xffff, v62;
	s15 =	sadd.s32 s19, s15  }
0x1a: {  	s14 =	sor.u32 $0x400, s14;
	[tilespmem:s18+$0x0 ss:$0x81] =	vst.msk $0xffff, v63;
	s15 =	sadd.s32 s16, s15  }
0x1b: {  	[hbm4b:s15+s14] =	stream.strided.scatter [tilespmem:s17], [sflag:$0x2], $0x4000, s9, s14, $0x20;
	[tilespmem:$0x10100] =	vst v63  }
.LBB1_5:
0x1c: {  	s17 =	sadd.s32 $0x80, s10  }
0x1d: {  	s14 =	sadd.s32 $0x800, s11;
	s18 =	smov.u32 s11;
	p2 =	sgt.s32 s17, $0x7FF  }
0x1e: {  	s18 =	smov.u32 @p2 s14  }
0x1f: {  	s20 =	smov.u32 s12;
	s14 =	sadd.s32 $0x2, s12;
	p3 =	sgt.s32 s18, $0x7FF  }
0x20: {  	s20 =	smov.u32 @p3 s14  }
0x21: {  	s17 =	simm.s32 @p2 $0x0;
	p2 =	sgt.s32 s20, $0x1  }
0x22: {  	p1 =	slt.u32 s13, $0x2;
	s20 =	smov.u32 @p2 s2;
	p2 =	sne.s32 s13, s8  }
.Ltmp1:
0x23: {  	s19 =	simm.s32 @!p1 $0x2;
	(pc) =	sbr.rel @!p2 .LBB1_6-.Ltmp1, $4  }
0x24: {  	s16 =	smov.u32 s10;
	s15 =	smov.u32 s12;
	_ =	swait.ge @!p1 [sflag:s19], $0x4000  }
0x25: {  	p0 =	por !p0, !p0;
	[sflag:s19] =	ssyncset.done @!p1 $0x0;
	s10 =	smov.u32 s17  }
0x26: {  	s18 =	smov.u32 @p3 s1;
	s14 =	smov.u32 s11;
	[sflag:s19] =	ssyncadd.s32 @!p1 $0xFFFFC000  }
0x27: {  	s11 =	smov.u32 s18;
	s13 =	sadd.s32 $0x1, s13;
	s12 =	smov.u32 s20  }
.LBB1_1:
0x28: {  	p1 =	sge.u32 s13, s7;
	s31 =	sadd.s32 $0xFFFFFFFF, s13  }
0x29: {  	s17 =	sxor.u32 @!p1 $0xFFFFFFFF, s13;
	s18 =	sand.u32 @!p1 $0x78, s10;
	s19 =	sshll.u32 @!p1 s11, $0xB  }
0x2a: {  	s20 =	sshll.u32 @!p1 s11, $0x7;
	s21 =	sshll.u32 @!p1 s10, $0x3;
	s17 =	sshll.u32 @!p1 s17, $0xE  }
0x2b: {  	s19 =	sand.u32 @!p1 $0x3FC000, s19;
	s20 =	sand.u32 @!p1 $0x380, s20;
	s17 =	sand.u32 @!p1 $0x4000, s17  }
0x2c: {  	s19 =	sadd.s32 @!p1 s19, s21;
	s21 =	sand.u32 @!p1 $0x400, s21;
	s18 =	sor.u32 @!p1 s20, s18  }
0x2d: {  	s20 =	sshll.u32 @!p1 s12, $0x13;
	s18 =	sor.u32 @!p1 s21, s18;
	s19 =	sshrl.u32 @!p1 s19, $0x3  }
0x2e: {  	s20 =	sadd.s32 @!p1 s4, s20;
	s21 =	sand.u32 @!p1 $0x7, s10;
	s19 =	sand.u32 @!p1 $0x7FF00, s19  }
0x2f: {  	s18 =	sshrl.u32 @!p1 s18, $0x3;
	s19 =	sadd.s32 @!p1 s19, s20;
	s20 =	sshll.u32 @!p1 s21, $0x12  }
0x30: {  	s18 =	sadd.s32 @!p1 s18, s19;
	s19 =	sor.u32 @!p1 $0x400, s20;
	s20 =	simm.s32 @!p1 $0x4000  }
0x31: {  	[tilespmem:s17], [sflag:$0x1] =	stream.strided.gather @!p1 [hbm4b:s18+s19], $0x4000, s20, s19, $0x38;
	[tilespmem:$0x10100] =	vst v63  }
0x32: {  	p1 =	sge.u32 s31, s7  }
.Ltmp2:
0x33: {  	_ = 	snop;
	(pc) =	sbr.rel @p1 .LBB1_5-.Ltmp2, $1  }
0x34: {  	_ =	sdelay $0x3  }
0x35: {  	s17 =	simm.s32 $0x1  }
0x36: {  	_ =	swait.ge [sflag:s6], $0x4000;
	s17 =	simm.s32 @!p0 $0x0  }
0x37: {  	[sflag:s6] =	ssyncset.done $0x0;
	s18 =	sshll.u32 s17, $0xE  }
0x38: {  	[sflag:s6] =	ssyncadd.s32 $0xFFFFC000;
	s19 =	sor.u32 $0x40, s18  }
0x39: {  	s17 =	smul.u32 $0x10200, s17;
	v0 =	vld [tilespmem:s19+$0x30]  }
0x3a: {  	v3 =	vld [tilespmem:s19+$0xFFFFFFD0]  }
0x3b: {  	s17 =	sshrl.u32 s17, $0x2;
	v4 =	vld [tilespmem:s19+$0xFFFFFFE0]  }
0x3c: {  	v5 =	vld [tilespmem:s19+$0xFFFFFFF0];
	s18 =	sor.u32 $0x8000, s17  }
0x3d: {  	s31 =	sand.u32 $0x1, s13;
	v1 =	vld [tilespmem:s19+$0x0];
	s20 =	sadd.s32 $0x0, s18  }
0x3e: {  	v2 =	vld [tilespmem:s19+$0x10];
	s17 =	smul.u32 $0x10200, s31;
	[tilespmem:s20+$0x3870 ss:$0x81] =	vst.msk $0xffff, v0  }
0x3f: {  	[tilespmem:s20+$0x810 ss:$0x81] =	vst.msk $0xffff, v3;
	v3 =	vld [tilespmem:s19+$0x20]  }
0x40: {  	s17 =	sshrl.u32 s17, $0x2;
	v0 =	vld [tilespmem:s19+$0xFFFFFFC0];
	[tilespmem:s20+$0x1020 ss:$0x81] =	vst.msk $0xffff, v4;
	s19 =	sadd.s32 $0x80, s19  }
0x41: {  	s21 =	simm.s32 $0x4;
	s22 =	simm.s32 $0x8;
	s17 =	sor.u32 $0x8000, s17;
	[tilespmem:s20+$0x1830 ss:$0x81] =	vst.msk $0xffff, v5;
	v4 =	vld [tilespmem:s19+$0x30]  }
.LBB1_3:
0x42: {  	p1 =	sne.s32 s22, $0x1FC;
	v5 =	vld [tilespmem:s19+$0xFFFFFFD0];
	[tilespmem:s20+$0x2040 ss:$0x81] =	vst.msk $0xffff, v1  }
0x43: {  	v6 =	vld [tilespmem:s19+$0xFFFFFFE0];
	[tilespmem:s20+$0x2850 ss:$0x81] =	vst.msk $0xffff, v2  }
0x44: {  	s23 =	sshra.s32 s21, $0x2;
	s21 =	smov.u32 s22;
	v7 =	vld [tilespmem:s19+$0xFFFFFFF0];
	[tilespmem:s20+$0x3060 ss:$0x81] =	vst.msk $0xffff, v3  }
.Ltmp3:
0x45: {  	v1 =	vld [tilespmem:s19+$0x0];
	[tilespmem:s20+$0x0 ss:$0x81] =	vst.msk $0xffff, v0;
	s20 =	sadd.s32 s23, s18;
	(pc) =	sbr.rel @p1 .LBB1_3-.Ltmp3, $4  }
0x46: {  	v2 =	vld [tilespmem:s19+$0x10];
	[tilespmem:s20+$0x3870 ss:$0x81] =	vst.msk $0xffff, v4  }
0x47: {  	[tilespmem:s20+$0x810 ss:$0x81] =	vst.msk $0xffff, v5;
	v3 =	vld [tilespmem:s19+$0x20]  }
0x48: {  	v0 =	vld [tilespmem:s19+$0xFFFFFFC0];
	[tilespmem:s20+$0x1020 ss:$0x81] =	vst.msk $0xffff, v6;
	s19 =	sadd.s32 $0x80, s19  }
0x49: {  	s22 =	sadd.s32 $0x4, s22;
	v4 =	vld [tilespmem:s19+$0x30];
	[tilespmem:s20+$0x1830 ss:$0x81] =	vst.msk $0xffff, v7  }
.Ltmp4:
0x4a: {  	_ = 	snop;
	(pc) =	sbr.rel .LBB1_4-.Ltmp4, $1  }
0x4b: {  	_ =	sdelay $0x3  }
.LBB1_6:
0x4c: {  	_ =	sfence.sel $0x180000  }
0x4d: {  	s1 =	simm.s32 $0x1;
	[bflag:$0x0] =	sbarrier.arrive $0xFFFF  }
0x4e: {  	s31 =	simm.s32 $0x2;
	[sflag:s1] =	ssyncpa.u1 $0x1  }
0x4f: {  	[sflag:s31] =	ssyncpa.u1 $0x1  }
0x50: {  	p0 =	sne.s32 s0, $0x0;
	_ =	strace $0x90000047  }
0x51: {  	s0 =	sadd.s32 @!p0 $0x100000, s3;
	[bflag:$0x2] =	sbarrier.arrive $0xFFFF  }
0x52: {  	[sflag:s0] =	ssyncadd.tile.s32 @!p0 $0x1;
	_ =	shalt  }
.Lfunc_end1:
_tile_overlayer_lowered:
.L_overlay_start_2:
0x53: {  	(tag) =	ssettag $0x2  }
0x54: {  	s0 =	rddreg [dreg:$0x0];
	s2 =	stileid.u32  }
0x55: {  	s1 =	rddreg [dreg:$0x1];
	p0 =	sne.s32 s2, $0x0  }
0x56: {  	s3 =	rddreg [dreg:$0x2];
	[bflag:$0x3] =	sbarrier.arrive $0xFFFF;
	s2 =	simm.s32 @!p0 $0x1C01  }
0x57: {  	[timem:s3], [sflag:s2] =	dma.local @!p0 [hbm:s0], s1  }
0x58: {  	s0 =	simm.s32 @!p0 $0x1  }
0x59: {  	_ =	swait.ge @!p0 [sflag:s0], s1  }
0x5a: {  	s1 =	ssub.s32 @!p0 $0x0, s1;
	[sflag:s0] =	ssyncset.done @!p0 $0x0  }
0x5b: {  	[sflag:s0] =	ssyncadd.s32 @!p0 s1  }
0x5c: {  	[bflag:$0x3] =	sbarrier.arrive $0xFFFF  }
0x5d: {  	_ =	shalt  }

</sc_bundles>
